<compile_context>
chip_gen: v7x
topology: tpu7x:2x2x1
jax: 0.10.2.dev20260603
libtpu: 0.0.44.dev20260713+nightly
codegen_flags: <defaults>
</compile_context>

<pallas_src>
import functools

import jax
import jax.numpy as jnp
from jax import lax
from jax.experimental import pallas as pl
from jax.experimental.pallas import tpu as pltpu
from jax.experimental.pallas import tpu_sc as plsc

_VOCAB = 1000
_VSTRIDE = 1000
_NTROW = _VOCAB // 8
_BATCH = 16384
_NC = 2
_NS = 16
_NW = _NC * _NS
_VPW = 32
_NOCT = 4
_BC = 1024
_NBC = _BATCH // _BC

_mesh = plsc.VectorSubcoreMesh(core_axis_name="c", subcore_axis_name="s")


@functools.partial(
    pl.kernel,
    out_type=jax.ShapeDtypeStruct((_NTROW, 8, _BATCH), jnp.float32),
    mesh=_mesh,
    scratch_types=[
        pltpu.VMEM((_BATCH,), jnp.int32),
        pltpu.VMEM((_VPW * _VSTRIDE,), jnp.float32),
        pltpu.VMEM((2, _NOCT, 8, _BC), jnp.float32),
        pltpu.SemaphoreType.DMA,
        pltpu.SemaphoreType.DMA,
    ],
    compiler_params=pltpu.CompilerParams(needs_layout_passes=False),
)
def _tgather_kernel(tab_hbm, idx_hbm, out_hbm, idx_l, tab_l, bufs, sem0, sem1):
    wid = lax.axis_index("s") * _NC + lax.axis_index("c")
    v0 = wid * _VPW
    t0 = wid * _NOCT
    full = t0 + _NOCT <= _NTROW
    sems = (sem0, sem1)
    pltpu.sync_copy(idx_hbm, idx_l)
    for k in range(_NOCT):
        @pl.when(t0 + k < _NTROW)
        def _load(k=k):
            pltpu.sync_copy(
                tab_hbm.at[pl.ds((v0 + k * 8) * _VSTRIDE, 8 * _VSTRIDE)],
                tab_l.at[pl.ds(k * 8 * _VSTRIDE, 8 * _VSTRIDE)],
            )

    def store_descs(par, b0):
        descs = [(
            full,
            bufs.at[par],
            out_hbm.at[pl.ds(t0, _NOCT), :, pl.ds(b0, _BC)],
            sems[par],
        )]
        for k in range(_NOCT):
            descs.append((
                jnp.logical_and(jnp.logical_not(full), t0 + k < _NTROW),
                bufs.at[par, k],
                out_hbm.at[t0 + k, :, pl.ds(b0, _BC)],
                sems[par],
            ))
        return descs

    def do_chunk(bc2, par, drain):
        b0 = pl.multiple_of((2 * bc2 + par) * _BC, _BC)

        @pl.when(drain)
        def _drain():
            for cond, src, dst, sem in store_descs(par, b0):
                @pl.when(cond)
                def _w(src=src, dst=dst, sem=sem):
                    pltpu.make_async_copy(src, dst, sem).wait()

        @plsc.parallel_loop(0, _BC // 16, unroll=1)
        def body(b16):
            idxv = idx_l[pl.ds(b0 + b16 * 16, 16)]
            for vl in range(_VPW):
                x = plsc.load_gather(tab_l, [idxv + vl * _VSTRIDE])
                bufs[par, vl // 8, vl % 8, pl.ds(b16 * 16, 16)] = x

        for cond, src, dst, sem in store_descs(par, b0):
            @pl.when(cond)
            def _s(src=src, dst=dst, sem=sem):
                pltpu.async_copy(src, dst, sem)

    def chunk_body(bc2, carry):
        do_chunk(bc2, 0, bc2 >= 1)
        do_chunk(bc2, 1, bc2 >= 1)
        return carry

    lax.fori_loop(0, _NBC // 2, chunk_body, 0)

    for par in (0, 1):
        b0 = (_NBC - 2 + par) * _BC
        for cond, src, dst, sem in store_descs(par, b0):
            @pl.when(cond)
            def _w(src=src, dst=dst, sem=sem):
                pltpu.make_async_copy(src, dst, sem).wait()


def kernel(idx, embedding):
    out3 = _tgather_kernel(embedding.T.reshape(-1), idx)
    return out3.reshape(_VOCAB, _BATCH).T

# --- scband reference (transcript-rebuilt; emitter-appended) ---
"""Pipeline reference for scband-bigram-5342939316585 (READ-ONLY COPY).

The authoritative reference and input builder live on the scoring server;
editing this copy changes nothing except your own understanding.
"""

import jax, jax.numpy as jnp
import numpy as np

VOCAB = 1000
BATCH = 16384

def setup_inputs(seed: int = 0) -> dict:
    key = jax.random.key(seed)
    k_idx, k_emb = jax.random.split(key)
    idx = jax.random.randint(k_idx, (BATCH,), 0, VOCAB, dtype=jnp.int64 if jax.config.jax_enable_x64 else jnp.int32).astype(jnp.int32)
    embedding = jax.random.normal(k_emb, (VOCAB, VOCAB), dtype=jnp.float32)
    return {"idx": idx, "embedding": embedding}

def reference(idx, embedding):
    # Faithful translation of Bigram.forward with target=None:
    #   x = self.embedding(idx)  -> row gather from [vocab, vocab] table
    #   loss = None
    x = jnp.take(embedding, idx, axis=0)
    return x

if __name__ == "__main__":
    import jax
    _d = setup_inputs()
    print(jax.jit(kernel)(*tuple(_d.values())))

</pallas_src>

<mosaic_0001>
#map = affine_map<(d0, d1) -> (0)>
#map1 = affine_map<(d0, d1) -> (0, 0, 0)>
module attributes {stable_mosaic.version = 14 : i64} {
  func.func @_tgather_kernel(%arg0: i32, %arg1: i32, %arg2: memref<1000000xf32, #tpu.memory_space<hbm>>, %arg3: memref<16384xi32, #tpu.memory_space<hbm>>, %arg4: memref<125x8x16384xf32, #tpu.memory_space<hbm>>, %arg5: memref<16384xi32, #tpu.memory_space<vmem>>, %arg6: memref<32000xf32, #tpu.memory_space<vmem>>, %arg7: memref<2x4x8x1024xf32, #tpu.memory_space<vmem>>, %arg8: memref<!tpu.dma_semaphore, #tpu.memory_space<semaphore_mem>>, %arg9: memref<!tpu.dma_semaphore, #tpu.memory_space<semaphore_mem>>) attributes {dimension_semantics = [#tpu.dimension_semantics<core_parallel>, #tpu.dimension_semantics<subcore_parallel>], iteration_bounds = array<i64: 2, 16>, scalar_prefetch = 0 : i64, scratch_operands = 5 : i64, tpu.core_type = #tpu.core_type<sc_vector_subcore>, window_params = [{transform_indices = #map}, {transform_indices = #map}, {transform_indices = #map1}]} {
    %mul3A = arith.constant 2 : i32
    %mul3A_0 = arith.muli %arg1, %mul3A : i32
    %add3A = arith.addi %mul3A_0, %arg0 : i32
    %mul3A_1 = arith.constant 32 : i32
    %mul3A_2 = arith.muli %add3A, %mul3A_1 : i32
    %mul3A_3 = arith.constant 4 : i32
    %mul3A_4 = arith.muli %add3A, %mul3A_3 : i32
    %add3A_5 = arith.constant 4 : i32
    %add3A_6 = arith.addi %mul3A_4, %add3A_5 : i32
    %le3A = arith.constant 125 : i32
    %le3A_7 = arith.cmpi sle, %add3A_6, %le3A : i32
    "tpu.region"() ({
      %run_scoped3A = tpu.sem_alloc : memref<!tpu.dma_semaphore, #tpu.memory_space<semaphore_mem>>
      tpu.enqueue_dma source(%arg3 : memref<16384xi32, #tpu.memory_space<hbm>>) target(%arg5 : memref<16384xi32, #tpu.memory_space<vmem>>) target_semaphore(%run_scoped3A : memref<!tpu.dma_semaphore, #tpu.memory_space<semaphore_mem>>)
      tpu.wait_dma2 semaphore(%run_scoped3A : memref<!tpu.dma_semaphore, #tpu.memory_space<semaphore_mem>>) src(%arg3 : memref<16384xi32, #tpu.memory_space<hbm>>) dst(%arg5 : memref<16384xi32, #tpu.memory_space<vmem>>)
      tpu.yield
    }) : () -> ()
    %add3A_8 = arith.constant 0 : i32
    %add3A_9 = arith.addi %mul3A_4, %add3A_8 : i32
    %lt3A = arith.constant 125 : i32
    %lt3A_10 = arith.cmpi slt, %add3A_9, %lt3A : i32
    %convert_element_type3A = arith.extui %lt3A_10 : i1 to i32
    %cond3A = arith.constant 0 : i32
    %cond3A_11 = arith.cmpi ne, %convert_element_type3A, %cond3A : i32
    scf.if %cond3A_11 {
      %add3A_156 = arith.constant 0 : i32
      %add3A_157 = arith.addi %mul3A_2, %add3A_156 : i32
      %mul3A_158 = arith.constant 1000 : i32
      %mul3A_159 = arith.muli %add3A_157, %mul3A_158 : i32
      "tpu.region"() ({
        %run_scoped3A = tpu.sem_alloc : memref<!tpu.dma_semaphore, #tpu.memory_space<semaphore_mem>>
        %dma_start3A = arith.constant 0 : i32
        %dma_start3A_160 = tpu.memref_slice %arg6[%dma_start3A] : memref<32000xf32, #tpu.memory_space<vmem>> -> memref<8000xf32, #tpu.memory_space<vmem>>
        %dma_start3A_161 = tpu.memref_slice %arg2[%mul3A_159] : memref<1000000xf32, #tpu.memory_space<hbm>> -> memref<8000xf32, #tpu.memory_space<hbm>>
        %dma_start3A_162 = arith.constant 0 : i32
        %dma_start3A_163 = tpu.memref_slice %arg6[%dma_start3A_162] : memref<32000xf32, #tpu.memory_space<vmem>> -> memref<8000xf32, #tpu.memory_space<vmem>>
        %dma_start3A_164 = tpu.memref_slice %arg2[%mul3A_159] : memref<1000000xf32, #tpu.memory_space<hbm>> -> memref<8000xf32, #tpu.memory_space<hbm>>
        tpu.enqueue_dma source(%dma_start3A_164 : memref<8000xf32, #tpu.memory_space<hbm>>) target(%dma_start3A_163 : memref<8000xf32, #tpu.memory_space<vmem>>) target_semaphore(%run_scoped3A : memref<!tpu.dma_semaphore, #tpu.memory_space<semaphore_mem>>)
        %dma_wait3A = arith.constant 0 : i32
        %dma_wait3A_165 = tpu.memref_slice %arg6[%dma_wait3A] : memref<32000xf32, #tpu.memory_space<vmem>> -> memref<8000xf32, #tpu.memory_space<vmem>>
        %dma_wait3A_166 = tpu.memref_slice %arg2[%mul3A_159] : memref<1000000xf32, #tpu.memory_space<hbm>> -> memref<8000xf32, #tpu.memory_space<hbm>>
        %dma_wait3A_167 = arith.constant 0 : i32
        %dma_wait3A_168 = tpu.memref_slice %arg6[%dma_wait3A_167] : memref<32000xf32, #tpu.memory_space<vmem>> -> memref<8000xf32, #tpu.memory_space<vmem>>
        %dma_wait3A_169 = tpu.memref_slice %arg2[%mul3A_159] : memref<1000000xf32, #tpu.memory_space<hbm>> -> memref<8000xf32, #tpu.memory_space<hbm>>
        tpu.wait_dma2 semaphore(%run_scoped3A : memref<!tpu.dma_semaphore, #tpu.memory_space<semaphore_mem>>) src(%dma_wait3A_169 : memref<8000xf32, #tpu.memory_space<hbm>>) dst(%dma_wait3A_168 : memref<8000xf32, #tpu.memory_space<vmem>>)
        tpu.yield
      }) : () -> ()
    } else {
    }
    %add3A_12 = arith.constant 1 : i32
    %add3A_13 = arith.addi %mul3A_4, %add3A_12 : i32
    %lt3A_14 = arith.constant 125 : i32
    %lt3A_15 = arith.cmpi slt, %add3A_13, %lt3A_14 : i32
    %convert_element_type3A_16 = arith.extui %lt3A_15 : i1 to i32
    %cond3A_17 = arith.constant 0 : i32
    %cond3A_18 = arith.cmpi ne, %convert_element_type3A_16, %cond3A_17 : i32
    scf.if %cond3A_18 {
      %add3A_156 = arith.constant 8 : i32
      %add3A_157 = arith.addi %mul3A_2, %add3A_156 : i32
      %mul3A_158 = arith.constant 1000 : i32
      %mul3A_159 = arith.muli %add3A_157, %mul3A_158 : i32
      "tpu.region"() ({
        %run_scoped3A = tpu.sem_alloc : memref<!tpu.dma_semaphore, #tpu.memory_space<semaphore_mem>>
        %dma_start3A = arith.constant 8000 : i32
        %dma_start3A_160 = tpu.memref_slice %arg6[%dma_start3A] : memref<32000xf32, #tpu.memory_space<vmem>> -> memref<8000xf32, #tpu.memory_space<vmem>>
        %dma_start3A_161 = tpu.memref_slice %arg2[%mul3A_159] : memref<1000000xf32, #tpu.memory_space<hbm>> -> memref<8000xf32, #tpu.memory_space<hbm>>
        %dma_start3A_162 = arith.constant 8000 : i32
        %dma_start3A_163 = tpu.memref_slice %arg6[%dma_start3A_162] : memref<32000xf32, #tpu.memory_space<vmem>> -> memref<8000xf32, #tpu.memory_space<vmem>>
        %dma_start3A_164 = tpu.memref_slice %arg2[%mul3A_159] : memref<1000000xf32, #tpu.memory_space<hbm>> -> memref<8000xf32, #tpu.memory_space<hbm>>
        tpu.enqueue_dma source(%dma_start3A_164 : memref<8000xf32, #tpu.memory_space<hbm>>) target(%dma_start3A_163 : memref<8000xf32, #tpu.memory_space<vmem>>) target_semaphore(%run_scoped3A : memref<!tpu.dma_semaphore, #tpu.memory_space<semaphore_mem>>)
        %dma_wait3A = arith.constant 8000 : i32
        %dma_wait3A_165 = tpu.memref_slice %arg6[%dma_wait3A] : memref<32000xf32, #tpu.memory_space<vmem>> -> memref<8000xf32, #tpu.memory_space<vmem>>
        %dma_wait3A_166 = tpu.memref_slice %arg2[%mul3A_159] : memref<1000000xf32, #tpu.memory_space<hbm>> -> memref<8000xf32, #tpu.memory_space<hbm>>
        %dma_wait3A_167 = arith.constant 8000 : i32
        %dma_wait3A_168 = tpu.memref_slice %arg6[%dma_wait3A_167] : memref<32000xf32, #tpu.memory_space<vmem>> -> memref<8000xf32, #tpu.memory_space<vmem>>
        %dma_wait3A_169 = tpu.memref_slice %arg2[%mul3A_159] : memref<1000000xf32, #tpu.memory_space<hbm>> -> memref<8000xf32, #tpu.memory_space<hbm>>
        tpu.wait_dma2 semaphore(%run_scoped3A : memref<!tpu.dma_semaphore, #tpu.memory_space<semaphore_mem>>) src(%dma_wait3A_169 : memref<8000xf32, #tpu.memory_space<hbm>>) dst(%dma_wait3A_168 : memref<8000xf32, #tpu.memory_space<vmem>>)
        tpu.yield
      }) : () -> ()
    } else {
    }
    %add3A_19 = arith.constant 2 : i32
    %add3A_20 = arith.addi %mul3A_4, %add3A_19 : i32
    %lt3A_21 = arith.constant 125 : i32
    %lt3A_22 = arith.cmpi slt, %add3A_20, %lt3A_21 : i32
    %convert_element_type3A_23 = arith.extui %lt3A_22 : i1 to i32
    %cond3A_24 = arith.constant 0 : i32
    %cond3A_25 = arith.cmpi ne, %convert_element_type3A_23, %cond3A_24 : i32
    scf.if %cond3A_25 {
      %add3A_156 = arith.constant 16 : i32
      %add3A_157 = arith.addi %mul3A_2, %add3A_156 : i32
      %mul3A_158 = arith.constant 1000 : i32
      %mul3A_159 = arith.muli %add3A_157, %mul3A_158 : i32
      "tpu.region"() ({
        %run_scoped3A = tpu.sem_alloc : memref<!tpu.dma_semaphore, #tpu.memory_space<semaphore_mem>>
        %dma_start3A = arith.constant 16000 : i32
        %dma_start3A_160 = tpu.memref_slice %arg6[%dma_start3A] : memref<32000xf32, #tpu.memory_space<vmem>> -> memref<8000xf32, #tpu.memory_space<vmem>>
        %dma_start3A_161 = tpu.memref_slice %arg2[%mul3A_159] : memref<1000000xf32, #tpu.memory_space<hbm>> -> memref<8000xf32, #tpu.memory_space<hbm>>
        %dma_start3A_162 = arith.constant 16000 : i32
        %dma_start3A_163 = tpu.memref_slice %arg6[%dma_start3A_162] : memref<32000xf32, #tpu.memory_space<vmem>> -> memref<8000xf32, #tpu.memory_space<vmem>>
        %dma_start3A_164 = tpu.memref_slice %arg2[%mul3A_159] : memref<1000000xf32, #tpu.memory_space<hbm>> -> memref<8000xf32, #tpu.memory_space<hbm>>
        tpu.enqueue_dma source(%dma_start3A_164 : memref<8000xf32, #tpu.memory_space<hbm>>) target(%dma_start3A_163 : memref<8000xf32, #tpu.memory_space<vmem>>) target_semaphore(%run_scoped3A : memref<!tpu.dma_semaphore, #tpu.memory_space<semaphore_mem>>)
        %dma_wait3A = arith.constant 16000 : i32
        %dma_wait3A_165 = tpu.memref_slice %arg6[%dma_wait3A] : memref<32000xf32, #tpu.memory_space<vmem>> -> memref<8000xf32, #tpu.memory_space<vmem>>
        %dma_wait3A_166 = tpu.memref_slice %arg2[%mul3A_159] : memref<1000000xf32, #tpu.memory_space<hbm>> -> memref<8000xf32, #tpu.memory_space<hbm>>
        %dma_wait3A_167 = arith.constant 16000 : i32
        %dma_wait3A_168 = tpu.memref_slice %arg6[%dma_wait3A_167] : memref<32000xf32, #tpu.memory_space<vmem>> -> memref<8000xf32, #tpu.memory_space<vmem>>
        %dma_wait3A_169 = tpu.memref_slice %arg2[%mul3A_159] : memref<1000000xf32, #tpu.memory_space<hbm>> -> memref<8000xf32, #tpu.memory_space<hbm>>
        tpu.wait_dma2 semaphore(%run_scoped3A : memref<!tpu.dma_semaphore, #tpu.memory_space<semaphore_mem>>) src(%dma_wait3A_169 : memref<8000xf32, #tpu.memory_space<hbm>>) dst(%dma_wait3A_168 : memref<8000xf32, #tpu.memory_space<vmem>>)
        tpu.yield
      }) : () -> ()
    } else {
    }
    %add3A_26 = arith.constant 3 : i32
    %add3A_27 = arith.addi %mul3A_4, %add3A_26 : i32
    %lt3A_28 = arith.constant 125 : i32
    %lt3A_29 = arith.cmpi slt, %add3A_27, %lt3A_28 : i32
    %convert_element_type3A_30 = arith.extui %lt3A_29 : i1 to i32
    %cond3A_31 = arith.constant 0 : i32
    %cond3A_32 = arith.cmpi ne, %convert_element_type3A_30, %cond3A_31 : i32
    scf.if %cond3A_32 {
      %add3A_156 = arith.constant 24 : i32
      %add3A_157 = arith.addi %mul3A_2, %add3A_156 : i32
      %mul3A_158 = arith.constant 1000 : i32
      %mul3A_159 = arith.muli %add3A_157, %mul3A_158 : i32
      "tpu.region"() ({
        %run_scoped3A = tpu.sem_alloc : memref<!tpu.dma_semaphore, #tpu.memory_space<semaphore_mem>>
        %dma_start3A = arith.constant 24000 : i32
        %dma_start3A_160 = tpu.memref_slice %arg6[%dma_start3A] : memref<32000xf32, #tpu.memory_space<vmem>> -> memref<8000xf32, #tpu.memory_space<vmem>>
        %dma_start3A_161 = tpu.memref_slice %arg2[%mul3A_159] : memref<1000000xf32, #tpu.memory_space<hbm>> -> memref<8000xf32, #tpu.memory_space<hbm>>
        %dma_start3A_162 = arith.constant 24000 : i32
        %dma_start3A_163 = tpu.memref_slice %arg6[%dma_start3A_162] : memref<32000xf32, #tpu.memory_space<vmem>> -> memref<8000xf32, #tpu.memory_space<vmem>>
        %dma_start3A_164 = tpu.memref_slice %arg2[%mul3A_159] : memref<1000000xf32, #tpu.memory_space<hbm>> -> memref<8000xf32, #tpu.memory_space<hbm>>
        tpu.enqueue_dma source(%dma_start3A_164 : memref<8000xf32, #tpu.memory_space<hbm>>) target(%dma_start3A_163 : memref<8000xf32, #tpu.memory_space<vmem>>) target_semaphore(%run_scoped3A : memref<!tpu.dma_semaphore, #tpu.memory_space<semaphore_mem>>)
        %dma_wait3A = arith.constant 24000 : i32
        %dma_wait3A_165 = tpu.memref_slice %arg6[%dma_wait3A] : memref<32000xf32, #tpu.memory_space<vmem>> -> memref<8000xf32, #tpu.memory_space<vmem>>
        %dma_wait3A_166 = tpu.memref_slice %arg2[%mul3A_159] : memref<1000000xf32, #tpu.memory_space<hbm>> -> memref<8000xf32, #tpu.memory_space<hbm>>
        %dma_wait3A_167 = arith.constant 24000 : i32
        %dma_wait3A_168 = tpu.memref_slice %arg6[%dma_wait3A_167] : memref<32000xf32, #tpu.memory_space<vmem>> -> memref<8000xf32, #tpu.memory_space<vmem>>
        %dma_wait3A_169 = tpu.memref_slice %arg2[%mul3A_159] : memref<1000000xf32, #tpu.memory_space<hbm>> -> memref<8000xf32, #tpu.memory_space<hbm>>
        tpu.wait_dma2 semaphore(%run_scoped3A : memref<!tpu.dma_semaphore, #tpu.memory_space<semaphore_mem>>) src(%dma_wait3A_169 : memref<8000xf32, #tpu.memory_space<hbm>>) dst(%dma_wait3A_168 : memref<8000xf32, #tpu.memory_space<vmem>>)
        tpu.yield
      }) : () -> ()
    } else {
    }
    %scan3A = arith.constant 0 : i32
    %scan3A_33 = arith.constant 0 : i32
    %scan3A_34 = arith.constant 8 : i32
    %scan3A_35 = arith.addi %scan3A_33, %scan3A_34 : i32
    %scan3A_36 = arith.constant 1 : i32
    scf.for %scan3A_156 = %scan3A_33 to %scan3A_35 step %scan3A_36  : i32 {
      %ge3A = arith.constant 1 : i32
      %ge3A_157 = arith.cmpi sge, %scan3A_156, %ge3A : i32
      %mul3A_158 = arith.constant 2 : i32
      %mul3A_159 = arith.muli %mul3A_158, %scan3A_156 : i32
      %add3A_160 = arith.constant 0 : i32
      %add3A_161 = arith.addi %mul3A_159, %add3A_160 : i32
      %mul3A_162 = arith.constant 1024 : i32
      %mul3A_163 = arith.muli %add3A_161, %mul3A_162 : i32
      %multiple_of3A = tpu.assume_multiple %mul3A_163, 1024 : i32
      %convert_element_type3A_164 = arith.extui %ge3A_157 : i1 to i32
      %cond3A_165 = arith.constant 0 : i32
      %cond3A_166 = arith.cmpi ne, %convert_element_type3A_164, %cond3A_165 : i32
      scf.if %cond3A_166 {
        %not3A_304 = arith.constant true
        %not3A_305 = arith.xori %le3A_7, %not3A_304 : i1
        %add3A_306 = arith.constant 0 : i32
        %add3A_307 = arith.addi %mul3A_4, %add3A_306 : i32
        %lt3A_308 = arith.constant 125 : i32
        %lt3A_309 = arith.cmpi slt, %add3A_307, %lt3A_308 : i32
        %and3A_310 = arith.andi %not3A_305, %lt3A_309 : i1
        %add3A_311 = arith.constant 0 : i32
        %add3A_312 = arith.addi %mul3A_4, %add3A_311 : i32
        %not3A_313 = arith.constant true
        %not3A_314 = arith.xori %le3A_7, %not3A_313 : i1
        %add3A_315 = arith.constant 1 : i32
        %add3A_316 = arith.addi %mul3A_4, %add3A_315 : i32
        %lt3A_317 = arith.constant 125 : i32
        %lt3A_318 = arith.cmpi slt, %add3A_316, %lt3A_317 : i32
        %and3A_319 = arith.andi %not3A_314, %lt3A_318 : i1
        %add3A_320 = arith.constant 1 : i32
        %add3A_321 = arith.addi %mul3A_4, %add3A_320 : i32
        %not3A_322 = arith.constant true
        %not3A_323 = arith.xori %le3A_7, %not3A_322 : i1
        %add3A_324 = arith.constant 2 : i32
        %add3A_325 = arith.addi %mul3A_4, %add3A_324 : i32
        %lt3A_326 = arith.constant 125 : i32
        %lt3A_327 = arith.cmpi slt, %add3A_325, %lt3A_326 : i32
        %and3A_328 = arith.andi %not3A_323, %lt3A_327 : i1
        %add3A_329 = arith.constant 2 : i32
        %add3A_330 = arith.addi %mul3A_4, %add3A_329 : i32
        %not3A_331 = arith.constant true
        %not3A_332 = arith.xori %le3A_7, %not3A_331 : i1
        %add3A_333 = arith.constant 3 : i32
        %add3A_334 = arith.addi %mul3A_4, %add3A_333 : i32
        %lt3A_335 = arith.constant 125 : i32
        %lt3A_336 = arith.cmpi slt, %add3A_334, %lt3A_335 : i32
        %and3A_337 = arith.andi %not3A_332, %lt3A_336 : i1
        %add3A_338 = arith.constant 3 : i32
        %add3A_339 = arith.addi %mul3A_4, %add3A_338 : i32
        %convert_element_type3A_340 = arith.extui %le3A_7 : i1 to i32
        %cond3A_341 = arith.constant 0 : i32
        %cond3A_342 = arith.constant 0 : i32
        %cond3A_343 = arith.cmpi ne, %convert_element_type3A_340, %cond3A_342 : i32
        scf.if %cond3A_343 {
          %dma_wait3A = arith.constant 0 : i32
          %dma_wait3A_364 = arith.constant 0 : i32
          %dma_wait3A_365 = arith.constant 0 : i32
          %dma_wait3A_366 = tpu.memref_slice %arg7[%cond3A_341, %dma_wait3A, %dma_wait3A_364, %dma_wait3A_365] : memref<2x4x8x1024xf32, #tpu.memory_space<vmem>> -> memref<1x4x8x1024xf32, #tpu.memory_space<vmem>>
          %dma_wait3A_367 = tpu.memref_squeeze %dma_wait3A_366 : memref<1x4x8x1024xf32, #tpu.memory_space<vmem>> -> memref<4x8x1024xf32, #tpu.memory_space<vmem>>
          %dma_wait3A_368 = arith.constant 0 : i32
          %dma_wait3A_369 = tpu.memref_slice %arg4[%mul3A_4, %dma_wait3A_368, %multiple_of3A] : memref<125x8x16384xf32, #tpu.memory_space<hbm>> -> memref<4x8x1024xf32, #tpu.memory_space<hbm>>
          %dma_wait3A_370 = arith.constant 0 : i32
          %dma_wait3A_371 = tpu.memref_slice %arg4[%mul3A_4, %dma_wait3A_370, %multiple_of3A] : memref<125x8x16384xf32, #tpu.memory_space<hbm>> -> memref<4x8x1024xf32, #tpu.memory_space<hbm>>
          %dma_wait3A_372 = arith.constant 0 : i32
          %dma_wait3A_373 = arith.constant 0 : i32
          %dma_wait3A_374 = arith.constant 0 : i32
          %dma_wait3A_375 = tpu.memref_slice %arg7[%cond3A_341, %dma_wait3A_372, %dma_wait3A_373, %dma_wait3A_374] : memref<2x4x8x1024xf32, #tpu.memory_space<vmem>> -> memref<1x4x8x1024xf32, #tpu.memory_space<vmem>>
          %dma_wait3A_376 = tpu.memref_squeeze %dma_wait3A_375 : memref<1x4x8x1024xf32, #tpu.memory_space<vmem>> -> memref<4x8x1024xf32, #tpu.memory_space<vmem>>
          tpu.wait_dma2 semaphore(%arg8 : memref<!tpu.dma_semaphore, #tpu.memory_space<semaphore_mem>>) src(%dma_wait3A_376 : memref<4x8x1024xf32, #tpu.memory_space<vmem>>) dst(%dma_wait3A_371 : memref<4x8x1024xf32, #tpu.memory_space<hbm>>)
        } else {
        }
        %convert_element_type3A_344 = arith.extui %and3A_310 : i1 to i32
        %cond3A_345 = arith.constant 0 : i32
        %cond3A_346 = arith.constant 0 : i32
        %cond3A_347 = arith.constant 0 : i32
        %cond3A_348 = arith.cmpi ne, %convert_element_type3A_344, %cond3A_347 : i32
        scf.if %cond3A_348 {
          %dma_wait3A = arith.constant 0 : i32
          %dma_wait3A_364 = arith.constant 0 : i32
          %dma_wait3A_365 = tpu.memref_slice %arg7[%cond3A_345, %cond3A_346, %dma_wait3A, %dma_wait3A_364] : memref<2x4x8x1024xf32, #tpu.memory_space<vmem>> -> memref<1x1x8x1024xf32, #tpu.memory_space<vmem>>
          %dma_wait3A_366 = tpu.memref_squeeze %dma_wait3A_365 : memref<1x1x8x1024xf32, #tpu.memory_space<vmem>> -> memref<8x1024xf32, #tpu.memory_space<vmem>>
          %dma_wait3A_367 = arith.constant 0 : i32
          %dma_wait3A_368 = tpu.memref_slice %arg4[%add3A_312, %dma_wait3A_367, %multiple_of3A] : memref<125x8x16384xf32, #tpu.memory_space<hbm>> -> memref<1x8x1024xf32, #tpu.memory_space<hbm>>
          %dma_wait3A_369 = tpu.memref_squeeze %dma_wait3A_368 : memref<1x8x1024xf32, #tpu.memory_space<hbm>> -> memref<8x1024xf32, #tpu.memory_space<hbm>>
          %dma_wait3A_370 = arith.constant 0 : i32
          %dma_wait3A_371 = tpu.memref_slice %arg4[%add3A_312, %dma_wait3A_370, %multiple_of3A] : memref<125x8x16384xf32, #tpu.memory_space<hbm>> -> memref<1x8x1024xf32, #tpu.memory_space<hbm>>
          %dma_wait3A_372 = tpu.memref_squeeze %dma_wait3A_371 : memref<1x8x1024xf32, #tpu.memory_space<hbm>> -> memref<8x1024xf32, #tpu.memory_space<hbm>>
          %dma_wait3A_373 = arith.constant 0 : i32
          %dma_wait3A_374 = arith.constant 0 : i32
          %dma_wait3A_375 = tpu.memref_slice %arg7[%cond3A_345, %cond3A_346, %dma_wait3A_373, %dma_wait3A_374] : memref<2x4x8x1024xf32, #tpu.memory_space<vmem>> -> memref<1x1x8x1024xf32, #tpu.memory_space<vmem>>
          %dma_wait3A_376 = tpu.memref_squeeze %dma_wait3A_375 : memref<1x1x8x1024xf32, #tpu.memory_space<vmem>> -> memref<8x1024xf32, #tpu.memory_space<vmem>>
          tpu.wait_dma2 semaphore(%arg8 : memref<!tpu.dma_semaphore, #tpu.memory_space<semaphore_mem>>) src(%dma_wait3A_376 : memref<8x1024xf32, #tpu.memory_space<vmem>>) dst(%dma_wait3A_372 : memref<8x1024xf32, #tpu.memory_space<hbm>>)
        } else {
        }
        %convert_element_type3A_349 = arith.extui %and3A_319 : i1 to i32
        %cond3A_350 = arith.constant 0 : i32
        %cond3A_351 = arith.constant 1 : i32
        %cond3A_352 = arith.constant 0 : i32
        %cond3A_353 = arith.cmpi ne, %convert_element_type3A_349, %cond3A_352 : i32
        scf.if %cond3A_353 {
          %dma_wait3A = arith.constant 0 : i32
          %dma_wait3A_364 = arith.constant 0 : i32
          %dma_wait3A_365 = tpu.memref_slice %arg7[%cond3A_350, %cond3A_351, %dma_wait3A, %dma_wait3A_364] : memref<2x4x8x1024xf32, #tpu.memory_space<vmem>> -> memref<1x1x8x1024xf32, #tpu.memory_space<vmem>>
          %dma_wait3A_366 = tpu.memref_squeeze %dma_wait3A_365 : memref<1x1x8x1024xf32, #tpu.memory_space<vmem>> -> memref<8x1024xf32, #tpu.memory_space<vmem>>
          %dma_wait3A_367 = arith.constant 0 : i32
          %dma_wait3A_368 = tpu.memref_slice %arg4[%add3A_321, %dma_wait3A_367, %multiple_of3A] : memref<125x8x16384xf32, #tpu.memory_space<hbm>> -> memref<1x8x1024xf32, #tpu.memory_space<hbm>>
          %dma_wait3A_369 = tpu.memref_squeeze %dma_wait3A_368 : memref<1x8x1024xf32, #tpu.memory_space<hbm>> -> memref<8x1024xf32, #tpu.memory_space<hbm>>
          %dma_wait3A_370 = arith.constant 0 : i32
          %dma_wait3A_371 = tpu.memref_slice %arg4[%add3A_321, %dma_wait3A_370, %multiple_of3A] : memref<125x8x16384xf32, #tpu.memory_space<hbm>> -> memref<1x8x1024xf32, #tpu.memory_space<hbm>>
          %dma_wait3A_372 = tpu.memref_squeeze %dma_wait3A_371 : memref<1x8x1024xf32, #tpu.memory_space<hbm>> -> memref<8x1024xf32, #tpu.memory_space<hbm>>
          %dma_wait3A_373 = arith.constant 0 : i32
          %dma_wait3A_374 = arith.constant 0 : i32
          %dma_wait3A_375 = tpu.memref_slice %arg7[%cond3A_350, %cond3A_351, %dma_wait3A_373, %dma_wait3A_374] : memref<2x4x8x1024xf32, #tpu.memory_space<vmem>> -> memref<1x1x8x1024xf32, #tpu.memory_space<vmem>>
          %dma_wait3A_376 = tpu.memref_squeeze %dma_wait3A_375 : memref<1x1x8x1024xf32, #tpu.memory_space<vmem>> -> memref<8x1024xf32, #tpu.memory_space<vmem>>
          tpu.wait_dma2 semaphore(%arg8 : memref<!tpu.dma_semaphore, #tpu.memory_space<semaphore_mem>>) src(%dma_wait3A_376 : memref<8x1024xf32, #tpu.memory_space<vmem>>) dst(%dma_wait3A_372 : memref<8x1024xf32, #tpu.memory_space<hbm>>)
        } else {
        }
        %convert_element_type3A_354 = arith.extui %and3A_328 : i1 to i32
        %cond3A_355 = arith.constant 0 : i32
        %cond3A_356 = arith.constant 2 : i32
        %cond3A_357 = arith.constant 0 : i32
        %cond3A_358 = arith.cmpi ne, %convert_element_type3A_354, %cond3A_357 : i32
        scf.if %cond3A_358 {
          %dma_wait3A = arith.constant 0 : i32
          %dma_wait3A_364 = arith.constant 0 : i32
          %dma_wait3A_365 = tpu.memref_slice %arg7[%cond3A_355, %cond3A_356, %dma_wait3A, %dma_wait3A_364] : memref<2x4x8x1024xf32, #tpu.memory_space<vmem>> -> memref<1x1x8x1024xf32, #tpu.memory_space<vmem>>
          %dma_wait3A_366 = tpu.memref_squeeze %dma_wait3A_365 : memref<1x1x8x1024xf32, #tpu.memory_space<vmem>> -> memref<8x1024xf32, #tpu.memory_space<vmem>>
          %dma_wait3A_367 = arith.constant 0 : i32
          %dma_wait3A_368 = tpu.memref_slice %arg4[%add3A_330, %dma_wait3A_367, %multiple_of3A] : memref<125x8x16384xf32, #tpu.memory_space<hbm>> -> memref<1x8x1024xf32, #tpu.memory_space<hbm>>
          %dma_wait3A_369 = tpu.memref_squeeze %dma_wait3A_368 : memref<1x8x1024xf32, #tpu.memory_space<hbm>> -> memref<8x1024xf32, #tpu.memory_space<hbm>>
          %dma_wait3A_370 = arith.constant 0 : i32
          %dma_wait3A_371 = tpu.memref_slice %arg4[%add3A_330, %dma_wait3A_370, %multiple_of3A] : memref<125x8x16384xf32, #tpu.memory_space<hbm>> -> memref<1x8x1024xf32, #tpu.memory_space<hbm>>
          %dma_wait3A_372 = tpu.memref_squeeze %dma_wait3A_371 : memref<1x8x1024xf32, #tpu.memory_space<hbm>> -> memref<8x1024xf32, #tpu.memory_space<hbm>>
          %dma_wait3A_373 = arith.constant 0 : i32
          %dma_wait3A_374 = arith.constant 0 : i32
          %dma_wait3A_375 = tpu.memref_slice %arg7[%cond3A_355, %cond3A_356, %dma_wait3A_373, %dma_wait3A_374] : memref<2x4x8x1024xf32, #tpu.memory_space<vmem>> -> memref<1x1x8x1024xf32, #tpu.memory_space<vmem>>
          %dma_wait3A_376 = tpu.memref_squeeze %dma_wait3A_375 : memref<1x1x8x1024xf32, #tpu.memory_space<vmem>> -> memref<8x1024xf32, #tpu.memory_space<vmem>>
          tpu.wait_dma2 semaphore(%arg8 : memref<!tpu.dma_semaphore, #tpu.memory_space<semaphore_mem>>) src(%dma_wait3A_376 : memref<8x1024xf32, #tpu.memory_space<vmem>>) dst(%dma_wait3A_372 : memref<8x1024xf32, #tpu.memory_space<hbm>>)
        } else {
        }
        %convert_element_type3A_359 = arith.extui %and3A_337 : i1 to i32
        %cond3A_360 = arith.constant 0 : i32
        %cond3A_361 = arith.constant 3 : i32
        %cond3A_362 = arith.constant 0 : i32
        %cond3A_363 = arith.cmpi ne, %convert_element_type3A_359, %cond3A_362 : i32
        scf.if %cond3A_363 {
          %dma_wait3A = arith.constant 0 : i32
          %dma_wait3A_364 = arith.constant 0 : i32
          %dma_wait3A_365 = tpu.memref_slice %arg7[%cond3A_360, %cond3A_361, %dma_wait3A, %dma_wait3A_364] : memref<2x4x8x1024xf32, #tpu.memory_space<vmem>> -> memref<1x1x8x1024xf32, #tpu.memory_space<vmem>>
          %dma_wait3A_366 = tpu.memref_squeeze %dma_wait3A_365 : memref<1x1x8x1024xf32, #tpu.memory_space<vmem>> -> memref<8x1024xf32, #tpu.memory_space<vmem>>
          %dma_wait3A_367 = arith.constant 0 : i32
          %dma_wait3A_368 = tpu.memref_slice %arg4[%add3A_339, %dma_wait3A_367, %multiple_of3A] : memref<125x8x16384xf32, #tpu.memory_space<hbm>> -> memref<1x8x1024xf32, #tpu.memory_space<hbm>>
          %dma_wait3A_369 = tpu.memref_squeeze %dma_wait3A_368 : memref<1x8x1024xf32, #tpu.memory_space<hbm>> -> memref<8x1024xf32, #tpu.memory_space<hbm>>
          %dma_wait3A_370 = arith.constant 0 : i32
          %dma_wait3A_371 = tpu.memref_slice %arg4[%add3A_339, %dma_wait3A_370, %multiple_of3A] : memref<125x8x16384xf32, #tpu.memory_space<hbm>> -> memref<1x8x1024xf32, #tpu.memory_space<hbm>>
          %dma_wait3A_372 = tpu.memref_squeeze %dma_wait3A_371 : memref<1x8x1024xf32, #tpu.memory_space<hbm>> -> memref<8x1024xf32, #tpu.memory_space<hbm>>
          %dma_wait3A_373 = arith.constant 0 : i32
          %dma_wait3A_374 = arith.constant 0 : i32
          %dma_wait3A_375 = tpu.memref_slice %arg7[%cond3A_360, %cond3A_361, %dma_wait3A_373, %dma_wait3A_374] : memref<2x4x8x1024xf32, #tpu.memory_space<vmem>> -> memref<1x1x8x1024xf32, #tpu.memory_space<vmem>>
          %dma_wait3A_376 = tpu.memref_squeeze %dma_wait3A_375 : memref<1x1x8x1024xf32, #tpu.memory_space<vmem>> -> memref<8x1024xf32, #tpu.memory_space<vmem>>
          tpu.wait_dma2 semaphore(%arg8 : memref<!tpu.dma_semaphore, #tpu.memory_space<semaphore_mem>>) src(%dma_wait3A_376 : memref<8x1024xf32, #tpu.memory_space<vmem>>) dst(%dma_wait3A_372 : memref<8x1024xf32, #tpu.memory_space<hbm>>)
        } else {
        }
      } else {
      }
      %parallel_loop3A = arith.constant 0 : i32
      %parallel_loop3A_167 = arith.constant 64 : i32
      %parallel_loop3A_168 = arith.constant 1 : i32
      scf.for %parallel_loop3A_304 = %parallel_loop3A to %parallel_loop3A_167 step %parallel_loop3A_168  : i32 {
        %parallel_loop3A_305 = arith.constant 16 : i32
        %parallel_loop3A_306 = arith.muli %parallel_loop3A_304, %parallel_loop3A_305 : i32
        %parallel_loop3A_307 = arith.addi %multiple_of3A, %parallel_loop3A_306 : i32
        %parallel_loop3A_308 = arith.index_cast %parallel_loop3A_307 : i32 to index
        %parallel_loop3A_309 = tpu.vector_load %arg5[%parallel_loop3A_308] {strides = array<i32>} : memref<16384xi32, #tpu.memory_space<vmem>>, vector<16xi32>,
        %parallel_loop3A_310 = arith.constant 0 : i32
        %parallel_loop3A_311 = vector.broadcast %parallel_loop3A_310 : i32 to vector<16xi32>
        %parallel_loop3A_312 = arith.addi %parallel_loop3A_309, %parallel_loop3A_311 : vector<16xi32>
        %parallel_loop3A_313 = tpu.vector_load_idx %arg6[%parallel_loop3A_312] : memref<32000xf32, #tpu.memory_space<vmem>>[vector<16xi32>], vector<16xf32>,
        %parallel_loop3A_314 = arith.constant 16 : i32
        %parallel_loop3A_315 = arith.muli %parallel_loop3A_304, %parallel_loop3A_314 : i32
        %parallel_loop3A_316 = arith.constant 0 : i32
        %parallel_loop3A_317 = arith.constant 0 : i32
        %parallel_loop3A_318 = arith.constant 0 : i32
        %parallel_loop3A_319 = arith.index_cast %parallel_loop3A_316 : i32 to index
        %parallel_loop3A_320 = arith.index_cast %parallel_loop3A_317 : i32 to index
        %parallel_loop3A_321 = arith.index_cast %parallel_loop3A_318 : i32 to index
        %parallel_loop3A_322 = arith.index_cast %parallel_loop3A_315 : i32 to index
        %parallel_loop3A_323 = tpu.vector_load %arg7[%parallel_loop3A_319, %parallel_loop3A_320, %parallel_loop3A_321, %parallel_loop3A_322] {strides = array<i32>} : memref<2x4x8x1024xf32, #tpu.memory_space<vmem>>, vector<16xf32>,
        tpu.vector_store %arg7[%parallel_loop3A_319, %parallel_loop3A_320, %parallel_loop3A_321, %parallel_loop3A_322], %parallel_loop3A_313 {strides = array<i32>} : memref<2x4x8x1024xf32, #tpu.memory_space<vmem>>, vector<16xf32>,
        %parallel_loop3A_324 = arith.constant 1000 : i32
        %parallel_loop3A_325 = vector.broadcast %parallel_loop3A_324 : i32 to vector<16xi32>
        %parallel_loop3A_326 = arith.addi %parallel_loop3A_309, %parallel_loop3A_325 : vector<16xi32>
        %parallel_loop3A_327 = tpu.vector_load_idx %arg6[%parallel_loop3A_326] : memref<32000xf32, #tpu.memory_space<vmem>>[vector<16xi32>], vector<16xf32>,
        %parallel_loop3A_328 = arith.constant 16 : i32
        %parallel_loop3A_329 = arith.muli %parallel_loop3A_304, %parallel_loop3A_328 : i32
        %parallel_loop3A_330 = arith.constant 0 : i32
        %parallel_loop3A_331 = arith.constant 0 : i32
        %parallel_loop3A_332 = arith.constant 1 : i32
        %parallel_loop3A_333 = arith.index_cast %parallel_loop3A_330 : i32 to index
        %parallel_loop3A_334 = arith.index_cast %parallel_loop3A_331 : i32 to index
        %parallel_loop3A_335 = arith.index_cast %parallel_loop3A_332 : i32 to index
        %parallel_loop3A_336 = arith.index_cast %parallel_loop3A_329 : i32 to index
        %parallel_loop3A_337 = tpu.vector_load %arg7[%parallel_loop3A_333, %parallel_loop3A_334, %parallel_loop3A_335, %parallel_loop3A_336] {strides = array<i32>} : memref<2x4x8x1024xf32, #tpu.memory_space<vmem>>, vector<16xf32>,
        tpu.vector_store %arg7[%parallel_loop3A_333, %parallel_loop3A_334, %parallel_loop3A_335, %parallel_loop3A_336], %parallel_loop3A_327 {strides = array<i32>} : memref<2x4x8x1024xf32, #tpu.memory_space<vmem>>, vector<16xf32>,
        %parallel_loop3A_338 = arith.constant 2000 : i32
        %parallel_loop3A_339 = vector.broadcast %parallel_loop3A_338 : i32 to vector<16xi32>
        %parallel_loop3A_340 = arith.addi %parallel_loop3A_309, %parallel_loop3A_339 : vector<16xi32>
        %parallel_loop3A_341 = tpu.vector_load_idx %arg6[%parallel_loop3A_340] : memref<32000xf32, #tpu.memory_space<vmem>>[vector<16xi32>], vector<16xf32>,
        %parallel_loop3A_342 = arith.constant 16 : i32
        %parallel_loop3A_343 = arith.muli %parallel_loop3A_304, %parallel_loop3A_342 : i32
        %parallel_loop3A_344 = arith.constant 0 : i32
        %parallel_loop3A_345 = arith.constant 0 : i32
        %parallel_loop3A_346 = arith.constant 2 : i32
        %parallel_loop3A_347 = arith.index_cast %parallel_loop3A_344 : i32 to index
        %parallel_loop3A_348 = arith.index_cast %parallel_loop3A_345 : i32 to index
        %parallel_loop3A_349 = arith.index_cast %parallel_loop3A_346 : i32 to index
        %parallel_loop3A_350 = arith.index_cast %parallel_loop3A_343 : i32 to index
        %parallel_loop3A_351 = tpu.vector_load %arg7[%parallel_loop3A_347, %parallel_loop3A_348, %parallel_loop3A_349, %parallel_loop3A_350] {strides = array<i32>} : memref<2x4x8x1024xf32, #tpu.memory_space<vmem>>, vector<16xf32>,
        tpu.vector_store %arg7[%parallel_loop3A_347, %parallel_loop3A_348, %parallel_loop3A_349, %parallel_loop3A_350], %parallel_loop3A_341 {strides = array<i32>} : memref<2x4x8x1024xf32, #tpu.memory_space<vmem>>, vector<16xf32>,
        %parallel_loop3A_352 = arith.constant 3000 : i32
        %parallel_loop3A_353 = vector.broadcast %parallel_loop3A_352 : i32 to vector<16xi32>
        %parallel_loop3A_354 = arith.addi %parallel_loop3A_309, %parallel_loop3A_353 : vector<16xi32>
        %parallel_loop3A_355 = tpu.vector_load_idx %arg6[%parallel_loop3A_354] : memref<32000xf32, #tpu.memory_space<vmem>>[vector<16xi32>], vector<16xf32>,
        %parallel_loop3A_356 = arith.constant 16 : i32
        %parallel_loop3A_357 = arith.muli %parallel_loop3A_304, %parallel_loop3A_356 : i32
        %parallel_loop3A_358 = arith.constant 0 : i32
        %parallel_loop3A_359 = arith.constant 0 : i32
        %parallel_loop3A_360 = arith.constant 3 : i32
        %parallel_loop3A_361 = arith.index_cast %parallel_loop3A_358 : i32 to index
        %parallel_loop3A_362 = arith.index_cast %parallel_loop3A_359 : i32 to index
        %parallel_loop3A_363 = arith.index_cast %parallel_loop3A_360 : i32 to index
        %parallel_loop3A_364 = arith.index_cast %parallel_loop3A_357 : i32 to index
        %parallel_loop3A_365 = tpu.vector_load %arg7[%parallel_loop3A_361, %parallel_loop3A_362, %parallel_loop3A_363, %parallel_loop3A_364] {strides = array<i32>} : memref<2x4x8x1024xf32, #tpu.memory_space<vmem>>, vector<16xf32>,
        tpu.vector_store %arg7[%parallel_loop3A_361, %parallel_loop3A_362, %parallel_loop3A_363, %parallel_loop3A_364], %parallel_loop3A_355 {strides = array<i32>} : memref<2x4x8x1024xf32, #tpu.memory_space<vmem>>, vector<16xf32>,
        %parallel_loop3A_366 = arith.constant 4000 : i32
        %parallel_loop3A_367 = vector.broadcast %parallel_loop3A_366 : i32 to vector<16xi32>
        %parallel_loop3A_368 = arith.addi %parallel_loop3A_309, %parallel_loop3A_367 : vector<16xi32>
        %parallel_loop3A_369 = tpu.vector_load_idx %arg6[%parallel_loop3A_368] : memref<32000xf32, #tpu.memory_space<vmem>>[vector<16xi32>], vector<16xf32>,
        %parallel_loop3A_370 = arith.constant 16 : i32
        %parallel_loop3A_371 = arith.muli %parallel_loop3A_304, %parallel_loop3A_370 : i32
        %parallel_loop3A_372 = arith.constant 0 : i32
        %parallel_loop3A_373 = arith.constant 0 : i32
        %parallel_loop3A_374 = arith.constant 4 : i32
        %parallel_loop3A_375 = arith.index_cast %parallel_loop3A_372 : i32 to index
        %parallel_loop3A_376 = arith.index_cast %parallel_loop3A_373 : i32 to index
        %parallel_loop3A_377 = arith.index_cast %parallel_loop3A_374 : i32 to index
        %parallel_loop3A_378 = arith.index_cast %parallel_loop3A_371 : i32 to index
        %parallel_loop3A_379 = tpu.vector_load %arg7[%parallel_loop3A_375, %parallel_loop3A_376, %parallel_loop3A_377, %parallel_loop3A_378] {strides = array<i32>} : memref<2x4x8x1024xf32, #tpu.memory_space<vmem>>, vector<16xf32>,
        tpu.vector_store %arg7[%parallel_loop3A_375, %parallel_loop3A_376, %parallel_loop3A_377, %parallel_loop3A_378], %parallel_loop3A_369 {strides = array<i32>} : memref<2x4x8x1024xf32, #tpu.memory_space<vmem>>, vector<16xf32>,
        %parallel_loop3A_380 = arith.constant 5000 : i32
        %parallel_loop3A_381 = vector.broadcast %parallel_loop3A_380 : i32 to vector<16xi32>
        %parallel_loop3A_382 = arith.addi %parallel_loop3A_309, %parallel_loop3A_381 : vector<16xi32>
        %parallel_loop3A_383 = tpu.vector_load_idx %arg6[%parallel_loop3A_382] : memref<32000xf32, #tpu.memory_space<vmem>>[vector<16xi32>], vector<16xf32>,
        %parallel_loop3A_384 = arith.constant 16 : i32
        %parallel_loop3A_385 = arith.muli %parallel_loop3A_304, %parallel_loop3A_384 : i32
        %parallel_loop3A_386 = arith.constant 0 : i32
        %parallel_loop3A_387 = arith.constant 0 : i32
        %parallel_loop3A_388 = arith.constant 5 : i32
        %parallel_loop3A_389 = arith.index_cast %parallel_loop3A_386 : i32 to index
        %parallel_loop3A_390 = arith.index_cast %parallel_loop3A_387 : i32 to index
        %parallel_loop3A_391 = arith.index_cast %parallel_loop3A_388 : i32 to index
        %parallel_loop3A_392 = arith.index_cast %parallel_loop3A_385 : i32 to index
        %parallel_loop3A_393 = tpu.vector_load %arg7[%parallel_loop3A_389, %parallel_loop3A_390, %parallel_loop3A_391, %parallel_loop3A_392] {strides = array<i32>} : memref<2x4x8x1024xf32, #tpu.memory_space<vmem>>, vector<16xf32>,
        tpu.vector_store %arg7[%parallel_loop3A_389, %parallel_loop3A_390, %parallel_loop3A_391, %parallel_loop3A_392], %parallel_loop3A_383 {strides = array<i32>} : memref<2x4x8x1024xf32, #tpu.memory_space<vmem>>, vector<16xf32>,
        %parallel_loop3A_394 = arith.constant 6000 : i32
        %parallel_loop3A_395 = vector.broadcast %parallel_loop3A_394 : i32 to vector<16xi32>
        %parallel_loop3A_396 = arith.addi %parallel_loop3A_309, %parallel_loop3A_395 : vector<16xi32>
        %parallel_loop3A_397 = tpu.vector_load_idx %arg6[%parallel_loop3A_396] : memref<32000xf32, #tpu.memory_space<vmem>>[vector<16xi32>], vector<16xf32>,
        %parallel_loop3A_398 = arith.constant 16 : i32
        %parallel_loop3A_399 = arith.muli %parallel_loop3A_304, %parallel_loop3A_398 : i32
        %parallel_loop3A_400 = arith.constant 0 : i32
        %parallel_loop3A_401 = arith.constant 0 : i32
        %parallel_loop3A_402 = arith.constant 6 : i32
        %parallel_loop3A_403 = arith.index_cast %parallel_loop3A_400 : i32 to index
        %parallel_loop3A_404 = arith.index_cast %parallel_loop3A_401 : i32 to index
        %parallel_loop3A_405 = arith.index_cast %parallel_loop3A_402 : i32 to index
        %parallel_loop3A_406 = arith.index_cast %parallel_loop3A_399 : i32 to index
        %parallel_loop3A_407 = tpu.vector_load %arg7[%parallel_loop3A_403, %parallel_loop3A_404, %parallel_loop3A_405, %parallel_loop3A_406] {strides = array<i32>} : memref<2x4x8x1024xf32, #tpu.memory_space<vmem>>, vector<16xf32>,
        tpu.vector_store %arg7[%parallel_loop3A_403, %parallel_loop3A_404, %parallel_loop3A_405, %parallel_loop3A_406], %parallel_loop3A_397 {strides = array<i32>} : memref<2x4x8x1024xf32, #tpu.memory_space<vmem>>, vector<16xf32>,
        %parallel_loop3A_408 = arith.constant 7000 : i32
        %parallel_loop3A_409 = vector.broadcast %parallel_loop3A_408 : i32 to vector<16xi32>
        %parallel_loop3A_410 = arith.addi %parallel_loop3A_309, %parallel_loop3A_409 : vector<16xi32>
        %parallel_loop3A_411 = tpu.vector_load_idx %arg6[%parallel_loop3A_410] : memref<32000xf32, #tpu.memory_space<vmem>>[vector<16xi32>], vector<16xf32>,
        %parallel_loop3A_412 = arith.constant 16 : i32
        %parallel_loop3A_413 = arith.muli %parallel_loop3A_304, %parallel_loop3A_412 : i32
        %parallel_loop3A_414 = arith.constant 0 : i32
        %parallel_loop3A_415 = arith.constant 0 : i32
        %parallel_loop3A_416 = arith.constant 7 : i32
        %parallel_loop3A_417 = arith.index_cast %parallel_loop3A_414 : i32 to index
        %parallel_loop3A_418 = arith.index_cast %parallel_loop3A_415 : i32 to index
        %parallel_loop3A_419 = arith.index_cast %parallel_loop3A_416 : i32 to index
        %parallel_loop3A_420 = arith.index_cast %parallel_loop3A_413 : i32 to index
        %parallel_loop3A_421 = tpu.vector_load %arg7[%parallel_loop3A_417, %parallel_loop3A_418, %parallel_loop3A_419, %parallel_loop3A_420] {strides = array<i32>} : memref<2x4x8x1024xf32, #tpu.memory_space<vmem>>, vector<16xf32>,
        tpu.vector_store %arg7[%parallel_loop3A_417, %parallel_loop3A_418, %parallel_loop3A_419, %parallel_loop3A_420], %parallel_loop3A_411 {strides = array<i32>} : memref<2x4x8x1024xf32, #tpu.memory_space<vmem>>, vector<16xf32>,
        %parallel_loop3A_422 = arith.constant 8000 : i32
        %parallel_loop3A_423 = vector.broadcast %parallel_loop3A_422 : i32 to vector<16xi32>
        %parallel_loop3A_424 = arith.addi %parallel_loop3A_309, %parallel_loop3A_423 : vector<16xi32>
        %parallel_loop3A_425 = tpu.vector_load_idx %arg6[%parallel_loop3A_424] : memref<32000xf32, #tpu.memory_space<vmem>>[vector<16xi32>], vector<16xf32>,
        %parallel_loop3A_426 = arith.constant 16 : i32
        %parallel_loop3A_427 = arith.muli %parallel_loop3A_304, %parallel_loop3A_426 : i32
        %parallel_loop3A_428 = arith.constant 0 : i32
        %parallel_loop3A_429 = arith.constant 1 : i32
        %parallel_loop3A_430 = arith.constant 0 : i32
        %parallel_loop3A_431 = arith.index_cast %parallel_loop3A_428 : i32 to index
        %parallel_loop3A_432 = arith.index_cast %parallel_loop3A_429 : i32 to index
        %parallel_loop3A_433 = arith.index_cast %parallel_loop3A_430 : i32 to index
        %parallel_loop3A_434 = arith.index_cast %parallel_loop3A_427 : i32 to index
        %parallel_loop3A_435 = tpu.vector_load %arg7[%parallel_loop3A_431, %parallel_loop3A_432, %parallel_loop3A_433, %parallel_loop3A_434] {strides = array<i32>} : memref<2x4x8x1024xf32, #tpu.memory_space<vmem>>, vector<16xf32>,
        tpu.vector_store %arg7[%parallel_loop3A_431, %parallel_loop3A_432, %parallel_loop3A_433, %parallel_loop3A_434], %parallel_loop3A_425 {strides = array<i32>} : memref<2x4x8x1024xf32, #tpu.memory_space<vmem>>, vector<16xf32>,
        %parallel_loop3A_436 = arith.constant 9000 : i32
        %parallel_loop3A_437 = vector.broadcast %parallel_loop3A_436 : i32 to vector<16xi32>
        %parallel_loop3A_438 = arith.addi %parallel_loop3A_309, %parallel_loop3A_437 : vector<16xi32>
        %parallel_loop3A_439 = tpu.vector_load_idx %arg6[%parallel_loop3A_438] : memref<32000xf32, #tpu.memory_space<vmem>>[vector<16xi32>], vector<16xf32>,
        %parallel_loop3A_440 = arith.constant 16 : i32
        %parallel_loop3A_441 = arith.muli %parallel_loop3A_304, %parallel_loop3A_440 : i32
        %parallel_loop3A_442 = arith.constant 0 : i32
        %parallel_loop3A_443 = arith.constant 1 : i32
        %parallel_loop3A_444 = arith.constant 1 : i32
        %parallel_loop3A_445 = arith.index_cast %parallel_loop3A_442 : i32 to index
        %parallel_loop3A_446 = arith.index_cast %parallel_loop3A_443 : i32 to index
        %parallel_loop3A_447 = arith.index_cast %parallel_loop3A_444 : i32 to index
        %parallel_loop3A_448 = arith.index_cast %parallel_loop3A_441 : i32 to index
        %parallel_loop3A_449 = tpu.vector_load %arg7[%parallel_loop3A_445, %parallel_loop3A_446, %parallel_loop3A_447, %parallel_loop3A_448] {strides = array<i32>} : memref<2x4x8x1024xf32, #tpu.memory_space<vmem>>, vector<16xf32>,
        tpu.vector_store %arg7[%parallel_loop3A_445, %parallel_loop3A_446, %parallel_loop3A_447, %parallel_loop3A_448], %parallel_loop3A_439 {strides = array<i32>} : memref<2x4x8x1024xf32, #tpu.memory_space<vmem>>, vector<16xf32>,
        %parallel_loop3A_450 = arith.constant 10000 : i32
        %parallel_loop3A_451 = vector.broadcast %parallel_loop3A_450 : i32 to vector<16xi32>
        %parallel_loop3A_452 = arith.addi %parallel_loop3A_309, %parallel_loop3A_451 : vector<16xi32>
        %parallel_loop3A_453 = tpu.vector_load_idx %arg6[%parallel_loop3A_452] : memref<32000xf32, #tpu.memory_space<vmem>>[vector<16xi32>], vector<16xf32>,
        %parallel_loop3A_454 = arith.constant 16 : i32
        %parallel_loop3A_455 = arith.muli %parallel_loop3A_304, %parallel_loop3A_454 : i32
        %parallel_loop3A_456 = arith.constant 0 : i32
        %parallel_loop3A_457 = arith.constant 1 : i32
        %parallel_loop3A_458 = arith.constant 2 : i32
        %parallel_loop3A_459 = arith.index_cast %parallel_loop3A_456 : i32 to index
        %parallel_loop3A_460 = arith.index_cast %parallel_loop3A_457 : i32 to index
        %parallel_loop3A_461 = arith.index_cast %parallel_loop3A_458 : i32 to index
        %parallel_loop3A_462 = arith.index_cast %parallel_loop3A_455 : i32 to index
        %parallel_loop3A_463 = tpu.vector_load %arg7[%parallel_loop3A_459, %parallel_loop3A_460, %parallel_loop3A_461, %parallel_loop3A_462] {strides = array<i32>} : memref<2x4x8x1024xf32, #tpu.memory_space<vmem>>, vector<16xf32>,
        tpu.vector_store %arg7[%parallel_loop3A_459, %parallel_loop3A_460, %parallel_loop3A_461, %parallel_loop3A_462], %parallel_loop3A_453 {strides = array<i32>} : memref<2x4x8x1024xf32, #tpu.memory_space<vmem>>, vector<16xf32>,
        %parallel_loop3A_464 = arith.constant 11000 : i32
        %parallel_loop3A_465 = vector.broadcast %parallel_loop3A_464 : i32 to vector<16xi32>
        %parallel_loop3A_466 = arith.addi %parallel_loop3A_309, %parallel_loop3A_465 : vector<16xi32>
        %parallel_loop3A_467 = tpu.vector_load_idx %arg6[%parallel_loop3A_466] : memref<32000xf32, #tpu.memory_space<vmem>>[vector<16xi32>], vector<16xf32>,
        %parallel_loop3A_468 = arith.constant 16 : i32
        %parallel_loop3A_469 = arith.muli %parallel_loop3A_304, %parallel_loop3A_468 : i32
        %parallel_loop3A_470 = arith.constant 0 : i32
        %parallel_loop3A_471 = arith.constant 1 : i32
        %parallel_loop3A_472 = arith.constant 3 : i32
        %parallel_loop3A_473 = arith.index_cast %parallel_loop3A_470 : i32 to index
        %parallel_loop3A_474 = arith.index_cast %parallel_loop3A_471 : i32 to index
        %parallel_loop3A_475 = arith.index_cast %parallel_loop3A_472 : i32 to index
        %parallel_loop3A_476 = arith.index_cast %parallel_loop3A_469 : i32 to index
        %parallel_loop3A_477 = tpu.vector_load %arg7[%parallel_loop3A_473, %parallel_loop3A_474, %parallel_loop3A_475, %parallel_loop3A_476] {strides = array<i32>} : memref<2x4x8x1024xf32, #tpu.memory_space<vmem>>, vector<16xf32>,
        tpu.vector_store %arg7[%parallel_loop3A_473, %parallel_loop3A_474, %parallel_loop3A_475, %parallel_loop3A_476], %parallel_loop3A_467 {strides = array<i32>} : memref<2x4x8x1024xf32, #tpu.memory_space<vmem>>, vector<16xf32>,
        %parallel_loop3A_478 = arith.constant 12000 : i32
        %parallel_loop3A_479 = vector.broadcast %parallel_loop3A_478 : i32 to vector<16xi32>
        %parallel_loop3A_480 = arith.addi %parallel_loop3A_309, %parallel_loop3A_479 : vector<16xi32>
        %parallel_loop3A_481 = tpu.vector_load_idx %arg6[%parallel_loop3A_480] : memref<32000xf32, #tpu.memory_space<vmem>>[vector<16xi32>], vector<16xf32>,
        %parallel_loop3A_482 = arith.constant 16 : i32
        %parallel_loop3A_483 = arith.muli %parallel_loop3A_304, %parallel_loop3A_482 : i32
        %parallel_loop3A_484 = arith.constant 0 : i32
        %parallel_loop3A_485 = arith.constant 1 : i32
        %parallel_loop3A_486 = arith.constant 4 : i32
        %parallel_loop3A_487 = arith.index_cast %parallel_loop3A_484 : i32 to index
        %parallel_loop3A_488 = arith.index_cast %parallel_loop3A_485 : i32 to index
        %parallel_loop3A_489 = arith.index_cast %parallel_loop3A_486 : i32 to index
        %parallel_loop3A_490 = arith.index_cast %parallel_loop3A_483 : i32 to index
        %parallel_loop3A_491 = tpu.vector_load %arg7[%parallel_loop3A_487, %parallel_loop3A_488, %parallel_loop3A_489, %parallel_loop3A_490] {strides = array<i32>} : memref<2x4x8x1024xf32, #tpu.memory_space<vmem>>, vector<16xf32>,
        tpu.vector_store %arg7[%parallel_loop3A_487, %parallel_loop3A_488, %parallel_loop3A_489, %parallel_loop3A_490], %parallel_loop3A_481 {strides = array<i32>} : memref<2x4x8x1024xf32, #tpu.memory_space<vmem>>, vector<16xf32>,
        %parallel_loop3A_492 = arith.constant 13000 : i32
        %parallel_loop3A_493 = vector.broadcast %parallel_loop3A_492 : i32 to vector<16xi32>
        %parallel_loop3A_494 = arith.addi %parallel_loop3A_309, %parallel_loop3A_493 : vector<16xi32>
        %parallel_loop3A_495 = tpu.vector_load_idx %arg6[%parallel_loop3A_494] : memref<32000xf32, #tpu.memory_space<vmem>>[vector<16xi32>], vector<16xf32>,
        %parallel_loop3A_496 = arith.constant 16 : i32
        %parallel_loop3A_497 = arith.muli %parallel_loop3A_304, %parallel_loop3A_496 : i32
        %parallel_loop3A_498 = arith.constant 0 : i32
        %parallel_loop3A_499 = arith.constant 1 : i32
        %parallel_loop3A_500 = arith.constant 5 : i32
        %parallel_loop3A_501 = arith.index_cast %parallel_loop3A_498 : i32 to index
        %parallel_loop3A_502 = arith.index_cast %parallel_loop3A_499 : i32 to index
        %parallel_loop3A_503 = arith.index_cast %parallel_loop3A_500 : i32 to index
        %parallel_loop3A_504 = arith.index_cast %parallel_loop3A_497 : i32 to index
        %parallel_loop3A_505 = tpu.vector_load %arg7[%parallel_loop3A_501, %parallel_loop3A_502, %parallel_loop3A_503, %parallel_loop3A_504] {strides = array<i32>} : memref<2x4x8x1024xf32, #tpu.memory_space<vmem>>, vector<16xf32>,
        tpu.vector_store %arg7[%parallel_loop3A_501, %parallel_loop3A_502, %parallel_loop3A_503, %parallel_loop3A_504], %parallel_loop3A_495 {strides = array<i32>} : memref<2x4x8x1024xf32, #tpu.memory_space<vmem>>, vector<16xf32>,
        %parallel_loop3A_506 = arith.constant 14000 : i32
        %parallel_loop3A_507 = vector.broadcast %parallel_loop3A_506 : i32 to vector<16xi32>
        %parallel_loop3A_508 = arith.addi %parallel_loop3A_309, %parallel_loop3A_507 : vector<16xi32>
        %parallel_loop3A_509 = tpu.vector_load_idx %arg6[%parallel_loop3A_508] : memref<32000xf32, #tpu.memory_space<vmem>>[vector<16xi32>], vector<16xf32>,
        %parallel_loop3A_510 = arith.constant 16 : i32
        %parallel_loop3A_511 = arith.muli %parallel_loop3A_304, %parallel_loop3A_510 : i32
        %parallel_loop3A_512 = arith.constant 0 : i32
        %parallel_loop3A_513 = arith.constant 1 : i32
        %parallel_loop3A_514 = arith.constant 6 : i32
        %parallel_loop3A_515 = arith.index_cast %parallel_loop3A_512 : i32 to index
        %parallel_loop3A_516 = arith.index_cast %parallel_loop3A_513 : i32 to index
        %parallel_loop3A_517 = arith.index_cast %parallel_loop3A_514 : i32 to index
        %parallel_loop3A_518 = arith.index_cast %parallel_loop3A_511 : i32 to index
        %parallel_loop3A_519 = tpu.vector_load %arg7[%parallel_loop3A_515, %parallel_loop3A_516, %parallel_loop3A_517, %parallel_loop3A_518] {strides = array<i32>} : memref<2x4x8x1024xf32, #tpu.memory_space<vmem>>, vector<16xf32>,
        tpu.vector_store %arg7[%parallel_loop3A_515, %parallel_loop3A_516, %parallel_loop3A_517, %parallel_loop3A_518], %parallel_loop3A_509 {strides = array<i32>} : memref<2x4x8x1024xf32, #tpu.memory_space<vmem>>, vector<16xf32>,
        %parallel_loop3A_520 = arith.constant 15000 : i32
        %parallel_loop3A_521 = vector.broadcast %parallel_loop3A_520 : i32 to vector<16xi32>
        %parallel_loop3A_522 = arith.addi %parallel_loop3A_309, %parallel_loop3A_521 : vector<16xi32>
        %parallel_loop3A_523 = tpu.vector_load_idx %arg6[%parallel_loop3A_522] : memref<32000xf32, #tpu.memory_space<vmem>>[vector<16xi32>], vector<16xf32>,
        %parallel_loop3A_524 = arith.constant 16 : i32
        %parallel_loop3A_525 = arith.muli %parallel_loop3A_304, %parallel_loop3A_524 : i32
        %parallel_loop3A_526 = arith.constant 0 : i32
        %parallel_loop3A_527 = arith.constant 1 : i32
        %parallel_loop3A_528 = arith.constant 7 : i32
        %parallel_loop3A_529 = arith.index_cast %parallel_loop3A_526 : i32 to index
        %parallel_loop3A_530 = arith.index_cast %parallel_loop3A_527 : i32 to index
        %parallel_loop3A_531 = arith.index_cast %parallel_loop3A_528 : i32 to index
        %parallel_loop3A_532 = arith.index_cast %parallel_loop3A_525 : i32 to index
        %parallel_loop3A_533 = tpu.vector_load %arg7[%parallel_loop3A_529, %parallel_loop3A_530, %parallel_loop3A_531, %parallel_loop3A_532] {strides = array<i32>} : memref<2x4x8x1024xf32, #tpu.memory_space<vmem>>, vector<16xf32>,
        tpu.vector_store %arg7[%parallel_loop3A_529, %parallel_loop3A_530, %parallel_loop3A_531, %parallel_loop3A_532], %parallel_loop3A_523 {strides = array<i32>} : memref<2x4x8x1024xf32, #tpu.memory_space<vmem>>, vector<16xf32>,
        %parallel_loop3A_534 = arith.constant 16000 : i32
        %parallel_loop3A_535 = vector.broadcast %parallel_loop3A_534 : i32 to vector<16xi32>
        %parallel_loop3A_536 = arith.addi %parallel_loop3A_309, %parallel_loop3A_535 : vector<16xi32>
        %parallel_loop3A_537 = tpu.vector_load_idx %arg6[%parallel_loop3A_536] : memref<32000xf32, #tpu.memory_space<vmem>>[vector<16xi32>], vector<16xf32>,
        %parallel_loop3A_538 = arith.constant 16 : i32
        %parallel_loop3A_539 = arith.muli %parallel_loop3A_304, %parallel_loop3A_538 : i32
        %parallel_loop3A_540 = arith.constant 0 : i32
        %parallel_loop3A_541 = arith.constant 2 : i32
        %parallel_loop3A_542 = arith.constant 0 : i32
        %parallel_loop3A_543 = arith.index_cast %parallel_loop3A_540 : i32 to index
        %parallel_loop3A_544 = arith.index_cast %parallel_loop3A_541 : i32 to index
        %parallel_loop3A_545 = arith.index_cast %parallel_loop3A_542 : i32 to index
        %parallel_loop3A_546 = arith.index_cast %parallel_loop3A_539 : i32 to index
        %parallel_loop3A_547 = tpu.vector_load %arg7[%parallel_loop3A_543, %parallel_loop3A_544, %parallel_loop3A_545, %parallel_loop3A_546] {strides = array<i32>} : memref<2x4x8x1024xf32, #tpu.memory_space<vmem>>, vector<16xf32>,
        tpu.vector_store %arg7[%parallel_loop3A_543, %parallel_loop3A_544, %parallel_loop3A_545, %parallel_loop3A_546], %parallel_loop3A_537 {strides = array<i32>} : memref<2x4x8x1024xf32, #tpu.memory_space<vmem>>, vector<16xf32>,
        %parallel_loop3A_548 = arith.constant 17000 : i32
        %parallel_loop3A_549 = vector.broadcast %parallel_loop3A_548 : i32 to vector<16xi32>
        %parallel_loop3A_550 = arith.addi %parallel_loop3A_309, %parallel_loop3A_549 : vector<16xi32>
        %parallel_loop3A_551 = tpu.vector_load_idx %arg6[%parallel_loop3A_550] : memref<32000xf32, #tpu.memory_space<vmem>>[vector<16xi32>], vector<16xf32>,
        %parallel_loop3A_552 = arith.constant 16 : i32
        %parallel_loop3A_553 = arith.muli %parallel_loop3A_304, %parallel_loop3A_552 : i32
        %parallel_loop3A_554 = arith.constant 0 : i32
        %parallel_loop3A_555 = arith.constant 2 : i32
        %parallel_loop3A_556 = arith.constant 1 : i32
        %parallel_loop3A_557 = arith.index_cast %parallel_loop3A_554 : i32 to index
        %parallel_loop3A_558 = arith.index_cast %parallel_loop3A_555 : i32 to index
        %parallel_loop3A_559 = arith.index_cast %parallel_loop3A_556 : i32 to index
        %parallel_loop3A_560 = arith.index_cast %parallel_loop3A_553 : i32 to index
        %parallel_loop3A_561 = tpu.vector_load %arg7[%parallel_loop3A_557, %parallel_loop3A_558, %parallel_loop3A_559, %parallel_loop3A_560] {strides = array<i32>} : memref<2x4x8x1024xf32, #tpu.memory_space<vmem>>, vector<16xf32>,
        tpu.vector_store %arg7[%parallel_loop3A_557, %parallel_loop3A_558, %parallel_loop3A_559, %parallel_loop3A_560], %parallel_loop3A_551 {strides = array<i32>} : memref<2x4x8x1024xf32, #tpu.memory_space<vmem>>, vector<16xf32>,
        %parallel_loop3A_562 = arith.constant 18000 : i32
        %parallel_loop3A_563 = vector.broadcast %parallel_loop3A_562 : i32 to vector<16xi32>
        %parallel_loop3A_564 = arith.addi %parallel_loop3A_309, %parallel_loop3A_563 : vector<16xi32>
        %parallel_loop3A_565 = tpu.vector_load_idx %arg6[%parallel_loop3A_564] : memref<32000xf32, #tpu.memory_space<vmem>>[vector<16xi32>], vector<16xf32>,
        %parallel_loop3A_566 = arith.constant 16 : i32
        %parallel_loop3A_567 = arith.muli %parallel_loop3A_304, %parallel_loop3A_566 : i32
        %parallel_loop3A_568 = arith.constant 0 : i32
        %parallel_loop3A_569 = arith.constant 2 : i32
        %parallel_loop3A_570 = arith.constant 2 : i32
        %parallel_loop3A_571 = arith.index_cast %parallel_loop3A_568 : i32 to index
        %parallel_loop3A_572 = arith.index_cast %parallel_loop3A_569 : i32 to index
        %parallel_loop3A_573 = arith.index_cast %parallel_loop3A_570 : i32 to index
        %parallel_loop3A_574 = arith.index_cast %parallel_loop3A_567 : i32 to index
        %parallel_loop3A_575 = tpu.vector_load %arg7[%parallel_loop3A_571, %parallel_loop3A_572, %parallel_loop3A_573, %parallel_loop3A_574] {strides = array<i32>} : memref<2x4x8x1024xf32, #tpu.memory_space<vmem>>, vector<16xf32>,
        tpu.vector_store %arg7[%parallel_loop3A_571, %parallel_loop3A_572, %parallel_loop3A_573, %parallel_loop3A_574], %parallel_loop3A_565 {strides = array<i32>} : memref<2x4x8x1024xf32, #tpu.memory_space<vmem>>, vector<16xf32>,
        %parallel_loop3A_576 = arith.constant 19000 : i32
        %parallel_loop3A_577 = vector.broadcast %parallel_loop3A_576 : i32 to vector<16xi32>
        %parallel_loop3A_578 = arith.addi %parallel_loop3A_309, %parallel_loop3A_577 : vector<16xi32>
        %parallel_loop3A_579 = tpu.vector_load_idx %arg6[%parallel_loop3A_578] : memref<32000xf32, #tpu.memory_space<vmem>>[vector<16xi32>], vector<16xf32>,
        %parallel_loop3A_580 = arith.constant 16 : i32
        %parallel_loop3A_581 = arith.muli %parallel_loop3A_304, %parallel_loop3A_580 : i32
        %parallel_loop3A_582 = arith.constant 0 : i32
        %parallel_loop3A_583 = arith.constant 2 : i32
        %parallel_loop3A_584 = arith.constant 3 : i32
        %parallel_loop3A_585 = arith.index_cast %parallel_loop3A_582 : i32 to index
        %parallel_loop3A_586 = arith.index_cast %parallel_loop3A_583 : i32 to index
        %parallel_loop3A_587 = arith.index_cast %parallel_loop3A_584 : i32 to index
        %parallel_loop3A_588 = arith.index_cast %parallel_loop3A_581 : i32 to index
        %parallel_loop3A_589 = tpu.vector_load %arg7[%parallel_loop3A_585, %parallel_loop3A_586, %parallel_loop3A_587, %parallel_loop3A_588] {strides = array<i32>} : memref<2x4x8x1024xf32, #tpu.memory_space<vmem>>, vector<16xf32>,
        tpu.vector_store %arg7[%parallel_loop3A_585, %parallel_loop3A_586, %parallel_loop3A_587, %parallel_loop3A_588], %parallel_loop3A_579 {strides = array<i32>} : memref<2x4x8x1024xf32, #tpu.memory_space<vmem>>, vector<16xf32>,
        %parallel_loop3A_590 = arith.constant 20000 : i32
        %parallel_loop3A_591 = vector.broadcast %parallel_loop3A_590 : i32 to vector<16xi32>
        %parallel_loop3A_592 = arith.addi %parallel_loop3A_309, %parallel_loop3A_591 : vector<16xi32>
        %parallel_loop3A_593 = tpu.vector_load_idx %arg6[%parallel_loop3A_592] : memref<32000xf32, #tpu.memory_space<vmem>>[vector<16xi32>], vector<16xf32>,
        %parallel_loop3A_594 = arith.constant 16 : i32
        %parallel_loop3A_595 = arith.muli %parallel_loop3A_304, %parallel_loop3A_594 : i32
        %parallel_loop3A_596 = arith.constant 0 : i32
        %parallel_loop3A_597 = arith.constant 2 : i32
        %parallel_loop3A_598 = arith.constant 4 : i32
        %parallel_loop3A_599 = arith.index_cast %parallel_loop3A_596 : i32 to index
        %parallel_loop3A_600 = arith.index_cast %parallel_loop3A_597 : i32 to index
        %parallel_loop3A_601 = arith.index_cast %parallel_loop3A_598 : i32 to index
        %parallel_loop3A_602 = arith.index_cast %parallel_loop3A_595 : i32 to index
        %parallel_loop3A_603 = tpu.vector_load %arg7[%parallel_loop3A_599, %parallel_loop3A_600, %parallel_loop3A_601, %parallel_loop3A_602] {strides = array<i32>} : memref<2x4x8x1024xf32, #tpu.memory_space<vmem>>, vector<16xf32>,
        tpu.vector_store %arg7[%parallel_loop3A_599, %parallel_loop3A_600, %parallel_loop3A_601, %parallel_loop3A_602], %parallel_loop3A_593 {strides = array<i32>} : memref<2x4x8x1024xf32, #tpu.memory_space<vmem>>, vector<16xf32>,
        %parallel_loop3A_604 = arith.constant 21000 : i32
        %parallel_loop3A_605 = vector.broadcast %parallel_loop3A_604 : i32 to vector<16xi32>
        %parallel_loop3A_606 = arith.addi %parallel_loop3A_309, %parallel_loop3A_605 : vector<16xi32>
        %parallel_loop3A_607 = tpu.vector_load_idx %arg6[%parallel_loop3A_606] : memref<32000xf32, #tpu.memory_space<vmem>>[vector<16xi32>], vector<16xf32>,
        %parallel_loop3A_608 = arith.constant 16 : i32
        %parallel_loop3A_609 = arith.muli %parallel_loop3A_304, %parallel_loop3A_608 : i32
        %parallel_loop3A_610 = arith.constant 0 : i32
        %parallel_loop3A_611 = arith.constant 2 : i32
        %parallel_loop3A_612 = arith.constant 5 : i32
        %parallel_loop3A_613 = arith.index_cast %parallel_loop3A_610 : i32 to index
        %parallel_loop3A_614 = arith.index_cast %parallel_loop3A_611 : i32 to index
        %parallel_loop3A_615 = arith.index_cast %parallel_loop3A_612 : i32 to index
        %parallel_loop3A_616 = arith.index_cast %parallel_loop3A_609 : i32 to index
        %parallel_loop3A_617 = tpu.vector_load %arg7[%parallel_loop3A_613, %parallel_loop3A_614, %parallel_loop3A_615, %parallel_loop3A_616] {strides = array<i32>} : memref<2x4x8x1024xf32, #tpu.memory_space<vmem>>, vector<16xf32>,
        tpu.vector_store %arg7[%parallel_loop3A_613, %parallel_loop3A_614, %parallel_loop3A_615, %parallel_loop3A_616], %parallel_loop3A_607 {strides = array<i32>} : memref<2x4x8x1024xf32, #tpu.memory_space<vmem>>, vector<16xf32>,
        %parallel_loop3A_618 = arith.constant 22000 : i32
        %parallel_loop3A_619 = vector.broadcast %parallel_loop3A_618 : i32 to vector<16xi32>
        %parallel_loop3A_620 = arith.addi %parallel_loop3A_309, %parallel_loop3A_619 : vector<16xi32>
        %parallel_loop3A_621 = tpu.vector_load_idx %arg6[%parallel_loop3A_620] : memref<32000xf32, #tpu.memory_space<vmem>>[vector<16xi32>], vector<16xf32>,
        %parallel_loop3A_622 = arith.constant 16 : i32
        %parallel_loop3A_623 = arith.muli %parallel_loop3A_304, %parallel_loop3A_622 : i32
        %parallel_loop3A_624 = arith.constant 0 : i32
        %parallel_loop3A_625 = arith.constant 2 : i32
        %parallel_loop3A_626 = arith.constant 6 : i32
        %parallel_loop3A_627 = arith.index_cast %parallel_loop3A_624 : i32 to index
        %parallel_loop3A_628 = arith.index_cast %parallel_loop3A_625 : i32 to index
        %parallel_loop3A_629 = arith.index_cast %parallel_loop3A_626 : i32 to index
        %parallel_loop3A_630 = arith.index_cast %parallel_loop3A_623 : i32 to index
        %parallel_loop3A_631 = tpu.vector_load %arg7[%parallel_loop3A_627, %parallel_loop3A_628, %parallel_loop3A_629, %parallel_loop3A_630] {strides = array<i32>} : memref<2x4x8x1024xf32, #tpu.memory_space<vmem>>, vector<16xf32>,
        tpu.vector_store %arg7[%parallel_loop3A_627, %parallel_loop3A_628, %parallel_loop3A_629, %parallel_loop3A_630], %parallel_loop3A_621 {strides = array<i32>} : memref<2x4x8x1024xf32, #tpu.memory_space<vmem>>, vector<16xf32>,
        %parallel_loop3A_632 = arith.constant 23000 : i32
        %parallel_loop3A_633 = vector.broadcast %parallel_loop3A_632 : i32 to vector<16xi32>
        %parallel_loop3A_634 = arith.addi %parallel_loop3A_309, %parallel_loop3A_633 : vector<16xi32>
        %parallel_loop3A_635 = tpu.vector_load_idx %arg6[%parallel_loop3A_634] : memref<32000xf32, #tpu.memory_space<vmem>>[vector<16xi32>], vector<16xf32>,
        %parallel_loop3A_636 = arith.constant 16 : i32
        %parallel_loop3A_637 = arith.muli %parallel_loop3A_304, %parallel_loop3A_636 : i32
        %parallel_loop3A_638 = arith.constant 0 : i32
        %parallel_loop3A_639 = arith.constant 2 : i32
        %parallel_loop3A_640 = arith.constant 7 : i32
        %parallel_loop3A_641 = arith.index_cast %parallel_loop3A_638 : i32 to index
        %parallel_loop3A_642 = arith.index_cast %parallel_loop3A_639 : i32 to index
        %parallel_loop3A_643 = arith.index_cast %parallel_loop3A_640 : i32 to index
        %parallel_loop3A_644 = arith.index_cast %parallel_loop3A_637 : i32 to index
        %parallel_loop3A_645 = tpu.vector_load %arg7[%parallel_loop3A_641, %parallel_loop3A_642, %parallel_loop3A_643, %parallel_loop3A_644] {strides = array<i32>} : memref<2x4x8x1024xf32, #tpu.memory_space<vmem>>, vector<16xf32>,
        tpu.vector_store %arg7[%parallel_loop3A_641, %parallel_loop3A_642, %parallel_loop3A_643, %parallel_loop3A_644], %parallel_loop3A_635 {strides = array<i32>} : memref<2x4x8x1024xf32, #tpu.memory_space<vmem>>, vector<16xf32>,
        %parallel_loop3A_646 = arith.constant 24000 : i32
        %parallel_loop3A_647 = vector.broadcast %parallel_loop3A_646 : i32 to vector<16xi32>
        %parallel_loop3A_648 = arith.addi %parallel_loop3A_309, %parallel_loop3A_647 : vector<16xi32>
        %parallel_loop3A_649 = tpu.vector_load_idx %arg6[%parallel_loop3A_648] : memref<32000xf32, #tpu.memory_space<vmem>>[vector<16xi32>], vector<16xf32>,
        %parallel_loop3A_650 = arith.constant 16 : i32
        %parallel_loop3A_651 = arith.muli %parallel_loop3A_304, %parallel_loop3A_650 : i32
        %parallel_loop3A_652 = arith.constant 0 : i32
        %parallel_loop3A_653 = arith.constant 3 : i32
        %parallel_loop3A_654 = arith.constant 0 : i32
        %parallel_loop3A_655 = arith.index_cast %parallel_loop3A_652 : i32 to index
        %parallel_loop3A_656 = arith.index_cast %parallel_loop3A_653 : i32 to index
        %parallel_loop3A_657 = arith.index_cast %parallel_loop3A_654 : i32 to index
        %parallel_loop3A_658 = arith.index_cast %parallel_loop3A_651 : i32 to index
        %parallel_loop3A_659 = tpu.vector_load %arg7[%parallel_loop3A_655, %parallel_loop3A_656, %parallel_loop3A_657, %parallel_loop3A_658] {strides = array<i32>} : memref<2x4x8x1024xf32, #tpu.memory_space<vmem>>, vector<16xf32>,
        tpu.vector_store %arg7[%parallel_loop3A_655, %parallel_loop3A_656, %parallel_loop3A_657, %parallel_loop3A_658], %parallel_loop3A_649 {strides = array<i32>} : memref<2x4x8x1024xf32, #tpu.memory_space<vmem>>, vector<16xf32>,
        %parallel_loop3A_660 = arith.constant 25000 : i32
        %parallel_loop3A_661 = vector.broadcast %parallel_loop3A_660 : i32 to vector<16xi32>
        %parallel_loop3A_662 = arith.addi %parallel_loop3A_309, %parallel_loop3A_661 : vector<16xi32>
        %parallel_loop3A_663 = tpu.vector_load_idx %arg6[%parallel_loop3A_662] : memref<32000xf32, #tpu.memory_space<vmem>>[vector<16xi32>], vector<16xf32>,
        %parallel_loop3A_664 = arith.constant 16 : i32
        %parallel_loop3A_665 = arith.muli %parallel_loop3A_304, %parallel_loop3A_664 : i32
        %parallel_loop3A_666 = arith.constant 0 : i32
        %parallel_loop3A_667 = arith.constant 3 : i32
        %parallel_loop3A_668 = arith.constant 1 : i32
        %parallel_loop3A_669 = arith.index_cast %parallel_loop3A_666 : i32 to index
        %parallel_loop3A_670 = arith.index_cast %parallel_loop3A_667 : i32 to index
        %parallel_loop3A_671 = arith.index_cast %parallel_loop3A_668 : i32 to index
        %parallel_loop3A_672 = arith.index_cast %parallel_loop3A_665 : i32 to index
        %parallel_loop3A_673 = tpu.vector_load %arg7[%parallel_loop3A_669, %parallel_loop3A_670, %parallel_loop3A_671, %parallel_loop3A_672] {strides = array<i32>} : memref<2x4x8x1024xf32, #tpu.memory_space<vmem>>, vector<16xf32>,
        tpu.vector_store %arg7[%parallel_loop3A_669, %parallel_loop3A_670, %parallel_loop3A_671, %parallel_loop3A_672], %parallel_loop3A_663 {strides = array<i32>} : memref<2x4x8x1024xf32, #tpu.memory_space<vmem>>, vector<16xf32>,
        %parallel_loop3A_674 = arith.constant 26000 : i32
        %parallel_loop3A_675 = vector.broadcast %parallel_loop3A_674 : i32 to vector<16xi32>
        %parallel_loop3A_676 = arith.addi %parallel_loop3A_309, %parallel_loop3A_675 : vector<16xi32>
        %parallel_loop3A_677 = tpu.vector_load_idx %arg6[%parallel_loop3A_676] : memref<32000xf32, #tpu.memory_space<vmem>>[vector<16xi32>], vector<16xf32>,
        %parallel_loop3A_678 = arith.constant 16 : i32
        %parallel_loop3A_679 = arith.muli %parallel_loop3A_304, %parallel_loop3A_678 : i32
        %parallel_loop3A_680 = arith.constant 0 : i32
        %parallel_loop3A_681 = arith.constant 3 : i32
        %parallel_loop3A_682 = arith.constant 2 : i32
        %parallel_loop3A_683 = arith.index_cast %parallel_loop3A_680 : i32 to index
        %parallel_loop3A_684 = arith.index_cast %parallel_loop3A_681 : i32 to index
        %parallel_loop3A_685 = arith.index_cast %parallel_loop3A_682 : i32 to index
        %parallel_loop3A_686 = arith.index_cast %parallel_loop3A_679 : i32 to index
        %parallel_loop3A_687 = tpu.vector_load %arg7[%parallel_loop3A_683, %parallel_loop3A_684, %parallel_loop3A_685, %parallel_loop3A_686] {strides = array<i32>} : memref<2x4x8x1024xf32, #tpu.memory_space<vmem>>, vector<16xf32>,
        tpu.vector_store %arg7[%parallel_loop3A_683, %parallel_loop3A_684, %parallel_loop3A_685, %parallel_loop3A_686], %parallel_loop3A_677 {strides = array<i32>} : memref<2x4x8x1024xf32, #tpu.memory_space<vmem>>, vector<16xf32>,
        %parallel_loop3A_688 = arith.constant 27000 : i32
        %parallel_loop3A_689 = vector.broadcast %parallel_loop3A_688 : i32 to vector<16xi32>
        %parallel_loop3A_690 = arith.addi %parallel_loop3A_309, %parallel_loop3A_689 : vector<16xi32>
        %parallel_loop3A_691 = tpu.vector_load_idx %arg6[%parallel_loop3A_690] : memref<32000xf32, #tpu.memory_space<vmem>>[vector<16xi32>], vector<16xf32>,
        %parallel_loop3A_692 = arith.constant 16 : i32
        %parallel_loop3A_693 = arith.muli %parallel_loop3A_304, %parallel_loop3A_692 : i32
        %parallel_loop3A_694 = arith.constant 0 : i32
        %parallel_loop3A_695 = arith.constant 3 : i32
        %parallel_loop3A_696 = arith.constant 3 : i32
        %parallel_loop3A_697 = arith.index_cast %parallel_loop3A_694 : i32 to index
        %parallel_loop3A_698 = arith.index_cast %parallel_loop3A_695 : i32 to index
        %parallel_loop3A_699 = arith.index_cast %parallel_loop3A_696 : i32 to index
        %parallel_loop3A_700 = arith.index_cast %parallel_loop3A_693 : i32 to index
        %parallel_loop3A_701 = tpu.vector_load %arg7[%parallel_loop3A_697, %parallel_loop3A_698, %parallel_loop3A_699, %parallel_loop3A_700] {strides = array<i32>} : memref<2x4x8x1024xf32, #tpu.memory_space<vmem>>, vector<16xf32>,
        tpu.vector_store %arg7[%parallel_loop3A_697, %parallel_loop3A_698, %parallel_loop3A_699, %parallel_loop3A_700], %parallel_loop3A_691 {strides = array<i32>} : memref<2x4x8x1024xf32, #tpu.memory_space<vmem>>, vector<16xf32>,
        %parallel_loop3A_702 = arith.constant 28000 : i32
        %parallel_loop3A_703 = vector.broadcast %parallel_loop3A_702 : i32 to vector<16xi32>
        %parallel_loop3A_704 = arith.addi %parallel_loop3A_309, %parallel_loop3A_703 : vector<16xi32>
        %parallel_loop3A_705 = tpu.vector_load_idx %arg6[%parallel_loop3A_704] : memref<32000xf32, #tpu.memory_space<vmem>>[vector<16xi32>], vector<16xf32>,
        %parallel_loop3A_706 = arith.constant 16 : i32
        %parallel_loop3A_707 = arith.muli %parallel_loop3A_304, %parallel_loop3A_706 : i32
        %parallel_loop3A_708 = arith.constant 0 : i32
        %parallel_loop3A_709 = arith.constant 3 : i32
        %parallel_loop3A_710 = arith.constant 4 : i32
        %parallel_loop3A_711 = arith.index_cast %parallel_loop3A_708 : i32 to index
        %parallel_loop3A_712 = arith.index_cast %parallel_loop3A_709 : i32 to index
        %parallel_loop3A_713 = arith.index_cast %parallel_loop3A_710 : i32 to index
        %parallel_loop3A_714 = arith.index_cast %parallel_loop3A_707 : i32 to index
        %parallel_loop3A_715 = tpu.vector_load %arg7[%parallel_loop3A_711, %parallel_loop3A_712, %parallel_loop3A_713, %parallel_loop3A_714] {strides = array<i32>} : memref<2x4x8x1024xf32, #tpu.memory_space<vmem>>, vector<16xf32>,
        tpu.vector_store %arg7[%parallel_loop3A_711, %parallel_loop3A_712, %parallel_loop3A_713, %parallel_loop3A_714], %parallel_loop3A_705 {strides = array<i32>} : memref<2x4x8x1024xf32, #tpu.memory_space<vmem>>, vector<16xf32>,
        %parallel_loop3A_716 = arith.constant 29000 : i32
        %parallel_loop3A_717 = vector.broadcast %parallel_loop3A_716 : i32 to vector<16xi32>
        %parallel_loop3A_718 = arith.addi %parallel_loop3A_309, %parallel_loop3A_717 : vector<16xi32>
        %parallel_loop3A_719 = tpu.vector_load_idx %arg6[%parallel_loop3A_718] : memref<32000xf32, #tpu.memory_space<vmem>>[vector<16xi32>], vector<16xf32>,
        %parallel_loop3A_720 = arith.constant 16 : i32
        %parallel_loop3A_721 = arith.muli %parallel_loop3A_304, %parallel_loop3A_720 : i32
        %parallel_loop3A_722 = arith.constant 0 : i32
        %parallel_loop3A_723 = arith.constant 3 : i32
        %parallel_loop3A_724 = arith.constant 5 : i32
        %parallel_loop3A_725 = arith.index_cast %parallel_loop3A_722 : i32 to index
        %parallel_loop3A_726 = arith.index_cast %parallel_loop3A_723 : i32 to index
        %parallel_loop3A_727 = arith.index_cast %parallel_loop3A_724 : i32 to index
        %parallel_loop3A_728 = arith.index_cast %parallel_loop3A_721 : i32 to index
        %parallel_loop3A_729 = tpu.vector_load %arg7[%parallel_loop3A_725, %parallel_loop3A_726, %parallel_loop3A_727, %parallel_loop3A_728] {strides = array<i32>} : memref<2x4x8x1024xf32, #tpu.memory_space<vmem>>, vector<16xf32>,
        tpu.vector_store %arg7[%parallel_loop3A_725, %parallel_loop3A_726, %parallel_loop3A_727, %parallel_loop3A_728], %parallel_loop3A_719 {strides = array<i32>} : memref<2x4x8x1024xf32, #tpu.memory_space<vmem>>, vector<16xf32>,
        %parallel_loop3A_730 = arith.constant 30000 : i32
        %parallel_loop3A_731 = vector.broadcast %parallel_loop3A_730 : i32 to vector<16xi32>
        %parallel_loop3A_732 = arith.addi %parallel_loop3A_309, %parallel_loop3A_731 : vector<16xi32>
        %parallel_loop3A_733 = tpu.vector_load_idx %arg6[%parallel_loop3A_732] : memref<32000xf32, #tpu.memory_space<vmem>>[vector<16xi32>], vector<16xf32>,
        %parallel_loop3A_734 = arith.constant 16 : i32
        %parallel_loop3A_735 = arith.muli %parallel_loop3A_304, %parallel_loop3A_734 : i32
        %parallel_loop3A_736 = arith.constant 0 : i32
        %parallel_loop3A_737 = arith.constant 3 : i32
        %parallel_loop3A_738 = arith.constant 6 : i32
        %parallel_loop3A_739 = arith.index_cast %parallel_loop3A_736 : i32 to index
        %parallel_loop3A_740 = arith.index_cast %parallel_loop3A_737 : i32 to index
        %parallel_loop3A_741 = arith.index_cast %parallel_loop3A_738 : i32 to index
        %parallel_loop3A_742 = arith.index_cast %parallel_loop3A_735 : i32 to index
        %parallel_loop3A_743 = tpu.vector_load %arg7[%parallel_loop3A_739, %parallel_loop3A_740, %parallel_loop3A_741, %parallel_loop3A_742] {strides = array<i32>} : memref<2x4x8x1024xf32, #tpu.memory_space<vmem>>, vector<16xf32>,
        tpu.vector_store %arg7[%parallel_loop3A_739, %parallel_loop3A_740, %parallel_loop3A_741, %parallel_loop3A_742], %parallel_loop3A_733 {strides = array<i32>} : memref<2x4x8x1024xf32, #tpu.memory_space<vmem>>, vector<16xf32>,
        %parallel_loop3A_744 = arith.constant 31000 : i32
        %parallel_loop3A_745 = vector.broadcast %parallel_loop3A_744 : i32 to vector<16xi32>
        %parallel_loop3A_746 = arith.addi %parallel_loop3A_309, %parallel_loop3A_745 : vector<16xi32>
        %parallel_loop3A_747 = tpu.vector_load_idx %arg6[%parallel_loop3A_746] : memref<32000xf32, #tpu.memory_space<vmem>>[vector<16xi32>], vector<16xf32>,
        %parallel_loop3A_748 = arith.constant 16 : i32
        %parallel_loop3A_749 = arith.muli %parallel_loop3A_304, %parallel_loop3A_748 : i32
        %parallel_loop3A_750 = arith.constant 0 : i32
        %parallel_loop3A_751 = arith.constant 3 : i32
        %parallel_loop3A_752 = arith.constant 7 : i32
        %parallel_loop3A_753 = arith.index_cast %parallel_loop3A_750 : i32 to index
        %parallel_loop3A_754 = arith.index_cast %parallel_loop3A_751 : i32 to index
        %parallel_loop3A_755 = arith.index_cast %parallel_loop3A_752 : i32 to index
        %parallel_loop3A_756 = arith.index_cast %parallel_loop3A_749 : i32 to index
        %parallel_loop3A_757 = tpu.vector_load %arg7[%parallel_loop3A_753, %parallel_loop3A_754, %parallel_loop3A_755, %parallel_loop3A_756] {strides = array<i32>} : memref<2x4x8x1024xf32, #tpu.memory_space<vmem>>, vector<16xf32>,
        tpu.vector_store %arg7[%parallel_loop3A_753, %parallel_loop3A_754, %parallel_loop3A_755, %parallel_loop3A_756], %parallel_loop3A_747 {strides = array<i32>} : memref<2x4x8x1024xf32, #tpu.memory_space<vmem>>, vector<16xf32>,
      } {sc.loop_unroll_factor = 1 : i64, sc.parallel_access}
      %not3A_169 = arith.constant true
      %not3A_170 = arith.xori %le3A_7, %not3A_169 : i1
      %add3A_171 = arith.constant 0 : i32
      %add3A_172 = arith.addi %mul3A_4, %add3A_171 : i32
      %lt3A_173 = arith.constant 125 : i32
      %lt3A_174 = arith.cmpi slt, %add3A_172, %lt3A_173 : i32
      %and3A_175 = arith.andi %not3A_170, %lt3A_174 : i1
      %add3A_176 = arith.constant 0 : i32
      %add3A_177 = arith.addi %mul3A_4, %add3A_176 : i32
      %not3A_178 = arith.constant true
      %not3A_179 = arith.xori %le3A_7, %not3A_178 : i1
      %add3A_180 = arith.constant 1 : i32
      %add3A_181 = arith.addi %mul3A_4, %add3A_180 : i32
      %lt3A_182 = arith.constant 125 : i32
      %lt3A_183 = arith.cmpi slt, %add3A_181, %lt3A_182 : i32
      %and3A_184 = arith.andi %not3A_179, %lt3A_183 : i1
      %add3A_185 = arith.constant 1 : i32
      %add3A_186 = arith.addi %mul3A_4, %add3A_185 : i32
      %not3A_187 = arith.constant true
      %not3A_188 = arith.xori %le3A_7, %not3A_187 : i1
      %add3A_189 = arith.constant 2 : i32
      %add3A_190 = arith.addi %mul3A_4, %add3A_189 : i32
      %lt3A_191 = arith.constant 125 : i32
      %lt3A_192 = arith.cmpi slt, %add3A_190, %lt3A_191 : i32
      %and3A_193 = arith.andi %not3A_188, %lt3A_192 : i1
      %add3A_194 = arith.constant 2 : i32
      %add3A_195 = arith.addi %mul3A_4, %add3A_194 : i32
      %not3A_196 = arith.constant true
      %not3A_197 = arith.xori %le3A_7, %not3A_196 : i1
      %add3A_198 = arith.constant 3 : i32
      %add3A_199 = arith.addi %mul3A_4, %add3A_198 : i32
      %lt3A_200 = arith.constant 125 : i32
      %lt3A_201 = arith.cmpi slt, %add3A_199, %lt3A_200 : i32
      %and3A_202 = arith.andi %not3A_197, %lt3A_201 : i1
      %add3A_203 = arith.constant 3 : i32
      %add3A_204 = arith.addi %mul3A_4, %add3A_203 : i32
      %convert_element_type3A_205 = arith.extui %le3A_7 : i1 to i32
      %cond3A_206 = arith.constant 0 : i32
      %cond3A_207 = arith.constant 0 : i32
      %cond3A_208 = arith.cmpi ne, %convert_element_type3A_205, %cond3A_207 : i32
      scf.if %cond3A_208 {
        %dma_start3A = arith.constant 0 : i32
        %dma_start3A_304 = arith.constant 0 : i32
        %dma_start3A_305 = arith.constant 0 : i32
        %dma_start3A_306 = tpu.memref_slice %arg7[%cond3A_206, %dma_start3A, %dma_start3A_304, %dma_start3A_305] : memref<2x4x8x1024xf32, #tpu.memory_space<vmem>> -> memref<1x4x8x1024xf32, #tpu.memory_space<vmem>>
        %dma_start3A_307 = tpu.memref_squeeze %dma_start3A_306 : memref<1x4x8x1024xf32, #tpu.memory_space<vmem>> -> memref<4x8x1024xf32, #tpu.memory_space<vmem>>
        %dma_start3A_308 = arith.constant 0 : i32
        %dma_start3A_309 = tpu.memref_slice %arg4[%mul3A_4, %dma_start3A_308, %multiple_of3A] : memref<125x8x16384xf32, #tpu.memory_space<hbm>> -> memref<4x8x1024xf32, #tpu.memory_space<hbm>>
        %dma_start3A_310 = arith.constant 0 : i32
        %dma_start3A_311 = tpu.memref_slice %arg4[%mul3A_4, %dma_start3A_310, %multiple_of3A] : memref<125x8x16384xf32, #tpu.memory_space<hbm>> -> memref<4x8x1024xf32, #tpu.memory_space<hbm>>
        %dma_start3A_312 = arith.constant 0 : i32
        %dma_start3A_313 = arith.constant 0 : i32
        %dma_start3A_314 = arith.constant 0 : i32
        %dma_start3A_315 = tpu.memref_slice %arg7[%cond3A_206, %dma_start3A_312, %dma_start3A_313, %dma_start3A_314] : memref<2x4x8x1024xf32, #tpu.memory_space<vmem>> -> memref<1x4x8x1024xf32, #tpu.memory_space<vmem>>
        %dma_start3A_316 = tpu.memref_squeeze %dma_start3A_315 : memref<1x4x8x1024xf32, #tpu.memory_space<vmem>> -> memref<4x8x1024xf32, #tpu.memory_space<vmem>>
        tpu.enqueue_dma source(%dma_start3A_316 : memref<4x8x1024xf32, #tpu.memory_space<vmem>>) target(%dma_start3A_311 : memref<4x8x1024xf32, #tpu.memory_space<hbm>>) target_semaphore(%arg8 : memref<!tpu.dma_semaphore, #tpu.memory_space<semaphore_mem>>)
      } else {
      }
      %convert_element_type3A_209 = arith.extui %and3A_175 : i1 to i32
      %cond3A_210 = arith.constant 0 : i32
      %cond3A_211 = arith.constant 0 : i32
      %cond3A_212 = arith.constant 0 : i32
      %cond3A_213 = arith.cmpi ne, %convert_element_type3A_209, %cond3A_212 : i32
      scf.if %cond3A_213 {
        %dma_start3A = arith.constant 0 : i32
        %dma_start3A_304 = arith.constant 0 : i32
        %dma_start3A_305 = tpu.memref_slice %arg7[%cond3A_210, %cond3A_211, %dma_start3A, %dma_start3A_304] : memref<2x4x8x1024xf32, #tpu.memory_space<vmem>> -> memref<1x1x8x1024xf32, #tpu.memory_space<vmem>>
        %dma_start3A_306 = tpu.memref_squeeze %dma_start3A_305 : memref<1x1x8x1024xf32, #tpu.memory_space<vmem>> -> memref<8x1024xf32, #tpu.memory_space<vmem>>
        %dma_start3A_307 = arith.constant 0 : i32
        %dma_start3A_308 = tpu.memref_slice %arg4[%add3A_177, %dma_start3A_307, %multiple_of3A] : memref<125x8x16384xf32, #tpu.memory_space<hbm>> -> memref<1x8x1024xf32, #tpu.memory_space<hbm>>
        %dma_start3A_309 = tpu.memref_squeeze %dma_start3A_308 : memref<1x8x1024xf32, #tpu.memory_space<hbm>> -> memref<8x1024xf32, #tpu.memory_space<hbm>>
        %dma_start3A_310 = arith.constant 0 : i32
        %dma_start3A_311 = tpu.memref_slice %arg4[%add3A_177, %dma_start3A_310, %multiple_of3A] : memref<125x8x16384xf32, #tpu.memory_space<hbm>> -> memref<1x8x1024xf32, #tpu.memory_space<hbm>>
        %dma_start3A_312 = tpu.memref_squeeze %dma_start3A_311 : memref<1x8x1024xf32, #tpu.memory_space<hbm>> -> memref<8x1024xf32, #tpu.memory_space<hbm>>
        %dma_start3A_313 = arith.constant 0 : i32
        %dma_start3A_314 = arith.constant 0 : i32
        %dma_start3A_315 = tpu.memref_slice %arg7[%cond3A_210, %cond3A_211, %dma_start3A_313, %dma_start3A_314] : memref<2x4x8x1024xf32, #tpu.memory_space<vmem>> -> memref<1x1x8x1024xf32, #tpu.memory_space<vmem>>
        %dma_start3A_316 = tpu.memref_squeeze %dma_start3A_315 : memref<1x1x8x1024xf32, #tpu.memory_space<vmem>> -> memref<8x1024xf32, #tpu.memory_space<vmem>>
        tpu.enqueue_dma source(%dma_start3A_316 : memref<8x1024xf32, #tpu.memory_space<vmem>>) target(%dma_start3A_312 : memref<8x1024xf32, #tpu.memory_space<hbm>>) target_semaphore(%arg8 : memref<!tpu.dma_semaphore, #tpu.memory_space<semaphore_mem>>)
      } else {
      }
      %convert_element_type3A_214 = arith.extui %and3A_184 : i1 to i32
      %cond3A_215 = arith.constant 0 : i32
      %cond3A_216 = arith.constant 1 : i32
      %cond3A_217 = arith.constant 0 : i32
      %cond3A_218 = arith.cmpi ne, %convert_element_type3A_214, %cond3A_217 : i32
      scf.if %cond3A_218 {
        %dma_start3A = arith.constant 0 : i32
        %dma_start3A_304 = arith.constant 0 : i32
        %dma_start3A_305 = tpu.memref_slice %arg7[%cond3A_215, %cond3A_216, %dma_start3A, %dma_start3A_304] : memref<2x4x8x1024xf32, #tpu.memory_space<vmem>> -> memref<1x1x8x1024xf32, #tpu.memory_space<vmem>>
        %dma_start3A_306 = tpu.memref_squeeze %dma_start3A_305 : memref<1x1x8x1024xf32, #tpu.memory_space<vmem>> -> memref<8x1024xf32, #tpu.memory_space<vmem>>
        %dma_start3A_307 = arith.constant 0 : i32
        %dma_start3A_308 = tpu.memref_slice %arg4[%add3A_186, %dma_start3A_307, %multiple_of3A] : memref<125x8x16384xf32, #tpu.memory_space<hbm>> -> memref<1x8x1024xf32, #tpu.memory_space<hbm>>
        %dma_start3A_309 = tpu.memref_squeeze %dma_start3A_308 : memref<1x8x1024xf32, #tpu.memory_space<hbm>> -> memref<8x1024xf32, #tpu.memory_space<hbm>>
        %dma_start3A_310 = arith.constant 0 : i32
        %dma_start3A_311 = tpu.memref_slice %arg4[%add3A_186, %dma_start3A_310, %multiple_of3A] : memref<125x8x16384xf32, #tpu.memory_space<hbm>> -> memref<1x8x1024xf32, #tpu.memory_space<hbm>>
        %dma_start3A_312 = tpu.memref_squeeze %dma_start3A_311 : memref<1x8x1024xf32, #tpu.memory_space<hbm>> -> memref<8x1024xf32, #tpu.memory_space<hbm>>
        %dma_start3A_313 = arith.constant 0 : i32
        %dma_start3A_314 = arith.constant 0 : i32
        %dma_start3A_315 = tpu.memref_slice %arg7[%cond3A_215, %cond3A_216, %dma_start3A_313, %dma_start3A_314] : memref<2x4x8x1024xf32, #tpu.memory_space<vmem>> -> memref<1x1x8x1024xf32, #tpu.memory_space<vmem>>
        %dma_start3A_316 = tpu.memref_squeeze %dma_start3A_315 : memref<1x1x8x1024xf32, #tpu.memory_space<vmem>> -> memref<8x1024xf32, #tpu.memory_space<vmem>>
        tpu.enqueue_dma source(%dma_start3A_316 : memref<8x1024xf32, #tpu.memory_space<vmem>>) target(%dma_start3A_312 : memref<8x1024xf32, #tpu.memory_space<hbm>>) target_semaphore(%arg8 : memref<!tpu.dma_semaphore, #tpu.memory_space<semaphore_mem>>)
      } else {
      }
      %convert_element_type3A_219 = arith.extui %and3A_193 : i1 to i32
      %cond3A_220 = arith.constant 0 : i32
      %cond3A_221 = arith.constant 2 : i32
      %cond3A_222 = arith.constant 0 : i32
      %cond3A_223 = arith.cmpi ne, %convert_element_type3A_219, %cond3A_222 : i32
      scf.if %cond3A_223 {
        %dma_start3A = arith.constant 0 : i32
        %dma_start3A_304 = arith.constant 0 : i32
        %dma_start3A_305 = tpu.memref_slice %arg7[%cond3A_220, %cond3A_221, %dma_start3A, %dma_start3A_304] : memref<2x4x8x1024xf32, #tpu.memory_space<vmem>> -> memref<1x1x8x1024xf32, #tpu.memory_space<vmem>>
        %dma_start3A_306 = tpu.memref_squeeze %dma_start3A_305 : memref<1x1x8x1024xf32, #tpu.memory_space<vmem>> -> memref<8x1024xf32, #tpu.memory_space<vmem>>
        %dma_start3A_307 = arith.constant 0 : i32
        %dma_start3A_308 = tpu.memref_slice %arg4[%add3A_195, %dma_start3A_307, %multiple_of3A] : memref<125x8x16384xf32, #tpu.memory_space<hbm>> -> memref<1x8x1024xf32, #tpu.memory_space<hbm>>
        %dma_start3A_309 = tpu.memref_squeeze %dma_start3A_308 : memref<1x8x1024xf32, #tpu.memory_space<hbm>> -> memref<8x1024xf32, #tpu.memory_space<hbm>>
        %dma_start3A_310 = arith.constant 0 : i32
        %dma_start3A_311 = tpu.memref_slice %arg4[%add3A_195, %dma_start3A_310, %multiple_of3A] : memref<125x8x16384xf32, #tpu.memory_space<hbm>> -> memref<1x8x1024xf32, #tpu.memory_space<hbm>>
        %dma_start3A_312 = tpu.memref_squeeze %dma_start3A_311 : memref<1x8x1024xf32, #tpu.memory_space<hbm>> -> memref<8x1024xf32, #tpu.memory_space<hbm>>
        %dma_start3A_313 = arith.constant 0 : i32
        %dma_start3A_314 = arith.constant 0 : i32
        %dma_start3A_315 = tpu.memref_slice %arg7[%cond3A_220, %cond3A_221, %dma_start3A_313, %dma_start3A_314] : memref<2x4x8x1024xf32, #tpu.memory_space<vmem>> -> memref<1x1x8x1024xf32, #tpu.memory_space<vmem>>
        %dma_start3A_316 = tpu.memref_squeeze %dma_start3A_315 : memref<1x1x8x1024xf32, #tpu.memory_space<vmem>> -> memref<8x1024xf32, #tpu.memory_space<vmem>>
        tpu.enqueue_dma source(%dma_start3A_316 : memref<8x1024xf32, #tpu.memory_space<vmem>>) target(%dma_start3A_312 : memref<8x1024xf32, #tpu.memory_space<hbm>>) target_semaphore(%arg8 : memref<!tpu.dma_semaphore, #tpu.memory_space<semaphore_mem>>)
      } else {
      }
      %convert_element_type3A_224 = arith.extui %and3A_202 : i1 to i32
      %cond3A_225 = arith.constant 0 : i32
      %cond3A_226 = arith.constant 3 : i32
      %cond3A_227 = arith.constant 0 : i32
      %cond3A_228 = arith.cmpi ne, %convert_element_type3A_224, %cond3A_227 : i32
      scf.if %cond3A_228 {
        %dma_start3A = arith.constant 0 : i32
        %dma_start3A_304 = arith.constant 0 : i32
        %dma_start3A_305 = tpu.memref_slice %arg7[%cond3A_225, %cond3A_226, %dma_start3A, %dma_start3A_304] : memref<2x4x8x1024xf32, #tpu.memory_space<vmem>> -> memref<1x1x8x1024xf32, #tpu.memory_space<vmem>>
        %dma_start3A_306 = tpu.memref_squeeze %dma_start3A_305 : memref<1x1x8x1024xf32, #tpu.memory_space<vmem>> -> memref<8x1024xf32, #tpu.memory_space<vmem>>
        %dma_start3A_307 = arith.constant 0 : i32
        %dma_start3A_308 = tpu.memref_slice %arg4[%add3A_204, %dma_start3A_307, %multiple_of3A] : memref<125x8x16384xf32, #tpu.memory_space<hbm>> -> memref<1x8x1024xf32, #tpu.memory_space<hbm>>
        %dma_start3A_309 = tpu.memref_squeeze %dma_start3A_308 : memref<1x8x1024xf32, #tpu.memory_space<hbm>> -> memref<8x1024xf32, #tpu.memory_space<hbm>>
        %dma_start3A_310 = arith.constant 0 : i32
        %dma_start3A_311 = tpu.memref_slice %arg4[%add3A_204, %dma_start3A_310, %multiple_of3A] : memref<125x8x16384xf32, #tpu.memory_space<hbm>> -> memref<1x8x1024xf32, #tpu.memory_space<hbm>>
        %dma_start3A_312 = tpu.memref_squeeze %dma_start3A_311 : memref<1x8x1024xf32, #tpu.memory_space<hbm>> -> memref<8x1024xf32, #tpu.memory_space<hbm>>
        %dma_start3A_313 = arith.constant 0 : i32
        %dma_start3A_314 = arith.constant 0 : i32
        %dma_start3A_315 = tpu.memref_slice %arg7[%cond3A_225, %cond3A_226, %dma_start3A_313, %dma_start3A_314] : memref<2x4x8x1024xf32, #tpu.memory_space<vmem>> -> memref<1x1x8x1024xf32, #tpu.memory_space<vmem>>
        %dma_start3A_316 = tpu.memref_squeeze %dma_start3A_315 : memref<1x1x8x1024xf32, #tpu.memory_space<vmem>> -> memref<8x1024xf32, #tpu.memory_space<vmem>>
        tpu.enqueue_dma source(%dma_start3A_316 : memref<8x1024xf32, #tpu.memory_space<vmem>>) target(%dma_start3A_312 : memref<8x1024xf32, #tpu.memory_space<hbm>>) target_semaphore(%arg8 : memref<!tpu.dma_semaphore, #tpu.memory_space<semaphore_mem>>)
      } else {
      }
      %ge3A_229 = arith.constant 1 : i32
      %ge3A_230 = arith.cmpi sge, %scan3A_156, %ge3A_229 : i32
      %mul3A_231 = arith.constant 2 : i32
      %mul3A_232 = arith.muli %mul3A_231, %scan3A_156 : i32
      %add3A_233 = arith.constant 1 : i32
      %add3A_234 = arith.addi %mul3A_232, %add3A_233 : i32
      %mul3A_235 = arith.constant 1024 : i32
      %mul3A_236 = arith.muli %add3A_234, %mul3A_235 : i32
      %multiple_of3A_237 = tpu.assume_multiple %mul3A_236, 1024 : i32
      %convert_element_type3A_238 = arith.extui %ge3A_230 : i1 to i32
      %cond3A_239 = arith.constant 0 : i32
      %cond3A_240 = arith.cmpi ne, %convert_element_type3A_238, %cond3A_239 : i32
      scf.if %cond3A_240 {
        %not3A_304 = arith.constant true
        %not3A_305 = arith.xori %le3A_7, %not3A_304 : i1
        %add3A_306 = arith.constant 0 : i32
        %add3A_307 = arith.addi %mul3A_4, %add3A_306 : i32
        %lt3A_308 = arith.constant 125 : i32
        %lt3A_309 = arith.cmpi slt, %add3A_307, %lt3A_308 : i32
        %and3A_310 = arith.andi %not3A_305, %lt3A_309 : i1
        %add3A_311 = arith.constant 0 : i32
        %add3A_312 = arith.addi %mul3A_4, %add3A_311 : i32
        %not3A_313 = arith.constant true
        %not3A_314 = arith.xori %le3A_7, %not3A_313 : i1
        %add3A_315 = arith.constant 1 : i32
        %add3A_316 = arith.addi %mul3A_4, %add3A_315 : i32
        %lt3A_317 = arith.constant 125 : i32
        %lt3A_318 = arith.cmpi slt, %add3A_316, %lt3A_317 : i32
        %and3A_319 = arith.andi %not3A_314, %lt3A_318 : i1
        %add3A_320 = arith.constant 1 : i32
        %add3A_321 = arith.addi %mul3A_4, %add3A_320 : i32
        %not3A_322 = arith.constant true
        %not3A_323 = arith.xori %le3A_7, %not3A_322 : i1
        %add3A_324 = arith.constant 2 : i32
        %add3A_325 = arith.addi %mul3A_4, %add3A_324 : i32
        %lt3A_326 = arith.constant 125 : i32
        %lt3A_327 = arith.cmpi slt, %add3A_325, %lt3A_326 : i32
        %and3A_328 = arith.andi %not3A_323, %lt3A_327 : i1
        %add3A_329 = arith.constant 2 : i32
        %add3A_330 = arith.addi %mul3A_4, %add3A_329 : i32
        %not3A_331 = arith.constant true
        %not3A_332 = arith.xori %le3A_7, %not3A_331 : i1
        %add3A_333 = arith.constant 3 : i32
        %add3A_334 = arith.addi %mul3A_4, %add3A_333 : i32
        %lt3A_335 = arith.constant 125 : i32
        %lt3A_336 = arith.cmpi slt, %add3A_334, %lt3A_335 : i32
        %and3A_337 = arith.andi %not3A_332, %lt3A_336 : i1
        %add3A_338 = arith.constant 3 : i32
        %add3A_339 = arith.addi %mul3A_4, %add3A_338 : i32
        %convert_element_type3A_340 = arith.extui %le3A_7 : i1 to i32
        %cond3A_341 = arith.constant 1 : i32
        %cond3A_342 = arith.constant 0 : i32
        %cond3A_343 = arith.cmpi ne, %convert_element_type3A_340, %cond3A_342 : i32
        scf.if %cond3A_343 {
          %dma_wait3A = arith.constant 0 : i32
          %dma_wait3A_364 = arith.constant 0 : i32
          %dma_wait3A_365 = arith.constant 0 : i32
          %dma_wait3A_366 = tpu.memref_slice %arg7[%cond3A_341, %dma_wait3A, %dma_wait3A_364, %dma_wait3A_365] : memref<2x4x8x1024xf32, #tpu.memory_space<vmem>> -> memref<1x4x8x1024xf32, #tpu.memory_space<vmem>>
          %dma_wait3A_367 = tpu.memref_squeeze %dma_wait3A_366 : memref<1x4x8x1024xf32, #tpu.memory_space<vmem>> -> memref<4x8x1024xf32, #tpu.memory_space<vmem>>
          %dma_wait3A_368 = arith.constant 0 : i32
          %dma_wait3A_369 = tpu.memref_slice %arg4[%mul3A_4, %dma_wait3A_368, %multiple_of3A_237] : memref<125x8x16384xf32, #tpu.memory_space<hbm>> -> memref<4x8x1024xf32, #tpu.memory_space<hbm>>
          %dma_wait3A_370 = arith.constant 0 : i32
          %dma_wait3A_371 = tpu.memref_slice %arg4[%mul3A_4, %dma_wait3A_370, %multiple_of3A_237] : memref<125x8x16384xf32, #tpu.memory_space<hbm>> -> memref<4x8x1024xf32, #tpu.memory_space<hbm>>
          %dma_wait3A_372 = arith.constant 0 : i32
          %dma_wait3A_373 = arith.constant 0 : i32
          %dma_wait3A_374 = arith.constant 0 : i32
          %dma_wait3A_375 = tpu.memref_slice %arg7[%cond3A_341, %dma_wait3A_372, %dma_wait3A_373, %dma_wait3A_374] : memref<2x4x8x1024xf32, #tpu.memory_space<vmem>> -> memref<1x4x8x1024xf32, #tpu.memory_space<vmem>>
          %dma_wait3A_376 = tpu.memref_squeeze %dma_wait3A_375 : memref<1x4x8x1024xf32, #tpu.memory_space<vmem>> -> memref<4x8x1024xf32, #tpu.memory_space<vmem>>
          tpu.wait_dma2 semaphore(%arg9 : memref<!tpu.dma_semaphore, #tpu.memory_space<semaphore_mem>>) src(%dma_wait3A_376 : memref<4x8x1024xf32, #tpu.memory_space<vmem>>) dst(%dma_wait3A_371 : memref<4x8x1024xf32, #tpu.memory_space<hbm>>)
        } else {
        }
        %convert_element_type3A_344 = arith.extui %and3A_310 : i1 to i32
        %cond3A_345 = arith.constant 1 : i32
        %cond3A_346 = arith.constant 0 : i32
        %cond3A_347 = arith.constant 0 : i32
        %cond3A_348 = arith.cmpi ne, %convert_element_type3A_344, %cond3A_347 : i32
        scf.if %cond3A_348 {
          %dma_wait3A = arith.constant 0 : i32
          %dma_wait3A_364 = arith.constant 0 : i32
          %dma_wait3A_365 = tpu.memref_slice %arg7[%cond3A_345, %cond3A_346, %dma_wait3A, %dma_wait3A_364] : memref<2x4x8x1024xf32, #tpu.memory_space<vmem>> -> memref<1x1x8x1024xf32, #tpu.memory_space<vmem>>
          %dma_wait3A_366 = tpu.memref_squeeze %dma_wait3A_365 : memref<1x1x8x1024xf32, #tpu.memory_space<vmem>> -> memref<8x1024xf32, #tpu.memory_space<vmem>>
          %dma_wait3A_367 = arith.constant 0 : i32
          %dma_wait3A_368 = tpu.memref_slice %arg4[%add3A_312, %dma_wait3A_367, %multiple_of3A_237] : memref<125x8x16384xf32, #tpu.memory_space<hbm>> -> memref<1x8x1024xf32, #tpu.memory_space<hbm>>
          %dma_wait3A_369 = tpu.memref_squeeze %dma_wait3A_368 : memref<1x8x1024xf32, #tpu.memory_space<hbm>> -> memref<8x1024xf32, #tpu.memory_space<hbm>>
          %dma_wait3A_370 = arith.constant 0 : i32
          %dma_wait3A_371 = tpu.memref_slice %arg4[%add3A_312, %dma_wait3A_370, %multiple_of3A_237] : memref<125x8x16384xf32, #tpu.memory_space<hbm>> -> memref<1x8x1024xf32, #tpu.memory_space<hbm>>
          %dma_wait3A_372 = tpu.memref_squeeze %dma_wait3A_371 : memref<1x8x1024xf32, #tpu.memory_space<hbm>> -> memref<8x1024xf32, #tpu.memory_space<hbm>>
          %dma_wait3A_373 = arith.constant 0 : i32
          %dma_wait3A_374 = arith.constant 0 : i32
          %dma_wait3A_375 = tpu.memref_slice %arg7[%cond3A_345, %cond3A_346, %dma_wait3A_373, %dma_wait3A_374] : memref<2x4x8x1024xf32, #tpu.memory_space<vmem>> -> memref<1x1x8x1024xf32, #tpu.memory_space<vmem>>
          %dma_wait3A_376 = tpu.memref_squeeze %dma_wait3A_375 : memref<1x1x8x1024xf32, #tpu.memory_space<vmem>> -> memref<8x1024xf32, #tpu.memory_space<vmem>>
          tpu.wait_dma2 semaphore(%arg9 : memref<!tpu.dma_semaphore, #tpu.memory_space<semaphore_mem>>) src(%dma_wait3A_376 : memref<8x1024xf32, #tpu.memory_space<vmem>>) dst(%dma_wait3A_372 : memref<8x1024xf32, #tpu.memory_space<hbm>>)
        } else {
        }
        %convert_element_type3A_349 = arith.extui %and3A_319 : i1 to i32
        %cond3A_350 = arith.constant 1 : i32
        %cond3A_351 = arith.constant 1 : i32
        %cond3A_352 = arith.constant 0 : i32
        %cond3A_353 = arith.cmpi ne, %convert_element_type3A_349, %cond3A_352 : i32
        scf.if %cond3A_353 {
          %dma_wait3A = arith.constant 0 : i32
          %dma_wait3A_364 = arith.constant 0 : i32
          %dma_wait3A_365 = tpu.memref_slice %arg7[%cond3A_350, %cond3A_351, %dma_wait3A, %dma_wait3A_364] : memref<2x4x8x1024xf32, #tpu.memory_space<vmem>> -> memref<1x1x8x1024xf32, #tpu.memory_space<vmem>>
          %dma_wait3A_366 = tpu.memref_squeeze %dma_wait3A_365 : memref<1x1x8x1024xf32, #tpu.memory_space<vmem>> -> memref<8x1024xf32, #tpu.memory_space<vmem>>
          %dma_wait3A_367 = arith.constant 0 : i32
          %dma_wait3A_368 = tpu.memref_slice %arg4[%add3A_321, %dma_wait3A_367, %multiple_of3A_237] : memref<125x8x16384xf32, #tpu.memory_space<hbm>> -> memref<1x8x1024xf32, #tpu.memory_space<hbm>>
          %dma_wait3A_369 = tpu.memref_squeeze %dma_wait3A_368 : memref<1x8x1024xf32, #tpu.memory_space<hbm>> -> memref<8x1024xf32, #tpu.memory_space<hbm>>
          %dma_wait3A_370 = arith.constant 0 : i32
          %dma_wait3A_371 = tpu.memref_slice %arg4[%add3A_321, %dma_wait3A_370, %multiple_of3A_237] : memref<125x8x16384xf32, #tpu.memory_space<hbm>> -> memref<1x8x1024xf32, #tpu.memory_space<hbm>>
          %dma_wait3A_372 = tpu.memref_squeeze %dma_wait3A_371 : memref<1x8x1024xf32, #tpu.memory_space<hbm>> -> memref<8x1024xf32, #tpu.memory_space<hbm>>
          %dma_wait3A_373 = arith.constant 0 : i32
          %dma_wait3A_374 = arith.constant 0 : i32
          %dma_wait3A_375 = tpu.memref_slice %arg7[%cond3A_350, %cond3A_351, %dma_wait3A_373, %dma_wait3A_374] : memref<2x4x8x1024xf32, #tpu.memory_space<vmem>> -> memref<1x1x8x1024xf32, #tpu.memory_space<vmem>>
          %dma_wait3A_376 = tpu.memref_squeeze %dma_wait3A_375 : memref<1x1x8x1024xf32, #tpu.memory_space<vmem>> -> memref<8x1024xf32, #tpu.memory_space<vmem>>
          tpu.wait_dma2 semaphore(%arg9 : memref<!tpu.dma_semaphore, #tpu.memory_space<semaphore_mem>>) src(%dma_wait3A_376 : memref<8x1024xf32, #tpu.memory_space<vmem>>) dst(%dma_wait3A_372 : memref<8x1024xf32, #tpu.memory_space<hbm>>)
        } else {
        }
        %convert_element_type3A_354 = arith.extui %and3A_328 : i1 to i32
        %cond3A_355 = arith.constant 1 : i32
        %cond3A_356 = arith.constant 2 : i32
        %cond3A_357 = arith.constant 0 : i32
        %cond3A_358 = arith.cmpi ne, %convert_element_type3A_354, %cond3A_357 : i32
        scf.if %cond3A_358 {
          %dma_wait3A = arith.constant 0 : i32
          %dma_wait3A_364 = arith.constant 0 : i32
          %dma_wait3A_365 = tpu.memref_slice %arg7[%cond3A_355, %cond3A_356, %dma_wait3A, %dma_wait3A_364] : memref<2x4x8x1024xf32, #tpu.memory_space<vmem>> -> memref<1x1x8x1024xf32, #tpu.memory_space<vmem>>
          %dma_wait3A_366 = tpu.memref_squeeze %dma_wait3A_365 : memref<1x1x8x1024xf32, #tpu.memory_space<vmem>> -> memref<8x1024xf32, #tpu.memory_space<vmem>>
          %dma_wait3A_367 = arith.constant 0 : i32
          %dma_wait3A_368 = tpu.memref_slice %arg4[%add3A_330, %dma_wait3A_367, %multiple_of3A_237] : memref<125x8x16384xf32, #tpu.memory_space<hbm>> -> memref<1x8x1024xf32, #tpu.memory_space<hbm>>
          %dma_wait3A_369 = tpu.memref_squeeze %dma_wait3A_368 : memref<1x8x1024xf32, #tpu.memory_space<hbm>> -> memref<8x1024xf32, #tpu.memory_space<hbm>>
          %dma_wait3A_370 = arith.constant 0 : i32
          %dma_wait3A_371 = tpu.memref_slice %arg4[%add3A_330, %dma_wait3A_370, %multiple_of3A_237] : memref<125x8x16384xf32, #tpu.memory_space<hbm>> -> memref<1x8x1024xf32, #tpu.memory_space<hbm>>
          %dma_wait3A_372 = tpu.memref_squeeze %dma_wait3A_371 : memref<1x8x1024xf32, #tpu.memory_space<hbm>> -> memref<8x1024xf32, #tpu.memory_space<hbm>>
          %dma_wait3A_373 = arith.constant 0 : i32
          %dma_wait3A_374 = arith.constant 0 : i32
          %dma_wait3A_375 = tpu.memref_slice %arg7[%cond3A_355, %cond3A_356, %dma_wait3A_373, %dma_wait3A_374] : memref<2x4x8x1024xf32, #tpu.memory_space<vmem>> -> memref<1x1x8x1024xf32, #tpu.memory_space<vmem>>
          %dma_wait3A_376 = tpu.memref_squeeze %dma_wait3A_375 : memref<1x1x8x1024xf32, #tpu.memory_space<vmem>> -> memref<8x1024xf32, #tpu.memory_space<vmem>>
          tpu.wait_dma2 semaphore(%arg9 : memref<!tpu.dma_semaphore, #tpu.memory_space<semaphore_mem>>) src(%dma_wait3A_376 : memref<8x1024xf32, #tpu.memory_space<vmem>>) dst(%dma_wait3A_372 : memref<8x1024xf32, #tpu.memory_space<hbm>>)
        } else {
        }
        %convert_element_type3A_359 = arith.extui %and3A_337 : i1 to i32
        %cond3A_360 = arith.constant 1 : i32
        %cond3A_361 = arith.constant 3 : i32
        %cond3A_362 = arith.constant 0 : i32
        %cond3A_363 = arith.cmpi ne, %convert_element_type3A_359, %cond3A_362 : i32
        scf.if %cond3A_363 {
          %dma_wait3A = arith.constant 0 : i32
          %dma_wait3A_364 = arith.constant 0 : i32
          %dma_wait3A_365 = tpu.memref_slice %arg7[%cond3A_360, %cond3A_361, %dma_wait3A, %dma_wait3A_364] : memref<2x4x8x1024xf32, #tpu.memory_space<vmem>> -> memref<1x1x8x1024xf32, #tpu.memory_space<vmem>>
          %dma_wait3A_366 = tpu.memref_squeeze %dma_wait3A_365 : memref<1x1x8x1024xf32, #tpu.memory_space<vmem>> -> memref<8x1024xf32, #tpu.memory_space<vmem>>
          %dma_wait3A_367 = arith.constant 0 : i32
          %dma_wait3A_368 = tpu.memref_slice %arg4[%add3A_339, %dma_wait3A_367, %multiple_of3A_237] : memref<125x8x16384xf32, #tpu.memory_space<hbm>> -> memref<1x8x1024xf32, #tpu.memory_space<hbm>>
          %dma_wait3A_369 = tpu.memref_squeeze %dma_wait3A_368 : memref<1x8x1024xf32, #tpu.memory_space<hbm>> -> memref<8x1024xf32, #tpu.memory_space<hbm>>
          %dma_wait3A_370 = arith.constant 0 : i32
          %dma_wait3A_371 = tpu.memref_slice %arg4[%add3A_339, %dma_wait3A_370, %multiple_of3A_237] : memref<125x8x16384xf32, #tpu.memory_space<hbm>> -> memref<1x8x1024xf32, #tpu.memory_space<hbm>>
          %dma_wait3A_372 = tpu.memref_squeeze %dma_wait3A_371 : memref<1x8x1024xf32, #tpu.memory_space<hbm>> -> memref<8x1024xf32, #tpu.memory_space<hbm>>
          %dma_wait3A_373 = arith.constant 0 : i32
          %dma_wait3A_374 = arith.constant 0 : i32
          %dma_wait3A_375 = tpu.memref_slice %arg7[%cond3A_360, %cond3A_361, %dma_wait3A_373, %dma_wait3A_374] : memref<2x4x8x1024xf32, #tpu.memory_space<vmem>> -> memref<1x1x8x1024xf32, #tpu.memory_space<vmem>>
          %dma_wait3A_376 = tpu.memref_squeeze %dma_wait3A_375 : memref<1x1x8x1024xf32, #tpu.memory_space<vmem>> -> memref<8x1024xf32, #tpu.memory_space<vmem>>
          tpu.wait_dma2 semaphore(%arg9 : memref<!tpu.dma_semaphore, #tpu.memory_space<semaphore_mem>>) src(%dma_wait3A_376 : memref<8x1024xf32, #tpu.memory_space<vmem>>) dst(%dma_wait3A_372 : memref<8x1024xf32, #tpu.memory_space<hbm>>)
        } else {
        }
      } else {
      }
      %parallel_loop3A_241 = arith.constant 0 : i32
      %parallel_loop3A_242 = arith.constant 64 : i32
      %parallel_loop3A_243 = arith.constant 1 : i32
      scf.for %parallel_loop3A_304 = %parallel_loop3A_241 to %parallel_loop3A_242 step %parallel_loop3A_243  : i32 {
        %parallel_loop3A_305 = arith.constant 16 : i32
        %parallel_loop3A_306 = arith.muli %parallel_loop3A_304, %parallel_loop3A_305 : i32
        %parallel_loop3A_307 = arith.addi %multiple_of3A_237, %parallel_loop3A_306 : i32
        %parallel_loop3A_308 = arith.index_cast %parallel_loop3A_307 : i32 to index
        %parallel_loop3A_309 = tpu.vector_load %arg5[%parallel_loop3A_308] {strides = array<i32>} : memref<16384xi32, #tpu.memory_space<vmem>>, vector<16xi32>,
        %parallel_loop3A_310 = arith.constant 0 : i32
        %parallel_loop3A_311 = vector.broadcast %parallel_loop3A_310 : i32 to vector<16xi32>
        %parallel_loop3A_312 = arith.addi %parallel_loop3A_309, %parallel_loop3A_311 : vector<16xi32>
        %parallel_loop3A_313 = tpu.vector_load_idx %arg6[%parallel_loop3A_312] : memref<32000xf32, #tpu.memory_space<vmem>>[vector<16xi32>], vector<16xf32>,
        %parallel_loop3A_314 = arith.constant 16 : i32
        %parallel_loop3A_315 = arith.muli %parallel_loop3A_304, %parallel_loop3A_314 : i32
        %parallel_loop3A_316 = arith.constant 1 : i32
        %parallel_loop3A_317 = arith.constant 0 : i32
        %parallel_loop3A_318 = arith.constant 0 : i32
        %parallel_loop3A_319 = arith.index_cast %parallel_loop3A_316 : i32 to index
        %parallel_loop3A_320 = arith.index_cast %parallel_loop3A_317 : i32 to index
        %parallel_loop3A_321 = arith.index_cast %parallel_loop3A_318 : i32 to index
        %parallel_loop3A_322 = arith.index_cast %parallel_loop3A_315 : i32 to index
        %parallel_loop3A_323 = tpu.vector_load %arg7[%parallel_loop3A_319, %parallel_loop3A_320, %parallel_loop3A_321, %parallel_loop3A_322] {strides = array<i32>} : memref<2x4x8x1024xf32, #tpu.memory_space<vmem>>, vector<16xf32>,
        tpu.vector_store %arg7[%parallel_loop3A_319, %parallel_loop3A_320, %parallel_loop3A_321, %parallel_loop3A_322], %parallel_loop3A_313 {strides = array<i32>} : memref<2x4x8x1024xf32, #tpu.memory_space<vmem>>, vector<16xf32>,
        %parallel_loop3A_324 = arith.constant 1000 : i32
        %parallel_loop3A_325 = vector.broadcast %parallel_loop3A_324 : i32 to vector<16xi32>
        %parallel_loop3A_326 = arith.addi %parallel_loop3A_309, %parallel_loop3A_325 : vector<16xi32>
        %parallel_loop3A_327 = tpu.vector_load_idx %arg6[%parallel_loop3A_326] : memref<32000xf32, #tpu.memory_space<vmem>>[vector<16xi32>], vector<16xf32>,
        %parallel_loop3A_328 = arith.constant 16 : i32
        %parallel_loop3A_329 = arith.muli %parallel_loop3A_304, %parallel_loop3A_328 : i32
        %parallel_loop3A_330 = arith.constant 1 : i32
        %parallel_loop3A_331 = arith.constant 0 : i32
        %parallel_loop3A_332 = arith.constant 1 : i32
        %parallel_loop3A_333 = arith.index_cast %parallel_loop3A_330 : i32 to index
        %parallel_loop3A_334 = arith.index_cast %parallel_loop3A_331 : i32 to index
        %parallel_loop3A_335 = arith.index_cast %parallel_loop3A_332 : i32 to index
        %parallel_loop3A_336 = arith.index_cast %parallel_loop3A_329 : i32 to index
        %parallel_loop3A_337 = tpu.vector_load %arg7[%parallel_loop3A_333, %parallel_loop3A_334, %parallel_loop3A_335, %parallel_loop3A_336] {strides = array<i32>} : memref<2x4x8x1024xf32, #tpu.memory_space<vmem>>, vector<16xf32>,
        tpu.vector_store %arg7[%parallel_loop3A_333, %parallel_loop3A_334, %parallel_loop3A_335, %parallel_loop3A_336], %parallel_loop3A_327 {strides = array<i32>} : memref<2x4x8x1024xf32, #tpu.memory_space<vmem>>, vector<16xf32>,
        %parallel_loop3A_338 = arith.constant 2000 : i32
        %parallel_loop3A_339 = vector.broadcast %parallel_loop3A_338 : i32 to vector<16xi32>
        %parallel_loop3A_340 = arith.addi %parallel_loop3A_309, %parallel_loop3A_339 : vector<16xi32>
        %parallel_loop3A_341 = tpu.vector_load_idx %arg6[%parallel_loop3A_340] : memref<32000xf32, #tpu.memory_space<vmem>>[vector<16xi32>], vector<16xf32>,
        %parallel_loop3A_342 = arith.constant 16 : i32
        %parallel_loop3A_343 = arith.muli %parallel_loop3A_304, %parallel_loop3A_342 : i32
        %parallel_loop3A_344 = arith.constant 1 : i32
        %parallel_loop3A_345 = arith.constant 0 : i32
        %parallel_loop3A_346 = arith.constant 2 : i32
        %parallel_loop3A_347 = arith.index_cast %parallel_loop3A_344 : i32 to index
        %parallel_loop3A_348 = arith.index_cast %parallel_loop3A_345 : i32 to index
        %parallel_loop3A_349 = arith.index_cast %parallel_loop3A_346 : i32 to index
        %parallel_loop3A_350 = arith.index_cast %parallel_loop3A_343 : i32 to index
        %parallel_loop3A_351 = tpu.vector_load %arg7[%parallel_loop3A_347, %parallel_loop3A_348, %parallel_loop3A_349, %parallel_loop3A_350] {strides = array<i32>} : memref<2x4x8x1024xf32, #tpu.memory_space<vmem>>, vector<16xf32>,
        tpu.vector_store %arg7[%parallel_loop3A_347, %parallel_loop3A_348, %parallel_loop3A_349, %parallel_loop3A_350], %parallel_loop3A_341 {strides = array<i32>} : memref<2x4x8x1024xf32, #tpu.memory_space<vmem>>, vector<16xf32>,
        %parallel_loop3A_352 = arith.constant 3000 : i32
        %parallel_loop3A_353 = vector.broadcast %parallel_loop3A_352 : i32 to vector<16xi32>
        %parallel_loop3A_354 = arith.addi %parallel_loop3A_309, %parallel_loop3A_353 : vector<16xi32>
        %parallel_loop3A_355 = tpu.vector_load_idx %arg6[%parallel_loop3A_354] : memref<32000xf32, #tpu.memory_space<vmem>>[vector<16xi32>], vector<16xf32>,
        %parallel_loop3A_356 = arith.constant 16 : i32
        %parallel_loop3A_357 = arith.muli %parallel_loop3A_304, %parallel_loop3A_356 : i32
        %parallel_loop3A_358 = arith.constant 1 : i32
        %parallel_loop3A_359 = arith.constant 0 : i32
        %parallel_loop3A_360 = arith.constant 3 : i32
        %parallel_loop3A_361 = arith.index_cast %parallel_loop3A_358 : i32 to index
        %parallel_loop3A_362 = arith.index_cast %parallel_loop3A_359 : i32 to index
        %parallel_loop3A_363 = arith.index_cast %parallel_loop3A_360 : i32 to index
        %parallel_loop3A_364 = arith.index_cast %parallel_loop3A_357 : i32 to index
        %parallel_loop3A_365 = tpu.vector_load %arg7[%parallel_loop3A_361, %parallel_loop3A_362, %parallel_loop3A_363, %parallel_loop3A_364] {strides = array<i32>} : memref<2x4x8x1024xf32, #tpu.memory_space<vmem>>, vector<16xf32>,
        tpu.vector_store %arg7[%parallel_loop3A_361, %parallel_loop3A_362, %parallel_loop3A_363, %parallel_loop3A_364], %parallel_loop3A_355 {strides = array<i32>} : memref<2x4x8x1024xf32, #tpu.memory_space<vmem>>, vector<16xf32>,
        %parallel_loop3A_366 = arith.constant 4000 : i32
        %parallel_loop3A_367 = vector.broadcast %parallel_loop3A_366 : i32 to vector<16xi32>
        %parallel_loop3A_368 = arith.addi %parallel_loop3A_309, %parallel_loop3A_367 : vector<16xi32>
        %parallel_loop3A_369 = tpu.vector_load_idx %arg6[%parallel_loop3A_368] : memref<32000xf32, #tpu.memory_space<vmem>>[vector<16xi32>], vector<16xf32>,
        %parallel_loop3A_370 = arith.constant 16 : i32
        %parallel_loop3A_371 = arith.muli %parallel_loop3A_304, %parallel_loop3A_370 : i32
        %parallel_loop3A_372 = arith.constant 1 : i32
        %parallel_loop3A_373 = arith.constant 0 : i32
        %parallel_loop3A_374 = arith.constant 4 : i32
        %parallel_loop3A_375 = arith.index_cast %parallel_loop3A_372 : i32 to index
        %parallel_loop3A_376 = arith.index_cast %parallel_loop3A_373 : i32 to index
        %parallel_loop3A_377 = arith.index_cast %parallel_loop3A_374 : i32 to index
        %parallel_loop3A_378 = arith.index_cast %parallel_loop3A_371 : i32 to index
        %parallel_loop3A_379 = tpu.vector_load %arg7[%parallel_loop3A_375, %parallel_loop3A_376, %parallel_loop3A_377, %parallel_loop3A_378] {strides = array<i32>} : memref<2x4x8x1024xf32, #tpu.memory_space<vmem>>, vector<16xf32>,
        tpu.vector_store %arg7[%parallel_loop3A_375, %parallel_loop3A_376, %parallel_loop3A_377, %parallel_loop3A_378], %parallel_loop3A_369 {strides = array<i32>} : memref<2x4x8x1024xf32, #tpu.memory_space<vmem>>, vector<16xf32>,
        %parallel_loop3A_380 = arith.constant 5000 : i32
        %parallel_loop3A_381 = vector.broadcast %parallel_loop3A_380 : i32 to vector<16xi32>
        %parallel_loop3A_382 = arith.addi %parallel_loop3A_309, %parallel_loop3A_381 : vector<16xi32>
        %parallel_loop3A_383 = tpu.vector_load_idx %arg6[%parallel_loop3A_382] : memref<32000xf32, #tpu.memory_space<vmem>>[vector<16xi32>], vector<16xf32>,
        %parallel_loop3A_384 = arith.constant 16 : i32
        %parallel_loop3A_385 = arith.muli %parallel_loop3A_304, %parallel_loop3A_384 : i32
        %parallel_loop3A_386 = arith.constant 1 : i32
        %parallel_loop3A_387 = arith.constant 0 : i32
        %parallel_loop3A_388 = arith.constant 5 : i32
        %parallel_loop3A_389 = arith.index_cast %parallel_loop3A_386 : i32 to index
        %parallel_loop3A_390 = arith.index_cast %parallel_loop3A_387 : i32 to index
        %parallel_loop3A_391 = arith.index_cast %parallel_loop3A_388 : i32 to index
        %parallel_loop3A_392 = arith.index_cast %parallel_loop3A_385 : i32 to index
        %parallel_loop3A_393 = tpu.vector_load %arg7[%parallel_loop3A_389, %parallel_loop3A_390, %parallel_loop3A_391, %parallel_loop3A_392] {strides = array<i32>} : memref<2x4x8x1024xf32, #tpu.memory_space<vmem>>, vector<16xf32>,
        tpu.vector_store %arg7[%parallel_loop3A_389, %parallel_loop3A_390, %parallel_loop3A_391, %parallel_loop3A_392], %parallel_loop3A_383 {strides = array<i32>} : memref<2x4x8x1024xf32, #tpu.memory_space<vmem>>, vector<16xf32>,
        %parallel_loop3A_394 = arith.constant 6000 : i32
        %parallel_loop3A_395 = vector.broadcast %parallel_loop3A_394 : i32 to vector<16xi32>
        %parallel_loop3A_396 = arith.addi %parallel_loop3A_309, %parallel_loop3A_395 : vector<16xi32>
        %parallel_loop3A_397 = tpu.vector_load_idx %arg6[%parallel_loop3A_396] : memref<32000xf32, #tpu.memory_space<vmem>>[vector<16xi32>], vector<16xf32>,
        %parallel_loop3A_398 = arith.constant 16 : i32
        %parallel_loop3A_399 = arith.muli %parallel_loop3A_304, %parallel_loop3A_398 : i32
        %parallel_loop3A_400 = arith.constant 1 : i32
        %parallel_loop3A_401 = arith.constant 0 : i32
        %parallel_loop3A_402 = arith.constant 6 : i32
        %parallel_loop3A_403 = arith.index_cast %parallel_loop3A_400 : i32 to index
        %parallel_loop3A_404 = arith.index_cast %parallel_loop3A_401 : i32 to index
        %parallel_loop3A_405 = arith.index_cast %parallel_loop3A_402 : i32 to index
        %parallel_loop3A_406 = arith.index_cast %parallel_loop3A_399 : i32 to index
        %parallel_loop3A_407 = tpu.vector_load %arg7[%parallel_loop3A_403, %parallel_loop3A_404, %parallel_loop3A_405, %parallel_loop3A_406] {strides = array<i32>} : memref<2x4x8x1024xf32, #tpu.memory_space<vmem>>, vector<16xf32>,
        tpu.vector_store %arg7[%parallel_loop3A_403, %parallel_loop3A_404, %parallel_loop3A_405, %parallel_loop3A_406], %parallel_loop3A_397 {strides = array<i32>} : memref<2x4x8x1024xf32, #tpu.memory_space<vmem>>, vector<16xf32>,
        %parallel_loop3A_408 = arith.constant 7000 : i32
        %parallel_loop3A_409 = vector.broadcast %parallel_loop3A_408 : i32 to vector<16xi32>
        %parallel_loop3A_410 = arith.addi %parallel_loop3A_309, %parallel_loop3A_409 : vector<16xi32>
        %parallel_loop3A_411 = tpu.vector_load_idx %arg6[%parallel_loop3A_410] : memref<32000xf32, #tpu.memory_space<vmem>>[vector<16xi32>], vector<16xf32>,
        %parallel_loop3A_412 = arith.constant 16 : i32
        %parallel_loop3A_413 = arith.muli %parallel_loop3A_304, %parallel_loop3A_412 : i32
        %parallel_loop3A_414 = arith.constant 1 : i32
        %parallel_loop3A_415 = arith.constant 0 : i32
        %parallel_loop3A_416 = arith.constant 7 : i32
        %parallel_loop3A_417 = arith.index_cast %parallel_loop3A_414 : i32 to index
        %parallel_loop3A_418 = arith.index_cast %parallel_loop3A_415 : i32 to index
        %parallel_loop3A_419 = arith.index_cast %parallel_loop3A_416 : i32 to index
        %parallel_loop3A_420 = arith.index_cast %parallel_loop3A_413 : i32 to index
        %parallel_loop3A_421 = tpu.vector_load %arg7[%parallel_loop3A_417, %parallel_loop3A_418, %parallel_loop3A_419, %parallel_loop3A_420] {strides = array<i32>} : memref<2x4x8x1024xf32, #tpu.memory_space<vmem>>, vector<16xf32>,
        tpu.vector_store %arg7[%parallel_loop3A_417, %parallel_loop3A_418, %parallel_loop3A_419, %parallel_loop3A_420], %parallel_loop3A_411 {strides = array<i32>} : memref<2x4x8x1024xf32, #tpu.memory_space<vmem>>, vector<16xf32>,
        %parallel_loop3A_422 = arith.constant 8000 : i32
        %parallel_loop3A_423 = vector.broadcast %parallel_loop3A_422 : i32 to vector<16xi32>
        %parallel_loop3A_424 = arith.addi %parallel_loop3A_309, %parallel_loop3A_423 : vector<16xi32>
        %parallel_loop3A_425 = tpu.vector_load_idx %arg6[%parallel_loop3A_424] : memref<32000xf32, #tpu.memory_space<vmem>>[vector<16xi32>], vector<16xf32>,
        %parallel_loop3A_426 = arith.constant 16 : i32
        %parallel_loop3A_427 = arith.muli %parallel_loop3A_304, %parallel_loop3A_426 : i32
        %parallel_loop3A_428 = arith.constant 1 : i32
        %parallel_loop3A_429 = arith.constant 1 : i32
        %parallel_loop3A_430 = arith.constant 0 : i32
        %parallel_loop3A_431 = arith.index_cast %parallel_loop3A_428 : i32 to index
        %parallel_loop3A_432 = arith.index_cast %parallel_loop3A_429 : i32 to index
        %parallel_loop3A_433 = arith.index_cast %parallel_loop3A_430 : i32 to index
        %parallel_loop3A_434 = arith.index_cast %parallel_loop3A_427 : i32 to index
        %parallel_loop3A_435 = tpu.vector_load %arg7[%parallel_loop3A_431, %parallel_loop3A_432, %parallel_loop3A_433, %parallel_loop3A_434] {strides = array<i32>} : memref<2x4x8x1024xf32, #tpu.memory_space<vmem>>, vector<16xf32>,
        tpu.vector_store %arg7[%parallel_loop3A_431, %parallel_loop3A_432, %parallel_loop3A_433, %parallel_loop3A_434], %parallel_loop3A_425 {strides = array<i32>} : memref<2x4x8x1024xf32, #tpu.memory_space<vmem>>, vector<16xf32>,
        %parallel_loop3A_436 = arith.constant 9000 : i32
        %parallel_loop3A_437 = vector.broadcast %parallel_loop3A_436 : i32 to vector<16xi32>
        %parallel_loop3A_438 = arith.addi %parallel_loop3A_309, %parallel_loop3A_437 : vector<16xi32>
        %parallel_loop3A_439 = tpu.vector_load_idx %arg6[%parallel_loop3A_438] : memref<32000xf32, #tpu.memory_space<vmem>>[vector<16xi32>], vector<16xf32>,
        %parallel_loop3A_440 = arith.constant 16 : i32
        %parallel_loop3A_441 = arith.muli %parallel_loop3A_304, %parallel_loop3A_440 : i32
        %parallel_loop3A_442 = arith.constant 1 : i32
        %parallel_loop3A_443 = arith.constant 1 : i32
        %parallel_loop3A_444 = arith.constant 1 : i32
        %parallel_loop3A_445 = arith.index_cast %parallel_loop3A_442 : i32 to index
        %parallel_loop3A_446 = arith.index_cast %parallel_loop3A_443 : i32 to index
        %parallel_loop3A_447 = arith.index_cast %parallel_loop3A_444 : i32 to index
        %parallel_loop3A_448 = arith.index_cast %parallel_loop3A_441 : i32 to index
        %parallel_loop3A_449 = tpu.vector_load %arg7[%parallel_loop3A_445, %parallel_loop3A_446, %parallel_loop3A_447, %parallel_loop3A_448] {strides = array<i32>} : memref<2x4x8x1024xf32, #tpu.memory_space<vmem>>, vector<16xf32>,
        tpu.vector_store %arg7[%parallel_loop3A_445, %parallel_loop3A_446, %parallel_loop3A_447, %parallel_loop3A_448], %parallel_loop3A_439 {strides = array<i32>} : memref<2x4x8x1024xf32, #tpu.memory_space<vmem>>, vector<16xf32>,
        %parallel_loop3A_450 = arith.constant 10000 : i32
        %parallel_loop3A_451 = vector.broadcast %parallel_loop3A_450 : i32 to vector<16xi32>
        %parallel_loop3A_452 = arith.addi %parallel_loop3A_309, %parallel_loop3A_451 : vector<16xi32>
        %parallel_loop3A_453 = tpu.vector_load_idx %arg6[%parallel_loop3A_452] : memref<32000xf32, #tpu.memory_space<vmem>>[vector<16xi32>], vector<16xf32>,
        %parallel_loop3A_454 = arith.constant 16 : i32
        %parallel_loop3A_455 = arith.muli %parallel_loop3A_304, %parallel_loop3A_454 : i32
        %parallel_loop3A_456 = arith.constant 1 : i32
        %parallel_loop3A_457 = arith.constant 1 : i32
        %parallel_loop3A_458 = arith.constant 2 : i32
        %parallel_loop3A_459 = arith.index_cast %parallel_loop3A_456 : i32 to index
        %parallel_loop3A_460 = arith.index_cast %parallel_loop3A_457 : i32 to index
        %parallel_loop3A_461 = arith.index_cast %parallel_loop3A_458 : i32 to index
        %parallel_loop3A_462 = arith.index_cast %parallel_loop3A_455 : i32 to index
        %parallel_loop3A_463 = tpu.vector_load %arg7[%parallel_loop3A_459, %parallel_loop3A_460, %parallel_loop3A_461, %parallel_loop3A_462] {strides = array<i32>} : memref<2x4x8x1024xf32, #tpu.memory_space<vmem>>, vector<16xf32>,
        tpu.vector_store %arg7[%parallel_loop3A_459, %parallel_loop3A_460, %parallel_loop3A_461, %parallel_loop3A_462], %parallel_loop3A_453 {strides = array<i32>} : memref<2x4x8x1024xf32, #tpu.memory_space<vmem>>, vector<16xf32>,
        %parallel_loop3A_464 = arith.constant 11000 : i32
        %parallel_loop3A_465 = vector.broadcast %parallel_loop3A_464 : i32 to vector<16xi32>
        %parallel_loop3A_466 = arith.addi %parallel_loop3A_309, %parallel_loop3A_465 : vector<16xi32>
        %parallel_loop3A_467 = tpu.vector_load_idx %arg6[%parallel_loop3A_466] : memref<32000xf32, #tpu.memory_space<vmem>>[vector<16xi32>], vector<16xf32>,
        %parallel_loop3A_468 = arith.constant 16 : i32
        %parallel_loop3A_469 = arith.muli %parallel_loop3A_304, %parallel_loop3A_468 : i32
        %parallel_loop3A_470 = arith.constant 1 : i32
        %parallel_loop3A_471 = arith.constant 1 : i32
        %parallel_loop3A_472 = arith.constant 3 : i32
        %parallel_loop3A_473 = arith.index_cast %parallel_loop3A_470 : i32 to index
        %parallel_loop3A_474 = arith.index_cast %parallel_loop3A_471 : i32 to index
        %parallel_loop3A_475 = arith.index_cast %parallel_loop3A_472 : i32 to index
        %parallel_loop3A_476 = arith.index_cast %parallel_loop3A_469 : i32 to index
        %parallel_loop3A_477 = tpu.vector_load %arg7[%parallel_loop3A_473, %parallel_loop3A_474, %parallel_loop3A_475, %parallel_loop3A_476] {strides = array<i32>} : memref<2x4x8x1024xf32, #tpu.memory_space<vmem>>, vector<16xf32>,
        tpu.vector_store %arg7[%parallel_loop3A_473, %parallel_loop3A_474, %parallel_loop3A_475, %parallel_loop3A_476], %parallel_loop3A_467 {strides = array<i32>} : memref<2x4x8x1024xf32, #tpu.memory_space<vmem>>, vector<16xf32>,
        %parallel_loop3A_478 = arith.constant 12000 : i32
        %parallel_loop3A_479 = vector.broadcast %parallel_loop3A_478 : i32 to vector<16xi32>
        %parallel_loop3A_480 = arith.addi %parallel_loop3A_309, %parallel_loop3A_479 : vector<16xi32>
        %parallel_loop3A_481 = tpu.vector_load_idx %arg6[%parallel_loop3A_480] : memref<32000xf32, #tpu.memory_space<vmem>>[vector<16xi32>], vector<16xf32>,
        %parallel_loop3A_482 = arith.constant 16 : i32
        %parallel_loop3A_483 = arith.muli %parallel_loop3A_304, %parallel_loop3A_482 : i32
        %parallel_loop3A_484 = arith.constant 1 : i32
        %parallel_loop3A_485 = arith.constant 1 : i32
        %parallel_loop3A_486 = arith.constant 4 : i32
        %parallel_loop3A_487 = arith.index_cast %parallel_loop3A_484 : i32 to index
        %parallel_loop3A_488 = arith.index_cast %parallel_loop3A_485 : i32 to index
        %parallel_loop3A_489 = arith.index_cast %parallel_loop3A_486 : i32 to index
        %parallel_loop3A_490 = arith.index_cast %parallel_loop3A_483 : i32 to index
        %parallel_loop3A_491 = tpu.vector_load %arg7[%parallel_loop3A_487, %parallel_loop3A_488, %parallel_loop3A_489, %parallel_loop3A_490] {strides = array<i32>} : memref<2x4x8x1024xf32, #tpu.memory_space<vmem>>, vector<16xf32>,
        tpu.vector_store %arg7[%parallel_loop3A_487, %parallel_loop3A_488, %parallel_loop3A_489, %parallel_loop3A_490], %parallel_loop3A_481 {strides = array<i32>} : memref<2x4x8x1024xf32, #tpu.memory_space<vmem>>, vector<16xf32>,
        %parallel_loop3A_492 = arith.constant 13000 : i32
        %parallel_loop3A_493 = vector.broadcast %parallel_loop3A_492 : i32 to vector<16xi32>
        %parallel_loop3A_494 = arith.addi %parallel_loop3A_309, %parallel_loop3A_493 : vector<16xi32>
        %parallel_loop3A_495 = tpu.vector_load_idx %arg6[%parallel_loop3A_494] : memref<32000xf32, #tpu.memory_space<vmem>>[vector<16xi32>], vector<16xf32>,
        %parallel_loop3A_496 = arith.constant 16 : i32
        %parallel_loop3A_497 = arith.muli %parallel_loop3A_304, %parallel_loop3A_496 : i32
        %parallel_loop3A_498 = arith.constant 1 : i32
        %parallel_loop3A_499 = arith.constant 1 : i32
        %parallel_loop3A_500 = arith.constant 5 : i32
        %parallel_loop3A_501 = arith.index_cast %parallel_loop3A_498 : i32 to index
        %parallel_loop3A_502 = arith.index_cast %parallel_loop3A_499 : i32 to index
        %parallel_loop3A_503 = arith.index_cast %parallel_loop3A_500 : i32 to index
        %parallel_loop3A_504 = arith.index_cast %parallel_loop3A_497 : i32 to index
        %parallel_loop3A_505 = tpu.vector_load %arg7[%parallel_loop3A_501, %parallel_loop3A_502, %parallel_loop3A_503, %parallel_loop3A_504] {strides = array<i32>} : memref<2x4x8x1024xf32, #tpu.memory_space<vmem>>, vector<16xf32>,
        tpu.vector_store %arg7[%parallel_loop3A_501, %parallel_loop3A_502, %parallel_loop3A_503, %parallel_loop3A_504], %parallel_loop3A_495 {strides = array<i32>} : memref<2x4x8x1024xf32, #tpu.memory_space<vmem>>, vector<16xf32>,
        %parallel_loop3A_506 = arith.constant 14000 : i32
        %parallel_loop3A_507 = vector.broadcast %parallel_loop3A_506 : i32 to vector<16xi32>
        %parallel_loop3A_508 = arith.addi %parallel_loop3A_309, %parallel_loop3A_507 : vector<16xi32>
        %parallel_loop3A_509 = tpu.vector_load_idx %arg6[%parallel_loop3A_508] : memref<32000xf32, #tpu.memory_space<vmem>>[vector<16xi32>], vector<16xf32>,
        %parallel_loop3A_510 = arith.constant 16 : i32
        %parallel_loop3A_511 = arith.muli %parallel_loop3A_304, %parallel_loop3A_510 : i32
        %parallel_loop3A_512 = arith.constant 1 : i32
        %parallel_loop3A_513 = arith.constant 1 : i32
        %parallel_loop3A_514 = arith.constant 6 : i32
        %parallel_loop3A_515 = arith.index_cast %parallel_loop3A_512 : i32 to index
        %parallel_loop3A_516 = arith.index_cast %parallel_loop3A_513 : i32 to index
        %parallel_loop3A_517 = arith.index_cast %parallel_loop3A_514 : i32 to index
        %parallel_loop3A_518 = arith.index_cast %parallel_loop3A_511 : i32 to index
        %parallel_loop3A_519 = tpu.vector_load %arg7[%parallel_loop3A_515, %parallel_loop3A_516, %parallel_loop3A_517, %parallel_loop3A_518] {strides = array<i32>} : memref<2x4x8x1024xf32, #tpu.memory_space<vmem>>, vector<16xf32>,
        tpu.vector_store %arg7[%parallel_loop3A_515, %parallel_loop3A_516, %parallel_loop3A_517, %parallel_loop3A_518], %parallel_loop3A_509 {strides = array<i32>} : memref<2x4x8x1024xf32, #tpu.memory_space<vmem>>, vector<16xf32>,
        %parallel_loop3A_520 = arith.constant 15000 : i32
        %parallel_loop3A_521 = vector.broadcast %parallel_loop3A_520 : i32 to vector<16xi32>
        %parallel_loop3A_522 = arith.addi %parallel_loop3A_309, %parallel_loop3A_521 : vector<16xi32>
        %parallel_loop3A_523 = tpu.vector_load_idx %arg6[%parallel_loop3A_522] : memref<32000xf32, #tpu.memory_space<vmem>>[vector<16xi32>], vector<16xf32>,
        %parallel_loop3A_524 = arith.constant 16 : i32
        %parallel_loop3A_525 = arith.muli %parallel_loop3A_304, %parallel_loop3A_524 : i32
        %parallel_loop3A_526 = arith.constant 1 : i32
        %parallel_loop3A_527 = arith.constant 1 : i32
        %parallel_loop3A_528 = arith.constant 7 : i32
        %parallel_loop3A_529 = arith.index_cast %parallel_loop3A_526 : i32 to index
        %parallel_loop3A_530 = arith.index_cast %parallel_loop3A_527 : i32 to index
        %parallel_loop3A_531 = arith.index_cast %parallel_loop3A_528 : i32 to index
        %parallel_loop3A_532 = arith.index_cast %parallel_loop3A_525 : i32 to index
        %parallel_loop3A_533 = tpu.vector_load %arg7[%parallel_loop3A_529, %parallel_loop3A_530, %parallel_loop3A_531, %parallel_loop3A_532] {strides = array<i32>} : memref<2x4x8x1024xf32, #tpu.memory_space<vmem>>, vector<16xf32>,
        tpu.vector_store %arg7[%parallel_loop3A_529, %parallel_loop3A_530, %parallel_loop3A_531, %parallel_loop3A_532], %parallel_loop3A_523 {strides = array<i32>} : memref<2x4x8x1024xf32, #tpu.memory_space<vmem>>, vector<16xf32>,
        %parallel_loop3A_534 = arith.constant 16000 : i32
        %parallel_loop3A_535 = vector.broadcast %parallel_loop3A_534 : i32 to vector<16xi32>
        %parallel_loop3A_536 = arith.addi %parallel_loop3A_309, %parallel_loop3A_535 : vector<16xi32>
        %parallel_loop3A_537 = tpu.vector_load_idx %arg6[%parallel_loop3A_536] : memref<32000xf32, #tpu.memory_space<vmem>>[vector<16xi32>], vector<16xf32>,
        %parallel_loop3A_538 = arith.constant 16 : i32
        %parallel_loop3A_539 = arith.muli %parallel_loop3A_304, %parallel_loop3A_538 : i32
        %parallel_loop3A_540 = arith.constant 1 : i32
        %parallel_loop3A_541 = arith.constant 2 : i32
        %parallel_loop3A_542 = arith.constant 0 : i32
        %parallel_loop3A_543 = arith.index_cast %parallel_loop3A_540 : i32 to index
        %parallel_loop3A_544 = arith.index_cast %parallel_loop3A_541 : i32 to index
        %parallel_loop3A_545 = arith.index_cast %parallel_loop3A_542 : i32 to index
        %parallel_loop3A_546 = arith.index_cast %parallel_loop3A_539 : i32 to index
        %parallel_loop3A_547 = tpu.vector_load %arg7[%parallel_loop3A_543, %parallel_loop3A_544, %parallel_loop3A_545, %parallel_loop3A_546] {strides = array<i32>} : memref<2x4x8x1024xf32, #tpu.memory_space<vmem>>, vector<16xf32>,
        tpu.vector_store %arg7[%parallel_loop3A_543, %parallel_loop3A_544, %parallel_loop3A_545, %parallel_loop3A_546], %parallel_loop3A_537 {strides = array<i32>} : memref<2x4x8x1024xf32, #tpu.memory_space<vmem>>, vector<16xf32>,
        %parallel_loop3A_548 = arith.constant 17000 : i32
        %parallel_loop3A_549 = vector.broadcast %parallel_loop3A_548 : i32 to vector<16xi32>
        %parallel_loop3A_550 = arith.addi %parallel_loop3A_309, %parallel_loop3A_549 : vector<16xi32>
        %parallel_loop3A_551 = tpu.vector_load_idx %arg6[%parallel_loop3A_550] : memref<32000xf32, #tpu.memory_space<vmem>>[vector<16xi32>], vector<16xf32>,
        %parallel_loop3A_552 = arith.constant 16 : i32
        %parallel_loop3A_553 = arith.muli %parallel_loop3A_304, %parallel_loop3A_552 : i32
        %parallel_loop3A_554 = arith.constant 1 : i32
        %parallel_loop3A_555 = arith.constant 2 : i32
        %parallel_loop3A_556 = arith.constant 1 : i32
        %parallel_loop3A_557 = arith.index_cast %parallel_loop3A_554 : i32 to index
        %parallel_loop3A_558 = arith.index_cast %parallel_loop3A_555 : i32 to index
        %parallel_loop3A_559 = arith.index_cast %parallel_loop3A_556 : i32 to index
        %parallel_loop3A_560 = arith.index_cast %parallel_loop3A_553 : i32 to index
        %parallel_loop3A_561 = tpu.vector_load %arg7[%parallel_loop3A_557, %parallel_loop3A_558, %parallel_loop3A_559, %parallel_loop3A_560] {strides = array<i32>} : memref<2x4x8x1024xf32, #tpu.memory_space<vmem>>, vector<16xf32>,
        tpu.vector_store %arg7[%parallel_loop3A_557, %parallel_loop3A_558, %parallel_loop3A_559, %parallel_loop3A_560], %parallel_loop3A_551 {strides = array<i32>} : memref<2x4x8x1024xf32, #tpu.memory_space<vmem>>, vector<16xf32>,
        %parallel_loop3A_562 = arith.constant 18000 : i32
        %parallel_loop3A_563 = vector.broadcast %parallel_loop3A_562 : i32 to vector<16xi32>
        %parallel_loop3A_564 = arith.addi %parallel_loop3A_309, %parallel_loop3A_563 : vector<16xi32>
        %parallel_loop3A_565 = tpu.vector_load_idx %arg6[%parallel_loop3A_564] : memref<32000xf32, #tpu.memory_space<vmem>>[vector<16xi32>], vector<16xf32>,
        %parallel_loop3A_566 = arith.constant 16 : i32
        %parallel_loop3A_567 = arith.muli %parallel_loop3A_304, %parallel_loop3A_566 : i32
        %parallel_loop3A_568 = arith.constant 1 : i32
        %parallel_loop3A_569 = arith.constant 2 : i32
        %parallel_loop3A_570 = arith.constant 2 : i32
        %parallel_loop3A_571 = arith.index_cast %parallel_loop3A_568 : i32 to index
        %parallel_loop3A_572 = arith.index_cast %parallel_loop3A_569 : i32 to index
        %parallel_loop3A_573 = arith.index_cast %parallel_loop3A_570 : i32 to index
        %parallel_loop3A_574 = arith.index_cast %parallel_loop3A_567 : i32 to index
        %parallel_loop3A_575 = tpu.vector_load %arg7[%parallel_loop3A_571, %parallel_loop3A_572, %parallel_loop3A_573, %parallel_loop3A_574] {strides = array<i32>} : memref<2x4x8x1024xf32, #tpu.memory_space<vmem>>, vector<16xf32>,
        tpu.vector_store %arg7[%parallel_loop3A_571, %parallel_loop3A_572, %parallel_loop3A_573, %parallel_loop3A_574], %parallel_loop3A_565 {strides = array<i32>} : memref<2x4x8x1024xf32, #tpu.memory_space<vmem>>, vector<16xf32>,
        %parallel_loop3A_576 = arith.constant 19000 : i32
        %parallel_loop3A_577 = vector.broadcast %parallel_loop3A_576 : i32 to vector<16xi32>
        %parallel_loop3A_578 = arith.addi %parallel_loop3A_309, %parallel_loop3A_577 : vector<16xi32>
        %parallel_loop3A_579 = tpu.vector_load_idx %arg6[%parallel_loop3A_578] : memref<32000xf32, #tpu.memory_space<vmem>>[vector<16xi32>], vector<16xf32>,
        %parallel_loop3A_580 = arith.constant 16 : i32
        %parallel_loop3A_581 = arith.muli %parallel_loop3A_304, %parallel_loop3A_580 : i32
        %parallel_loop3A_582 = arith.constant 1 : i32
        %parallel_loop3A_583 = arith.constant 2 : i32
        %parallel_loop3A_584 = arith.constant 3 : i32
        %parallel_loop3A_585 = arith.index_cast %parallel_loop3A_582 : i32 to index
        %parallel_loop3A_586 = arith.index_cast %parallel_loop3A_583 : i32 to index
        %parallel_loop3A_587 = arith.index_cast %parallel_loop3A_584 : i32 to index
        %parallel_loop3A_588 = arith.index_cast %parallel_loop3A_581 : i32 to index
        %parallel_loop3A_589 = tpu.vector_load %arg7[%parallel_loop3A_585, %parallel_loop3A_586, %parallel_loop3A_587, %parallel_loop3A_588] {strides = array<i32>} : memref<2x4x8x1024xf32, #tpu.memory_space<vmem>>, vector<16xf32>,
        tpu.vector_store %arg7[%parallel_loop3A_585, %parallel_loop3A_586, %parallel_loop3A_587, %parallel_loop3A_588], %parallel_loop3A_579 {strides = array<i32>} : memref<2x4x8x1024xf32, #tpu.memory_space<vmem>>, vector<16xf32>,
        %parallel_loop3A_590 = arith.constant 20000 : i32
        %parallel_loop3A_591 = vector.broadcast %parallel_loop3A_590 : i32 to vector<16xi32>
        %parallel_loop3A_592 = arith.addi %parallel_loop3A_309, %parallel_loop3A_591 : vector<16xi32>
        %parallel_loop3A_593 = tpu.vector_load_idx %arg6[%parallel_loop3A_592] : memref<32000xf32, #tpu.memory_space<vmem>>[vector<16xi32>], vector<16xf32>,
        %parallel_loop3A_594 = arith.constant 16 : i32
        %parallel_loop3A_595 = arith.muli %parallel_loop3A_304, %parallel_loop3A_594 : i32
        %parallel_loop3A_596 = arith.constant 1 : i32
        %parallel_loop3A_597 = arith.constant 2 : i32
        %parallel_loop3A_598 = arith.constant 4 : i32
        %parallel_loop3A_599 = arith.index_cast %parallel_loop3A_596 : i32 to index
        %parallel_loop3A_600 = arith.index_cast %parallel_loop3A_597 : i32 to index
        %parallel_loop3A_601 = arith.index_cast %parallel_loop3A_598 : i32 to index
        %parallel_loop3A_602 = arith.index_cast %parallel_loop3A_595 : i32 to index
        %parallel_loop3A_603 = tpu.vector_load %arg7[%parallel_loop3A_599, %parallel_loop3A_600, %parallel_loop3A_601, %parallel_loop3A_602] {strides = array<i32>} : memref<2x4x8x1024xf32, #tpu.memory_space<vmem>>, vector<16xf32>,
        tpu.vector_store %arg7[%parallel_loop3A_599, %parallel_loop3A_600, %parallel_loop3A_601, %parallel_loop3A_602], %parallel_loop3A_593 {strides = array<i32>} : memref<2x4x8x1024xf32, #tpu.memory_space<vmem>>, vector<16xf32>,
        %parallel_loop3A_604 = arith.constant 21000 : i32
        %parallel_loop3A_605 = vector.broadcast %parallel_loop3A_604 : i32 to vector<16xi32>
        %parallel_loop3A_606 = arith.addi %parallel_loop3A_309, %parallel_loop3A_605 : vector<16xi32>
        %parallel_loop3A_607 = tpu.vector_load_idx %arg6[%parallel_loop3A_606] : memref<32000xf32, #tpu.memory_space<vmem>>[vector<16xi32>], vector<16xf32>,
        %parallel_loop3A_608 = arith.constant 16 : i32
        %parallel_loop3A_609 = arith.muli %parallel_loop3A_304, %parallel_loop3A_608 : i32
        %parallel_loop3A_610 = arith.constant 1 : i32
        %parallel_loop3A_611 = arith.constant 2 : i32
        %parallel_loop3A_612 = arith.constant 5 : i32
        %parallel_loop3A_613 = arith.index_cast %parallel_loop3A_610 : i32 to index
        %parallel_loop3A_614 = arith.index_cast %parallel_loop3A_611 : i32 to index
        %parallel_loop3A_615 = arith.index_cast %parallel_loop3A_612 : i32 to index
        %parallel_loop3A_616 = arith.index_cast %parallel_loop3A_609 : i32 to index
        %parallel_loop3A_617 = tpu.vector_load %arg7[%parallel_loop3A_613, %parallel_loop3A_614, %parallel_loop3A_615, %parallel_loop3A_616] {strides = array<i32>} : memref<2x4x8x1024xf32, #tpu.memory_space<vmem>>, vector<16xf32>,
        tpu.vector_store %arg7[%parallel_loop3A_613, %parallel_loop3A_614, %parallel_loop3A_615, %parallel_loop3A_616], %parallel_loop3A_607 {strides = array<i32>} : memref<2x4x8x1024xf32, #tpu.memory_space<vmem>>, vector<16xf32>,
        %parallel_loop3A_618 = arith.constant 22000 : i32
        %parallel_loop3A_619 = vector.broadcast %parallel_loop3A_618 : i32 to vector<16xi32>
        %parallel_loop3A_620 = arith.addi %parallel_loop3A_309, %parallel_loop3A_619 : vector<16xi32>
        %parallel_loop3A_621 = tpu.vector_load_idx %arg6[%parallel_loop3A_620] : memref<32000xf32, #tpu.memory_space<vmem>>[vector<16xi32>], vector<16xf32>,
        %parallel_loop3A_622 = arith.constant 16 : i32
        %parallel_loop3A_623 = arith.muli %parallel_loop3A_304, %parallel_loop3A_622 : i32
        %parallel_loop3A_624 = arith.constant 1 : i32
        %parallel_loop3A_625 = arith.constant 2 : i32
        %parallel_loop3A_626 = arith.constant 6 : i32
        %parallel_loop3A_627 = arith.index_cast %parallel_loop3A_624 : i32 to index
        %parallel_loop3A_628 = arith.index_cast %parallel_loop3A_625 : i32 to index
        %parallel_loop3A_629 = arith.index_cast %parallel_loop3A_626 : i32 to index
        %parallel_loop3A_630 = arith.index_cast %parallel_loop3A_623 : i32 to index
        %parallel_loop3A_631 = tpu.vector_load %arg7[%parallel_loop3A_627, %parallel_loop3A_628, %parallel_loop3A_629, %parallel_loop3A_630] {strides = array<i32>} : memref<2x4x8x1024xf32, #tpu.memory_space<vmem>>, vector<16xf32>,
        tpu.vector_store %arg7[%parallel_loop3A_627, %parallel_loop3A_628, %parallel_loop3A_629, %parallel_loop3A_630], %parallel_loop3A_621 {strides = array<i32>} : memref<2x4x8x1024xf32, #tpu.memory_space<vmem>>, vector<16xf32>,
        %parallel_loop3A_632 = arith.constant 23000 : i32
        %parallel_loop3A_633 = vector.broadcast %parallel_loop3A_632 : i32 to vector<16xi32>
        %parallel_loop3A_634 = arith.addi %parallel_loop3A_309, %parallel_loop3A_633 : vector<16xi32>
        %parallel_loop3A_635 = tpu.vector_load_idx %arg6[%parallel_loop3A_634] : memref<32000xf32, #tpu.memory_space<vmem>>[vector<16xi32>], vector<16xf32>,
        %parallel_loop3A_636 = arith.constant 16 : i32
        %parallel_loop3A_637 = arith.muli %parallel_loop3A_304, %parallel_loop3A_636 : i32
        %parallel_loop3A_638 = arith.constant 1 : i32
        %parallel_loop3A_639 = arith.constant 2 : i32
        %parallel_loop3A_640 = arith.constant 7 : i32
        %parallel_loop3A_641 = arith.index_cast %parallel_loop3A_638 : i32 to index
        %parallel_loop3A_642 = arith.index_cast %parallel_loop3A_639 : i32 to index
        %parallel_loop3A_643 = arith.index_cast %parallel_loop3A_640 : i32 to index
        %parallel_loop3A_644 = arith.index_cast %parallel_loop3A_637 : i32 to index
        %parallel_loop3A_645 = tpu.vector_load %arg7[%parallel_loop3A_641, %parallel_loop3A_642, %parallel_loop3A_643, %parallel_loop3A_644] {strides = array<i32>} : memref<2x4x8x1024xf32, #tpu.memory_space<vmem>>, vector<16xf32>,
        tpu.vector_store %arg7[%parallel_loop3A_641, %parallel_loop3A_642, %parallel_loop3A_643, %parallel_loop3A_644], %parallel_loop3A_635 {strides = array<i32>} : memref<2x4x8x1024xf32, #tpu.memory_space<vmem>>, vector<16xf32>,
        %parallel_loop3A_646 = arith.constant 24000 : i32
        %parallel_loop3A_647 = vector.broadcast %parallel_loop3A_646 : i32 to vector<16xi32>
        %parallel_loop3A_648 = arith.addi %parallel_loop3A_309, %parallel_loop3A_647 : vector<16xi32>
        %parallel_loop3A_649 = tpu.vector_load_idx %arg6[%parallel_loop3A_648] : memref<32000xf32, #tpu.memory_space<vmem>>[vector<16xi32>], vector<16xf32>,
        %parallel_loop3A_650 = arith.constant 16 : i32
        %parallel_loop3A_651 = arith.muli %parallel_loop3A_304, %parallel_loop3A_650 : i32
        %parallel_loop3A_652 = arith.constant 1 : i32
        %parallel_loop3A_653 = arith.constant 3 : i32
        %parallel_loop3A_654 = arith.constant 0 : i32
        %parallel_loop3A_655 = arith.index_cast %parallel_loop3A_652 : i32 to index
        %parallel_loop3A_656 = arith.index_cast %parallel_loop3A_653 : i32 to index
        %parallel_loop3A_657 = arith.index_cast %parallel_loop3A_654 : i32 to index
        %parallel_loop3A_658 = arith.index_cast %parallel_loop3A_651 : i32 to index
        %parallel_loop3A_659 = tpu.vector_load %arg7[%parallel_loop3A_655, %parallel_loop3A_656, %parallel_loop3A_657, %parallel_loop3A_658] {strides = array<i32>} : memref<2x4x8x1024xf32, #tpu.memory_space<vmem>>, vector<16xf32>,
        tpu.vector_store %arg7[%parallel_loop3A_655, %parallel_loop3A_656, %parallel_loop3A_657, %parallel_loop3A_658], %parallel_loop3A_649 {strides = array<i32>} : memref<2x4x8x1024xf32, #tpu.memory_space<vmem>>, vector<16xf32>,
        %parallel_loop3A_660 = arith.constant 25000 : i32
        %parallel_loop3A_661 = vector.broadcast %parallel_loop3A_660 : i32 to vector<16xi32>
        %parallel_loop3A_662 = arith.addi %parallel_loop3A_309, %parallel_loop3A_661 : vector<16xi32>
        %parallel_loop3A_663 = tpu.vector_load_idx %arg6[%parallel_loop3A_662] : memref<32000xf32, #tpu.memory_space<vmem>>[vector<16xi32>], vector<16xf32>,
        %parallel_loop3A_664 = arith.constant 16 : i32
        %parallel_loop3A_665 = arith.muli %parallel_loop3A_304, %parallel_loop3A_664 : i32
        %parallel_loop3A_666 = arith.constant 1 : i32
        %parallel_loop3A_667 = arith.constant 3 : i32
        %parallel_loop3A_668 = arith.constant 1 : i32
        %parallel_loop3A_669 = arith.index_cast %parallel_loop3A_666 : i32 to index
        %parallel_loop3A_670 = arith.index_cast %parallel_loop3A_667 : i32 to index
        %parallel_loop3A_671 = arith.index_cast %parallel_loop3A_668 : i32 to index
        %parallel_loop3A_672 = arith.index_cast %parallel_loop3A_665 : i32 to index
        %parallel_loop3A_673 = tpu.vector_load %arg7[%parallel_loop3A_669, %parallel_loop3A_670, %parallel_loop3A_671, %parallel_loop3A_672] {strides = array<i32>} : memref<2x4x8x1024xf32, #tpu.memory_space<vmem>>, vector<16xf32>,
        tpu.vector_store %arg7[%parallel_loop3A_669, %parallel_loop3A_670, %parallel_loop3A_671, %parallel_loop3A_672], %parallel_loop3A_663 {strides = array<i32>} : memref<2x4x8x1024xf32, #tpu.memory_space<vmem>>, vector<16xf32>,
        %parallel_loop3A_674 = arith.constant 26000 : i32
        %parallel_loop3A_675 = vector.broadcast %parallel_loop3A_674 : i32 to vector<16xi32>
        %parallel_loop3A_676 = arith.addi %parallel_loop3A_309, %parallel_loop3A_675 : vector<16xi32>
        %parallel_loop3A_677 = tpu.vector_load_idx %arg6[%parallel_loop3A_676] : memref<32000xf32, #tpu.memory_space<vmem>>[vector<16xi32>], vector<16xf32>,
        %parallel_loop3A_678 = arith.constant 16 : i32
        %parallel_loop3A_679 = arith.muli %parallel_loop3A_304, %parallel_loop3A_678 : i32
        %parallel_loop3A_680 = arith.constant 1 : i32
        %parallel_loop3A_681 = arith.constant 3 : i32
        %parallel_loop3A_682 = arith.constant 2 : i32
        %parallel_loop3A_683 = arith.index_cast %parallel_loop3A_680 : i32 to index
        %parallel_loop3A_684 = arith.index_cast %parallel_loop3A_681 : i32 to index
        %parallel_loop3A_685 = arith.index_cast %parallel_loop3A_682 : i32 to index
        %parallel_loop3A_686 = arith.index_cast %parallel_loop3A_679 : i32 to index
        %parallel_loop3A_687 = tpu.vector_load %arg7[%parallel_loop3A_683, %parallel_loop3A_684, %parallel_loop3A_685, %parallel_loop3A_686] {strides = array<i32>} : memref<2x4x8x1024xf32, #tpu.memory_space<vmem>>, vector<16xf32>,
        tpu.vector_store %arg7[%parallel_loop3A_683, %parallel_loop3A_684, %parallel_loop3A_685, %parallel_loop3A_686], %parallel_loop3A_677 {strides = array<i32>} : memref<2x4x8x1024xf32, #tpu.memory_space<vmem>>, vector<16xf32>,
        %parallel_loop3A_688 = arith.constant 27000 : i32
        %parallel_loop3A_689 = vector.broadcast %parallel_loop3A_688 : i32 to vector<16xi32>
        %parallel_loop3A_690 = arith.addi %parallel_loop3A_309, %parallel_loop3A_689 : vector<16xi32>
        %parallel_loop3A_691 = tpu.vector_load_idx %arg6[%parallel_loop3A_690] : memref<32000xf32, #tpu.memory_space<vmem>>[vector<16xi32>], vector<16xf32>,
        %parallel_loop3A_692 = arith.constant 16 : i32
        %parallel_loop3A_693 = arith.muli %parallel_loop3A_304, %parallel_loop3A_692 : i32
        %parallel_loop3A_694 = arith.constant 1 : i32
        %parallel_loop3A_695 = arith.constant 3 : i32
        %parallel_loop3A_696 = arith.constant 3 : i32
        %parallel_loop3A_697 = arith.index_cast %parallel_loop3A_694 : i32 to index
        %parallel_loop3A_698 = arith.index_cast %parallel_loop3A_695 : i32 to index
        %parallel_loop3A_699 = arith.index_cast %parallel_loop3A_696 : i32 to index
        %parallel_loop3A_700 = arith.index_cast %parallel_loop3A_693 : i32 to index
        %parallel_loop3A_701 = tpu.vector_load %arg7[%parallel_loop3A_697, %parallel_loop3A_698, %parallel_loop3A_699, %parallel_loop3A_700] {strides = array<i32>} : memref<2x4x8x1024xf32, #tpu.memory_space<vmem>>, vector<16xf32>,
        tpu.vector_store %arg7[%parallel_loop3A_697, %parallel_loop3A_698, %parallel_loop3A_699, %parallel_loop3A_700], %parallel_loop3A_691 {strides = array<i32>} : memref<2x4x8x1024xf32, #tpu.memory_space<vmem>>, vector<16xf32>,
        %parallel_loop3A_702 = arith.constant 28000 : i32
        %parallel_loop3A_703 = vector.broadcast %parallel_loop3A_702 : i32 to vector<16xi32>
        %parallel_loop3A_704 = arith.addi %parallel_loop3A_309, %parallel_loop3A_703 : vector<16xi32>
        %parallel_loop3A_705 = tpu.vector_load_idx %arg6[%parallel_loop3A_704] : memref<32000xf32, #tpu.memory_space<vmem>>[vector<16xi32>], vector<16xf32>,
        %parallel_loop3A_706 = arith.constant 16 : i32
        %parallel_loop3A_707 = arith.muli %parallel_loop3A_304, %parallel_loop3A_706 : i32
        %parallel_loop3A_708 = arith.constant 1 : i32
        %parallel_loop3A_709 = arith.constant 3 : i32
        %parallel_loop3A_710 = arith.constant 4 : i32
        %parallel_loop3A_711 = arith.index_cast %parallel_loop3A_708 : i32 to index
        %parallel_loop3A_712 = arith.index_cast %parallel_loop3A_709 : i32 to index
        %parallel_loop3A_713 = arith.index_cast %parallel_loop3A_710 : i32 to index
        %parallel_loop3A_714 = arith.index_cast %parallel_loop3A_707 : i32 to index
        %parallel_loop3A_715 = tpu.vector_load %arg7[%parallel_loop3A_711, %parallel_loop3A_712, %parallel_loop3A_713, %parallel_loop3A_714] {strides = array<i32>} : memref<2x4x8x1024xf32, #tpu.memory_space<vmem>>, vector<16xf32>,
        tpu.vector_store %arg7[%parallel_loop3A_711, %parallel_loop3A_712, %parallel_loop3A_713, %parallel_loop3A_714], %parallel_loop3A_705 {strides = array<i32>} : memref<2x4x8x1024xf32, #tpu.memory_space<vmem>>, vector<16xf32>,
        %parallel_loop3A_716 = arith.constant 29000 : i32
        %parallel_loop3A_717 = vector.broadcast %parallel_loop3A_716 : i32 to vector<16xi32>
        %parallel_loop3A_718 = arith.addi %parallel_loop3A_309, %parallel_loop3A_717 : vector<16xi32>
        %parallel_loop3A_719 = tpu.vector_load_idx %arg6[%parallel_loop3A_718] : memref<32000xf32, #tpu.memory_space<vmem>>[vector<16xi32>], vector<16xf32>,
        %parallel_loop3A_720 = arith.constant 16 : i32
        %parallel_loop3A_721 = arith.muli %parallel_loop3A_304, %parallel_loop3A_720 : i32
        %parallel_loop3A_722 = arith.constant 1 : i32
        %parallel_loop3A_723 = arith.constant 3 : i32
        %parallel_loop3A_724 = arith.constant 5 : i32
        %parallel_loop3A_725 = arith.index_cast %parallel_loop3A_722 : i32 to index
        %parallel_loop3A_726 = arith.index_cast %parallel_loop3A_723 : i32 to index
        %parallel_loop3A_727 = arith.index_cast %parallel_loop3A_724 : i32 to index
        %parallel_loop3A_728 = arith.index_cast %parallel_loop3A_721 : i32 to index
        %parallel_loop3A_729 = tpu.vector_load %arg7[%parallel_loop3A_725, %parallel_loop3A_726, %parallel_loop3A_727, %parallel_loop3A_728] {strides = array<i32>} : memref<2x4x8x1024xf32, #tpu.memory_space<vmem>>, vector<16xf32>,
        tpu.vector_store %arg7[%parallel_loop3A_725, %parallel_loop3A_726, %parallel_loop3A_727, %parallel_loop3A_728], %parallel_loop3A_719 {strides = array<i32>} : memref<2x4x8x1024xf32, #tpu.memory_space<vmem>>, vector<16xf32>,
        %parallel_loop3A_730 = arith.constant 30000 : i32
        %parallel_loop3A_731 = vector.broadcast %parallel_loop3A_730 : i32 to vector<16xi32>
        %parallel_loop3A_732 = arith.addi %parallel_loop3A_309, %parallel_loop3A_731 : vector<16xi32>
        %parallel_loop3A_733 = tpu.vector_load_idx %arg6[%parallel_loop3A_732] : memref<32000xf32, #tpu.memory_space<vmem>>[vector<16xi32>], vector<16xf32>,
        %parallel_loop3A_734 = arith.constant 16 : i32
        %parallel_loop3A_735 = arith.muli %parallel_loop3A_304, %parallel_loop3A_734 : i32
        %parallel_loop3A_736 = arith.constant 1 : i32
        %parallel_loop3A_737 = arith.constant 3 : i32
        %parallel_loop3A_738 = arith.constant 6 : i32
        %parallel_loop3A_739 = arith.index_cast %parallel_loop3A_736 : i32 to index
        %parallel_loop3A_740 = arith.index_cast %parallel_loop3A_737 : i32 to index
        %parallel_loop3A_741 = arith.index_cast %parallel_loop3A_738 : i32 to index
        %parallel_loop3A_742 = arith.index_cast %parallel_loop3A_735 : i32 to index
        %parallel_loop3A_743 = tpu.vector_load %arg7[%parallel_loop3A_739, %parallel_loop3A_740, %parallel_loop3A_741, %parallel_loop3A_742] {strides = array<i32>} : memref<2x4x8x1024xf32, #tpu.memory_space<vmem>>, vector<16xf32>,
        tpu.vector_store %arg7[%parallel_loop3A_739, %parallel_loop3A_740, %parallel_loop3A_741, %parallel_loop3A_742], %parallel_loop3A_733 {strides = array<i32>} : memref<2x4x8x1024xf32, #tpu.memory_space<vmem>>, vector<16xf32>,
        %parallel_loop3A_744 = arith.constant 31000 : i32
        %parallel_loop3A_745 = vector.broadcast %parallel_loop3A_744 : i32 to vector<16xi32>
        %parallel_loop3A_746 = arith.addi %parallel_loop3A_309, %parallel_loop3A_745 : vector<16xi32>
        %parallel_loop3A_747 = tpu.vector_load_idx %arg6[%parallel_loop3A_746] : memref<32000xf32, #tpu.memory_space<vmem>>[vector<16xi32>], vector<16xf32>,
        %parallel_loop3A_748 = arith.constant 16 : i32
        %parallel_loop3A_749 = arith.muli %parallel_loop3A_304, %parallel_loop3A_748 : i32
        %parallel_loop3A_750 = arith.constant 1 : i32
        %parallel_loop3A_751 = arith.constant 3 : i32
        %parallel_loop3A_752 = arith.constant 7 : i32
        %parallel_loop3A_753 = arith.index_cast %parallel_loop3A_750 : i32 to index
        %parallel_loop3A_754 = arith.index_cast %parallel_loop3A_751 : i32 to index
        %parallel_loop3A_755 = arith.index_cast %parallel_loop3A_752 : i32 to index
        %parallel_loop3A_756 = arith.index_cast %parallel_loop3A_749 : i32 to index
        %parallel_loop3A_757 = tpu.vector_load %arg7[%parallel_loop3A_753, %parallel_loop3A_754, %parallel_loop3A_755, %parallel_loop3A_756] {strides = array<i32>} : memref<2x4x8x1024xf32, #tpu.memory_space<vmem>>, vector<16xf32>,
        tpu.vector_store %arg7[%parallel_loop3A_753, %parallel_loop3A_754, %parallel_loop3A_755, %parallel_loop3A_756], %parallel_loop3A_747 {strides = array<i32>} : memref<2x4x8x1024xf32, #tpu.memory_space<vmem>>, vector<16xf32>,
      } {sc.loop_unroll_factor = 1 : i64, sc.parallel_access}
      %not3A_244 = arith.constant true
      %not3A_245 = arith.xori %le3A_7, %not3A_244 : i1
      %add3A_246 = arith.constant 0 : i32
      %add3A_247 = arith.addi %mul3A_4, %add3A_246 : i32
      %lt3A_248 = arith.constant 125 : i32
      %lt3A_249 = arith.cmpi slt, %add3A_247, %lt3A_248 : i32
      %and3A_250 = arith.andi %not3A_245, %lt3A_249 : i1
      %add3A_251 = arith.constant 0 : i32
      %add3A_252 = arith.addi %mul3A_4, %add3A_251 : i32
      %not3A_253 = arith.constant true
      %not3A_254 = arith.xori %le3A_7, %not3A_253 : i1
      %add3A_255 = arith.constant 1 : i32
      %add3A_256 = arith.addi %mul3A_4, %add3A_255 : i32
      %lt3A_257 = arith.constant 125 : i32
      %lt3A_258 = arith.cmpi slt, %add3A_256, %lt3A_257 : i32
      %and3A_259 = arith.andi %not3A_254, %lt3A_258 : i1
      %add3A_260 = arith.constant 1 : i32
      %add3A_261 = arith.addi %mul3A_4, %add3A_260 : i32
      %not3A_262 = arith.constant true
      %not3A_263 = arith.xori %le3A_7, %not3A_262 : i1
      %add3A_264 = arith.constant 2 : i32
      %add3A_265 = arith.addi %mul3A_4, %add3A_264 : i32
      %lt3A_266 = arith.constant 125 : i32
      %lt3A_267 = arith.cmpi slt, %add3A_265, %lt3A_266 : i32
      %and3A_268 = arith.andi %not3A_263, %lt3A_267 : i1
      %add3A_269 = arith.constant 2 : i32
      %add3A_270 = arith.addi %mul3A_4, %add3A_269 : i32
      %not3A_271 = arith.constant true
      %not3A_272 = arith.xori %le3A_7, %not3A_271 : i1
      %add3A_273 = arith.constant 3 : i32
      %add3A_274 = arith.addi %mul3A_4, %add3A_273 : i32
      %lt3A_275 = arith.constant 125 : i32
      %lt3A_276 = arith.cmpi slt, %add3A_274, %lt3A_275 : i32
      %and3A_277 = arith.andi %not3A_272, %lt3A_276 : i1
      %add3A_278 = arith.constant 3 : i32
      %add3A_279 = arith.addi %mul3A_4, %add3A_278 : i32
      %convert_element_type3A_280 = arith.extui %le3A_7 : i1 to i32
      %cond3A_281 = arith.constant 1 : i32
      %cond3A_282 = arith.constant 0 : i32
      %cond3A_283 = arith.cmpi ne, %convert_element_type3A_280, %cond3A_282 : i32
      scf.if %cond3A_283 {
        %dma_start3A = arith.constant 0 : i32
        %dma_start3A_304 = arith.constant 0 : i32
        %dma_start3A_305 = arith.constant 0 : i32
        %dma_start3A_306 = tpu.memref_slice %arg7[%cond3A_281, %dma_start3A, %dma_start3A_304, %dma_start3A_305] : memref<2x4x8x1024xf32, #tpu.memory_space<vmem>> -> memref<1x4x8x1024xf32, #tpu.memory_space<vmem>>
        %dma_start3A_307 = tpu.memref_squeeze %dma_start3A_306 : memref<1x4x8x1024xf32, #tpu.memory_space<vmem>> -> memref<4x8x1024xf32, #tpu.memory_space<vmem>>
        %dma_start3A_308 = arith.constant 0 : i32
        %dma_start3A_309 = tpu.memref_slice %arg4[%mul3A_4, %dma_start3A_308, %multiple_of3A_237] : memref<125x8x16384xf32, #tpu.memory_space<hbm>> -> memref<4x8x1024xf32, #tpu.memory_space<hbm>>
        %dma_start3A_310 = arith.constant 0 : i32
        %dma_start3A_311 = tpu.memref_slice %arg4[%mul3A_4, %dma_start3A_310, %multiple_of3A_237] : memref<125x8x16384xf32, #tpu.memory_space<hbm>> -> memref<4x8x1024xf32, #tpu.memory_space<hbm>>
        %dma_start3A_312 = arith.constant 0 : i32
        %dma_start3A_313 = arith.constant 0 : i32
        %dma_start3A_314 = arith.constant 0 : i32
        %dma_start3A_315 = tpu.memref_slice %arg7[%cond3A_281, %dma_start3A_312, %dma_start3A_313, %dma_start3A_314] : memref<2x4x8x1024xf32, #tpu.memory_space<vmem>> -> memref<1x4x8x1024xf32, #tpu.memory_space<vmem>>
        %dma_start3A_316 = tpu.memref_squeeze %dma_start3A_315 : memref<1x4x8x1024xf32, #tpu.memory_space<vmem>> -> memref<4x8x1024xf32, #tpu.memory_space<vmem>>
        tpu.enqueue_dma source(%dma_start3A_316 : memref<4x8x1024xf32, #tpu.memory_space<vmem>>) target(%dma_start3A_311 : memref<4x8x1024xf32, #tpu.memory_space<hbm>>) target_semaphore(%arg9 : memref<!tpu.dma_semaphore, #tpu.memory_space<semaphore_mem>>)
      } else {
      }
      %convert_element_type3A_284 = arith.extui %and3A_250 : i1 to i32
      %cond3A_285 = arith.constant 1 : i32
      %cond3A_286 = arith.constant 0 : i32
      %cond3A_287 = arith.constant 0 : i32
      %cond3A_288 = arith.cmpi ne, %convert_element_type3A_284, %cond3A_287 : i32
      scf.if %cond3A_288 {
        %dma_start3A = arith.constant 0 : i32
        %dma_start3A_304 = arith.constant 0 : i32
        %dma_start3A_305 = tpu.memref_slice %arg7[%cond3A_285, %cond3A_286, %dma_start3A, %dma_start3A_304] : memref<2x4x8x1024xf32, #tpu.memory_space<vmem>> -> memref<1x1x8x1024xf32, #tpu.memory_space<vmem>>
        %dma_start3A_306 = tpu.memref_squeeze %dma_start3A_305 : memref<1x1x8x1024xf32, #tpu.memory_space<vmem>> -> memref<8x1024xf32, #tpu.memory_space<vmem>>
        %dma_start3A_307 = arith.constant 0 : i32
        %dma_start3A_308 = tpu.memref_slice %arg4[%add3A_252, %dma_start3A_307, %multiple_of3A_237] : memref<125x8x16384xf32, #tpu.memory_space<hbm>> -> memref<1x8x1024xf32, #tpu.memory_space<hbm>>
        %dma_start3A_309 = tpu.memref_squeeze %dma_start3A_308 : memref<1x8x1024xf32, #tpu.memory_space<hbm>> -> memref<8x1024xf32, #tpu.memory_space<hbm>>
        %dma_start3A_310 = arith.constant 0 : i32
        %dma_start3A_311 = tpu.memref_slice %arg4[%add3A_252, %dma_start3A_310, %multiple_of3A_237] : memref<125x8x16384xf32, #tpu.memory_space<hbm>> -> memref<1x8x1024xf32, #tpu.memory_space<hbm>>
        %dma_start3A_312 = tpu.memref_squeeze %dma_start3A_311 : memref<1x8x1024xf32, #tpu.memory_space<hbm>> -> memref<8x1024xf32, #tpu.memory_space<hbm>>
        %dma_start3A_313 = arith.constant 0 : i32
        %dma_start3A_314 = arith.constant 0 : i32
        %dma_start3A_315 = tpu.memref_slice %arg7[%cond3A_285, %cond3A_286, %dma_start3A_313, %dma_start3A_314] : memref<2x4x8x1024xf32, #tpu.memory_space<vmem>> -> memref<1x1x8x1024xf32, #tpu.memory_space<vmem>>
        %dma_start3A_316 = tpu.memref_squeeze %dma_start3A_315 : memref<1x1x8x1024xf32, #tpu.memory_space<vmem>> -> memref<8x1024xf32, #tpu.memory_space<vmem>>
        tpu.enqueue_dma source(%dma_start3A_316 : memref<8x1024xf32, #tpu.memory_space<vmem>>) target(%dma_start3A_312 : memref<8x1024xf32, #tpu.memory_space<hbm>>) target_semaphore(%arg9 : memref<!tpu.dma_semaphore, #tpu.memory_space<semaphore_mem>>)
      } else {
      }
      %convert_element_type3A_289 = arith.extui %and3A_259 : i1 to i32
      %cond3A_290 = arith.constant 1 : i32
      %cond3A_291 = arith.constant 1 : i32
      %cond3A_292 = arith.constant 0 : i32
      %cond3A_293 = arith.cmpi ne, %convert_element_type3A_289, %cond3A_292 : i32
      scf.if %cond3A_293 {
        %dma_start3A = arith.constant 0 : i32
        %dma_start3A_304 = arith.constant 0 : i32
        %dma_start3A_305 = tpu.memref_slice %arg7[%cond3A_290, %cond3A_291, %dma_start3A, %dma_start3A_304] : memref<2x4x8x1024xf32, #tpu.memory_space<vmem>> -> memref<1x1x8x1024xf32, #tpu.memory_space<vmem>>
        %dma_start3A_306 = tpu.memref_squeeze %dma_start3A_305 : memref<1x1x8x1024xf32, #tpu.memory_space<vmem>> -> memref<8x1024xf32, #tpu.memory_space<vmem>>
        %dma_start3A_307 = arith.constant 0 : i32
        %dma_start3A_308 = tpu.memref_slice %arg4[%add3A_261, %dma_start3A_307, %multiple_of3A_237] : memref<125x8x16384xf32, #tpu.memory_space<hbm>> -> memref<1x8x1024xf32, #tpu.memory_space<hbm>>
        %dma_start3A_309 = tpu.memref_squeeze %dma_start3A_308 : memref<1x8x1024xf32, #tpu.memory_space<hbm>> -> memref<8x1024xf32, #tpu.memory_space<hbm>>
        %dma_start3A_310 = arith.constant 0 : i32
        %dma_start3A_311 = tpu.memref_slice %arg4[%add3A_261, %dma_start3A_310, %multiple_of3A_237] : memref<125x8x16384xf32, #tpu.memory_space<hbm>> -> memref<1x8x1024xf32, #tpu.memory_space<hbm>>
        %dma_start3A_312 = tpu.memref_squeeze %dma_start3A_311 : memref<1x8x1024xf32, #tpu.memory_space<hbm>> -> memref<8x1024xf32, #tpu.memory_space<hbm>>
        %dma_start3A_313 = arith.constant 0 : i32
        %dma_start3A_314 = arith.constant 0 : i32
        %dma_start3A_315 = tpu.memref_slice %arg7[%cond3A_290, %cond3A_291, %dma_start3A_313, %dma_start3A_314] : memref<2x4x8x1024xf32, #tpu.memory_space<vmem>> -> memref<1x1x8x1024xf32, #tpu.memory_space<vmem>>
        %dma_start3A_316 = tpu.memref_squeeze %dma_start3A_315 : memref<1x1x8x1024xf32, #tpu.memory_space<vmem>> -> memref<8x1024xf32, #tpu.memory_space<vmem>>
        tpu.enqueue_dma source(%dma_start3A_316 : memref<8x1024xf32, #tpu.memory_space<vmem>>) target(%dma_start3A_312 : memref<8x1024xf32, #tpu.memory_space<hbm>>) target_semaphore(%arg9 : memref<!tpu.dma_semaphore, #tpu.memory_space<semaphore_mem>>)
      } else {
      }
      %convert_element_type3A_294 = arith.extui %and3A_268 : i1 to i32
      %cond3A_295 = arith.constant 1 : i32
      %cond3A_296 = arith.constant 2 : i32
      %cond3A_297 = arith.constant 0 : i32
      %cond3A_298 = arith.cmpi ne, %convert_element_type3A_294, %cond3A_297 : i32
      scf.if %cond3A_298 {
        %dma_start3A = arith.constant 0 : i32
        %dma_start3A_304 = arith.constant 0 : i32
        %dma_start3A_305 = tpu.memref_slice %arg7[%cond3A_295, %cond3A_296, %dma_start3A, %dma_start3A_304] : memref<2x4x8x1024xf32, #tpu.memory_space<vmem>> -> memref<1x1x8x1024xf32, #tpu.memory_space<vmem>>
        %dma_start3A_306 = tpu.memref_squeeze %dma_start3A_305 : memref<1x1x8x1024xf32, #tpu.memory_space<vmem>> -> memref<8x1024xf32, #tpu.memory_space<vmem>>
        %dma_start3A_307 = arith.constant 0 : i32
        %dma_start3A_308 = tpu.memref_slice %arg4[%add3A_270, %dma_start3A_307, %multiple_of3A_237] : memref<125x8x16384xf32, #tpu.memory_space<hbm>> -> memref<1x8x1024xf32, #tpu.memory_space<hbm>>
        %dma_start3A_309 = tpu.memref_squeeze %dma_start3A_308 : memref<1x8x1024xf32, #tpu.memory_space<hbm>> -> memref<8x1024xf32, #tpu.memory_space<hbm>>
        %dma_start3A_310 = arith.constant 0 : i32
        %dma_start3A_311 = tpu.memref_slice %arg4[%add3A_270, %dma_start3A_310, %multiple_of3A_237] : memref<125x8x16384xf32, #tpu.memory_space<hbm>> -> memref<1x8x1024xf32, #tpu.memory_space<hbm>>
        %dma_start3A_312 = tpu.memref_squeeze %dma_start3A_311 : memref<1x8x1024xf32, #tpu.memory_space<hbm>> -> memref<8x1024xf32, #tpu.memory_space<hbm>>
        %dma_start3A_313 = arith.constant 0 : i32
        %dma_start3A_314 = arith.constant 0 : i32
        %dma_start3A_315 = tpu.memref_slice %arg7[%cond3A_295, %cond3A_296, %dma_start3A_313, %dma_start3A_314] : memref<2x4x8x1024xf32, #tpu.memory_space<vmem>> -> memref<1x1x8x1024xf32, #tpu.memory_space<vmem>>
        %dma_start3A_316 = tpu.memref_squeeze %dma_start3A_315 : memref<1x1x8x1024xf32, #tpu.memory_space<vmem>> -> memref<8x1024xf32, #tpu.memory_space<vmem>>
        tpu.enqueue_dma source(%dma_start3A_316 : memref<8x1024xf32, #tpu.memory_space<vmem>>) target(%dma_start3A_312 : memref<8x1024xf32, #tpu.memory_space<hbm>>) target_semaphore(%arg9 : memref<!tpu.dma_semaphore, #tpu.memory_space<semaphore_mem>>)
      } else {
      }
      %convert_element_type3A_299 = arith.extui %and3A_277 : i1 to i32
      %cond3A_300 = arith.constant 1 : i32
      %cond3A_301 = arith.constant 3 : i32
      %cond3A_302 = arith.constant 0 : i32
      %cond3A_303 = arith.cmpi ne, %convert_element_type3A_299, %cond3A_302 : i32
      scf.if %cond3A_303 {
        %dma_start3A = arith.constant 0 : i32
        %dma_start3A_304 = arith.constant 0 : i32
        %dma_start3A_305 = tpu.memref_slice %arg7[%cond3A_300, %cond3A_301, %dma_start3A, %dma_start3A_304] : memref<2x4x8x1024xf32, #tpu.memory_space<vmem>> -> memref<1x1x8x1024xf32, #tpu.memory_space<vmem>>
        %dma_start3A_306 = tpu.memref_squeeze %dma_start3A_305 : memref<1x1x8x1024xf32, #tpu.memory_space<vmem>> -> memref<8x1024xf32, #tpu.memory_space<vmem>>
        %dma_start3A_307 = arith.constant 0 : i32
        %dma_start3A_308 = tpu.memref_slice %arg4[%add3A_279, %dma_start3A_307, %multiple_of3A_237] : memref<125x8x16384xf32, #tpu.memory_space<hbm>> -> memref<1x8x1024xf32, #tpu.memory_space<hbm>>
        %dma_start3A_309 = tpu.memref_squeeze %dma_start3A_308 : memref<1x8x1024xf32, #tpu.memory_space<hbm>> -> memref<8x1024xf32, #tpu.memory_space<hbm>>
        %dma_start3A_310 = arith.constant 0 : i32
        %dma_start3A_311 = tpu.memref_slice %arg4[%add3A_279, %dma_start3A_310, %multiple_of3A_237] : memref<125x8x16384xf32, #tpu.memory_space<hbm>> -> memref<1x8x1024xf32, #tpu.memory_space<hbm>>
        %dma_start3A_312 = tpu.memref_squeeze %dma_start3A_311 : memref<1x8x1024xf32, #tpu.memory_space<hbm>> -> memref<8x1024xf32, #tpu.memory_space<hbm>>
        %dma_start3A_313 = arith.constant 0 : i32
        %dma_start3A_314 = arith.constant 0 : i32
        %dma_start3A_315 = tpu.memref_slice %arg7[%cond3A_300, %cond3A_301, %dma_start3A_313, %dma_start3A_314] : memref<2x4x8x1024xf32, #tpu.memory_space<vmem>> -> memref<1x1x8x1024xf32, #tpu.memory_space<vmem>>
        %dma_start3A_316 = tpu.memref_squeeze %dma_start3A_315 : memref<1x1x8x1024xf32, #tpu.memory_space<vmem>> -> memref<8x1024xf32, #tpu.memory_space<vmem>>
        tpu.enqueue_dma source(%dma_start3A_316 : memref<8x1024xf32, #tpu.memory_space<vmem>>) target(%dma_start3A_312 : memref<8x1024xf32, #tpu.memory_space<hbm>>) target_semaphore(%arg9 : memref<!tpu.dma_semaphore, #tpu.memory_space<semaphore_mem>>)
      } else {
      }
    }
    %scan3A_37 = arith.constant 8 : i32
    %not3A = arith.constant true
    %not3A_38 = arith.xori %le3A_7, %not3A : i1
    %add3A_39 = arith.constant 0 : i32
    %add3A_40 = arith.addi %mul3A_4, %add3A_39 : i32
    %lt3A_41 = arith.constant 125 : i32
    %lt3A_42 = arith.cmpi slt, %add3A_40, %lt3A_41 : i32
    %and3A = arith.andi %not3A_38, %lt3A_42 : i1
    %add3A_43 = arith.constant 0 : i32
    %add3A_44 = arith.addi %mul3A_4, %add3A_43 : i32
    %not3A_45 = arith.constant true
    %not3A_46 = arith.xori %le3A_7, %not3A_45 : i1
    %add3A_47 = arith.constant 1 : i32
    %add3A_48 = arith.addi %mul3A_4, %add3A_47 : i32
    %lt3A_49 = arith.constant 125 : i32
    %lt3A_50 = arith.cmpi slt, %add3A_48, %lt3A_49 : i32
    %and3A_51 = arith.andi %not3A_46, %lt3A_50 : i1
    %add3A_52 = arith.constant 1 : i32
    %add3A_53 = arith.addi %mul3A_4, %add3A_52 : i32
    %not3A_54 = arith.constant true
    %not3A_55 = arith.xori %le3A_7, %not3A_54 : i1
    %add3A_56 = arith.constant 2 : i32
    %add3A_57 = arith.addi %mul3A_4, %add3A_56 : i32
    %lt3A_58 = arith.constant 125 : i32
    %lt3A_59 = arith.cmpi slt, %add3A_57, %lt3A_58 : i32
    %and3A_60 = arith.andi %not3A_55, %lt3A_59 : i1
    %add3A_61 = arith.constant 2 : i32
    %add3A_62 = arith.addi %mul3A_4, %add3A_61 : i32
    %not3A_63 = arith.constant true
    %not3A_64 = arith.xori %le3A_7, %not3A_63 : i1
    %add3A_65 = arith.constant 3 : i32
    %add3A_66 = arith.addi %mul3A_4, %add3A_65 : i32
    %lt3A_67 = arith.constant 125 : i32
    %lt3A_68 = arith.cmpi slt, %add3A_66, %lt3A_67 : i32
    %and3A_69 = arith.andi %not3A_64, %lt3A_68 : i1
    %add3A_70 = arith.constant 3 : i32
    %add3A_71 = arith.addi %mul3A_4, %add3A_70 : i32
    %convert_element_type3A_72 = arith.extui %le3A_7 : i1 to i32
    %cond3A_73 = arith.constant 0 : i32
    %cond3A_74 = arith.constant 0 : i32
    %cond3A_75 = arith.cmpi ne, %convert_element_type3A_72, %cond3A_74 : i32
    scf.if %cond3A_75 {
      %dma_wait3A = arith.constant 0 : i32
      %dma_wait3A_156 = arith.constant 0 : i32
      %dma_wait3A_157 = arith.constant 0 : i32
      %dma_wait3A_158 = tpu.memref_slice %arg7[%cond3A_73, %dma_wait3A, %dma_wait3A_156, %dma_wait3A_157] : memref<2x4x8x1024xf32, #tpu.memory_space<vmem>> -> memref<1x4x8x1024xf32, #tpu.memory_space<vmem>>
      %dma_wait3A_159 = tpu.memref_squeeze %dma_wait3A_158 : memref<1x4x8x1024xf32, #tpu.memory_space<vmem>> -> memref<4x8x1024xf32, #tpu.memory_space<vmem>>
      %dma_wait3A_160 = arith.constant 0 : i32
      %dma_wait3A_161 = arith.constant 14336 : i32
      %dma_wait3A_162 = tpu.memref_slice %arg4[%mul3A_4, %dma_wait3A_160, %dma_wait3A_161] : memref<125x8x16384xf32, #tpu.memory_space<hbm>> -> memref<4x8x1024xf32, #tpu.memory_space<hbm>>
      %dma_wait3A_163 = arith.constant 0 : i32
      %dma_wait3A_164 = arith.constant 14336 : i32
      %dma_wait3A_165 = tpu.memref_slice %arg4[%mul3A_4, %dma_wait3A_163, %dma_wait3A_164] : memref<125x8x16384xf32, #tpu.memory_space<hbm>> -> memref<4x8x1024xf32, #tpu.memory_space<hbm>>
      %dma_wait3A_166 = arith.constant 0 : i32
      %dma_wait3A_167 = arith.constant 0 : i32
      %dma_wait3A_168 = arith.constant 0 : i32
      %dma_wait3A_169 = tpu.memref_slice %arg7[%cond3A_73, %dma_wait3A_166, %dma_wait3A_167, %dma_wait3A_168] : memref<2x4x8x1024xf32, #tpu.memory_space<vmem>> -> memref<1x4x8x1024xf32, #tpu.memory_space<vmem>>
      %dma_wait3A_170 = tpu.memref_squeeze %dma_wait3A_169 : memref<1x4x8x1024xf32, #tpu.memory_space<vmem>> -> memref<4x8x1024xf32, #tpu.memory_space<vmem>>
      tpu.wait_dma2 semaphore(%arg8 : memref<!tpu.dma_semaphore, #tpu.memory_space<semaphore_mem>>) src(%dma_wait3A_170 : memref<4x8x1024xf32, #tpu.memory_space<vmem>>) dst(%dma_wait3A_165 : memref<4x8x1024xf32, #tpu.memory_space<hbm>>)
    } else {
    }
    %convert_element_type3A_76 = arith.extui %and3A : i1 to i32
    %cond3A_77 = arith.constant 0 : i32
    %cond3A_78 = arith.constant 0 : i32
    %cond3A_79 = arith.constant 0 : i32
    %cond3A_80 = arith.cmpi ne, %convert_element_type3A_76, %cond3A_79 : i32
    scf.if %cond3A_80 {
      %dma_wait3A = arith.constant 0 : i32
      %dma_wait3A_156 = arith.constant 0 : i32
      %dma_wait3A_157 = tpu.memref_slice %arg7[%cond3A_77, %cond3A_78, %dma_wait3A, %dma_wait3A_156] : memref<2x4x8x1024xf32, #tpu.memory_space<vmem>> -> memref<1x1x8x1024xf32, #tpu.memory_space<vmem>>
      %dma_wait3A_158 = tpu.memref_squeeze %dma_wait3A_157 : memref<1x1x8x1024xf32, #tpu.memory_space<vmem>> -> memref<8x1024xf32, #tpu.memory_space<vmem>>
      %dma_wait3A_159 = arith.constant 0 : i32
      %dma_wait3A_160 = arith.constant 14336 : i32
      %dma_wait3A_161 = tpu.memref_slice %arg4[%add3A_44, %dma_wait3A_159, %dma_wait3A_160] : memref<125x8x16384xf32, #tpu.memory_space<hbm>> -> memref<1x8x1024xf32, #tpu.memory_space<hbm>>
      %dma_wait3A_162 = tpu.memref_squeeze %dma_wait3A_161 : memref<1x8x1024xf32, #tpu.memory_space<hbm>> -> memref<8x1024xf32, #tpu.memory_space<hbm>>
      %dma_wait3A_163 = arith.constant 0 : i32
      %dma_wait3A_164 = arith.constant 14336 : i32
      %dma_wait3A_165 = tpu.memref_slice %arg4[%add3A_44, %dma_wait3A_163, %dma_wait3A_164] : memref<125x8x16384xf32, #tpu.memory_space<hbm>> -> memref<1x8x1024xf32, #tpu.memory_space<hbm>>
      %dma_wait3A_166 = tpu.memref_squeeze %dma_wait3A_165 : memref<1x8x1024xf32, #tpu.memory_space<hbm>> -> memref<8x1024xf32, #tpu.memory_space<hbm>>
      %dma_wait3A_167 = arith.constant 0 : i32
      %dma_wait3A_168 = arith.constant 0 : i32
      %dma_wait3A_169 = tpu.memref_slice %arg7[%cond3A_77, %cond3A_78, %dma_wait3A_167, %dma_wait3A_168] : memref<2x4x8x1024xf32, #tpu.memory_space<vmem>> -> memref<1x1x8x1024xf32, #tpu.memory_space<vmem>>
      %dma_wait3A_170 = tpu.memref_squeeze %dma_wait3A_169 : memref<1x1x8x1024xf32, #tpu.memory_space<vmem>> -> memref<8x1024xf32, #tpu.memory_space<vmem>>
      tpu.wait_dma2 semaphore(%arg8 : memref<!tpu.dma_semaphore, #tpu.memory_space<semaphore_mem>>) src(%dma_wait3A_170 : memref<8x1024xf32, #tpu.memory_space<vmem>>) dst(%dma_wait3A_166 : memref<8x1024xf32, #tpu.memory_space<hbm>>)
    } else {
    }
    %convert_element_type3A_81 = arith.extui %and3A_51 : i1 to i32
    %cond3A_82 = arith.constant 0 : i32
    %cond3A_83 = arith.constant 1 : i32
    %cond3A_84 = arith.constant 0 : i32
    %cond3A_85 = arith.cmpi ne, %convert_element_type3A_81, %cond3A_84 : i32
    scf.if %cond3A_85 {
      %dma_wait3A = arith.constant 0 : i32
      %dma_wait3A_156 = arith.constant 0 : i32
      %dma_wait3A_157 = tpu.memref_slice %arg7[%cond3A_82, %cond3A_83, %dma_wait3A, %dma_wait3A_156] : memref<2x4x8x1024xf32, #tpu.memory_space<vmem>> -> memref<1x1x8x1024xf32, #tpu.memory_space<vmem>>
      %dma_wait3A_158 = tpu.memref_squeeze %dma_wait3A_157 : memref<1x1x8x1024xf32, #tpu.memory_space<vmem>> -> memref<8x1024xf32, #tpu.memory_space<vmem>>
      %dma_wait3A_159 = arith.constant 0 : i32
      %dma_wait3A_160 = arith.constant 14336 : i32
      %dma_wait3A_161 = tpu.memref_slice %arg4[%add3A_53, %dma_wait3A_159, %dma_wait3A_160] : memref<125x8x16384xf32, #tpu.memory_space<hbm>> -> memref<1x8x1024xf32, #tpu.memory_space<hbm>>
      %dma_wait3A_162 = tpu.memref_squeeze %dma_wait3A_161 : memref<1x8x1024xf32, #tpu.memory_space<hbm>> -> memref<8x1024xf32, #tpu.memory_space<hbm>>
      %dma_wait3A_163 = arith.constant 0 : i32
      %dma_wait3A_164 = arith.constant 14336 : i32
      %dma_wait3A_165 = tpu.memref_slice %arg4[%add3A_53, %dma_wait3A_163, %dma_wait3A_164] : memref<125x8x16384xf32, #tpu.memory_space<hbm>> -> memref<1x8x1024xf32, #tpu.memory_space<hbm>>
      %dma_wait3A_166 = tpu.memref_squeeze %dma_wait3A_165 : memref<1x8x1024xf32, #tpu.memory_space<hbm>> -> memref<8x1024xf32, #tpu.memory_space<hbm>>
      %dma_wait3A_167 = arith.constant 0 : i32
      %dma_wait3A_168 = arith.constant 0 : i32
      %dma_wait3A_169 = tpu.memref_slice %arg7[%cond3A_82, %cond3A_83, %dma_wait3A_167, %dma_wait3A_168] : memref<2x4x8x1024xf32, #tpu.memory_space<vmem>> -> memref<1x1x8x1024xf32, #tpu.memory_space<vmem>>
      %dma_wait3A_170 = tpu.memref_squeeze %dma_wait3A_169 : memref<1x1x8x1024xf32, #tpu.memory_space<vmem>> -> memref<8x1024xf32, #tpu.memory_space<vmem>>
      tpu.wait_dma2 semaphore(%arg8 : memref<!tpu.dma_semaphore, #tpu.memory_space<semaphore_mem>>) src(%dma_wait3A_170 : memref<8x1024xf32, #tpu.memory_space<vmem>>) dst(%dma_wait3A_166 : memref<8x1024xf32, #tpu.memory_space<hbm>>)
    } else {
    }
    %convert_element_type3A_86 = arith.extui %and3A_60 : i1 to i32
    %cond3A_87 = arith.constant 0 : i32
    %cond3A_88 = arith.constant 2 : i32
    %cond3A_89 = arith.constant 0 : i32
    %cond3A_90 = arith.cmpi ne, %convert_element_type3A_86, %cond3A_89 : i32
    scf.if %cond3A_90 {
      %dma_wait3A = arith.constant 0 : i32
      %dma_wait3A_156 = arith.constant 0 : i32
      %dma_wait3A_157 = tpu.memref_slice %arg7[%cond3A_87, %cond3A_88, %dma_wait3A, %dma_wait3A_156] : memref<2x4x8x1024xf32, #tpu.memory_space<vmem>> -> memref<1x1x8x1024xf32, #tpu.memory_space<vmem>>
      %dma_wait3A_158 = tpu.memref_squeeze %dma_wait3A_157 : memref<1x1x8x1024xf32, #tpu.memory_space<vmem>> -> memref<8x1024xf32, #tpu.memory_space<vmem>>
      %dma_wait3A_159 = arith.constant 0 : i32
      %dma_wait3A_160 = arith.constant 14336 : i32
      %dma_wait3A_161 = tpu.memref_slice %arg4[%add3A_62, %dma_wait3A_159, %dma_wait3A_160] : memref<125x8x16384xf32, #tpu.memory_space<hbm>> -> memref<1x8x1024xf32, #tpu.memory_space<hbm>>
      %dma_wait3A_162 = tpu.memref_squeeze %dma_wait3A_161 : memref<1x8x1024xf32, #tpu.memory_space<hbm>> -> memref<8x1024xf32, #tpu.memory_space<hbm>>
      %dma_wait3A_163 = arith.constant 0 : i32
      %dma_wait3A_164 = arith.constant 14336 : i32
      %dma_wait3A_165 = tpu.memref_slice %arg4[%add3A_62, %dma_wait3A_163, %dma_wait3A_164] : memref<125x8x16384xf32, #tpu.memory_space<hbm>> -> memref<1x8x1024xf32, #tpu.memory_space<hbm>>
      %dma_wait3A_166 = tpu.memref_squeeze %dma_wait3A_165 : memref<1x8x1024xf32, #tpu.memory_space<hbm>> -> memref<8x1024xf32, #tpu.memory_space<hbm>>
      %dma_wait3A_167 = arith.constant 0 : i32
      %dma_wait3A_168 = arith.constant 0 : i32
      %dma_wait3A_169 = tpu.memref_slice %arg7[%cond3A_87, %cond3A_88, %dma_wait3A_167, %dma_wait3A_168] : memref<2x4x8x1024xf32, #tpu.memory_space<vmem>> -> memref<1x1x8x1024xf32, #tpu.memory_space<vmem>>
      %dma_wait3A_170 = tpu.memref_squeeze %dma_wait3A_169 : memref<1x1x8x1024xf32, #tpu.memory_space<vmem>> -> memref<8x1024xf32, #tpu.memory_space<vmem>>
      tpu.wait_dma2 semaphore(%arg8 : memref<!tpu.dma_semaphore, #tpu.memory_space<semaphore_mem>>) src(%dma_wait3A_170 : memref<8x1024xf32, #tpu.memory_space<vmem>>) dst(%dma_wait3A_166 : memref<8x1024xf32, #tpu.memory_space<hbm>>)
    } else {
    }
    %convert_element_type3A_91 = arith.extui %and3A_69 : i1 to i32
    %cond3A_92 = arith.constant 0 : i32
    %cond3A_93 = arith.constant 3 : i32
    %cond3A_94 = arith.constant 0 : i32
    %cond3A_95 = arith.cmpi ne, %convert_element_type3A_91, %cond3A_94 : i32
    scf.if %cond3A_95 {
      %dma_wait3A = arith.constant 0 : i32
      %dma_wait3A_156 = arith.constant 0 : i32
      %dma_wait3A_157 = tpu.memref_slice %arg7[%cond3A_92, %cond3A_93, %dma_wait3A, %dma_wait3A_156] : memref<2x4x8x1024xf32, #tpu.memory_space<vmem>> -> memref<1x1x8x1024xf32, #tpu.memory_space<vmem>>
      %dma_wait3A_158 = tpu.memref_squeeze %dma_wait3A_157 : memref<1x1x8x1024xf32, #tpu.memory_space<vmem>> -> memref<8x1024xf32, #tpu.memory_space<vmem>>
      %dma_wait3A_159 = arith.constant 0 : i32
      %dma_wait3A_160 = arith.constant 14336 : i32
      %dma_wait3A_161 = tpu.memref_slice %arg4[%add3A_71, %dma_wait3A_159, %dma_wait3A_160] : memref<125x8x16384xf32, #tpu.memory_space<hbm>> -> memref<1x8x1024xf32, #tpu.memory_space<hbm>>
      %dma_wait3A_162 = tpu.memref_squeeze %dma_wait3A_161 : memref<1x8x1024xf32, #tpu.memory_space<hbm>> -> memref<8x1024xf32, #tpu.memory_space<hbm>>
      %dma_wait3A_163 = arith.constant 0 : i32
      %dma_wait3A_164 = arith.constant 14336 : i32
      %dma_wait3A_165 = tpu.memref_slice %arg4[%add3A_71, %dma_wait3A_163, %dma_wait3A_164] : memref<125x8x16384xf32, #tpu.memory_space<hbm>> -> memref<1x8x1024xf32, #tpu.memory_space<hbm>>
      %dma_wait3A_166 = tpu.memref_squeeze %dma_wait3A_165 : memref<1x8x1024xf32, #tpu.memory_space<hbm>> -> memref<8x1024xf32, #tpu.memory_space<hbm>>
      %dma_wait3A_167 = arith.constant 0 : i32
      %dma_wait3A_168 = arith.constant 0 : i32
      %dma_wait3A_169 = tpu.memref_slice %arg7[%cond3A_92, %cond3A_93, %dma_wait3A_167, %dma_wait3A_168] : memref<2x4x8x1024xf32, #tpu.memory_space<vmem>> -> memref<1x1x8x1024xf32, #tpu.memory_space<vmem>>
      %dma_wait3A_170 = tpu.memref_squeeze %dma_wait3A_169 : memref<1x1x8x1024xf32, #tpu.memory_space<vmem>> -> memref<8x1024xf32, #tpu.memory_space<vmem>>
      tpu.wait_dma2 semaphore(%arg8 : memref<!tpu.dma_semaphore, #tpu.memory_space<semaphore_mem>>) src(%dma_wait3A_170 : memref<8x1024xf32, #tpu.memory_space<vmem>>) dst(%dma_wait3A_166 : memref<8x1024xf32, #tpu.memory_space<hbm>>)
    } else {
    }
    %not3A_96 = arith.constant true
    %not3A_97 = arith.xori %le3A_7, %not3A_96 : i1
    %add3A_98 = arith.constant 0 : i32
    %add3A_99 = arith.addi %mul3A_4, %add3A_98 : i32
    %lt3A_100 = arith.constant 125 : i32
    %lt3A_101 = arith.cmpi slt, %add3A_99, %lt3A_100 : i32
    %and3A_102 = arith.andi %not3A_97, %lt3A_101 : i1
    %add3A_103 = arith.constant 0 : i32
    %add3A_104 = arith.addi %mul3A_4, %add3A_103 : i32
    %not3A_105 = arith.constant true
    %not3A_106 = arith.xori %le3A_7, %not3A_105 : i1
    %add3A_107 = arith.constant 1 : i32
    %add3A_108 = arith.addi %mul3A_4, %add3A_107 : i32
    %lt3A_109 = arith.constant 125 : i32
    %lt3A_110 = arith.cmpi slt, %add3A_108, %lt3A_109 : i32
    %and3A_111 = arith.andi %not3A_106, %lt3A_110 : i1
    %add3A_112 = arith.constant 1 : i32
    %add3A_113 = arith.addi %mul3A_4, %add3A_112 : i32
    %not3A_114 = arith.constant true
    %not3A_115 = arith.xori %le3A_7, %not3A_114 : i1
    %add3A_116 = arith.constant 2 : i32
    %add3A_117 = arith.addi %mul3A_4, %add3A_116 : i32
    %lt3A_118 = arith.constant 125 : i32
    %lt3A_119 = arith.cmpi slt, %add3A_117, %lt3A_118 : i32
    %and3A_120 = arith.andi %not3A_115, %lt3A_119 : i1
    %add3A_121 = arith.constant 2 : i32
    %add3A_122 = arith.addi %mul3A_4, %add3A_121 : i32
    %not3A_123 = arith.constant true
    %not3A_124 = arith.xori %le3A_7, %not3A_123 : i1
    %add3A_125 = arith.constant 3 : i32
    %add3A_126 = arith.addi %mul3A_4, %add3A_125 : i32
    %lt3A_127 = arith.constant 125 : i32
    %lt3A_128 = arith.cmpi slt, %add3A_126, %lt3A_127 : i32
    %and3A_129 = arith.andi %not3A_124, %lt3A_128 : i1
    %add3A_130 = arith.constant 3 : i32
    %add3A_131 = arith.addi %mul3A_4, %add3A_130 : i32
    %convert_element_type3A_132 = arith.extui %le3A_7 : i1 to i32
    %cond3A_133 = arith.constant 1 : i32
    %cond3A_134 = arith.constant 0 : i32
    %cond3A_135 = arith.cmpi ne, %convert_element_type3A_132, %cond3A_134 : i32
    scf.if %cond3A_135 {
      %dma_wait3A = arith.constant 0 : i32
      %dma_wait3A_156 = arith.constant 0 : i32
      %dma_wait3A_157 = arith.constant 0 : i32
      %dma_wait3A_158 = tpu.memref_slice %arg7[%cond3A_133, %dma_wait3A, %dma_wait3A_156, %dma_wait3A_157] : memref<2x4x8x1024xf32, #tpu.memory_space<vmem>> -> memref<1x4x8x1024xf32, #tpu.memory_space<vmem>>
      %dma_wait3A_159 = tpu.memref_squeeze %dma_wait3A_158 : memref<1x4x8x1024xf32, #tpu.memory_space<vmem>> -> memref<4x8x1024xf32, #tpu.memory_space<vmem>>
      %dma_wait3A_160 = arith.constant 0 : i32
      %dma_wait3A_161 = arith.constant 15360 : i32
      %dma_wait3A_162 = tpu.memref_slice %arg4[%mul3A_4, %dma_wait3A_160, %dma_wait3A_161] : memref<125x8x16384xf32, #tpu.memory_space<hbm>> -> memref<4x8x1024xf32, #tpu.memory_space<hbm>>
      %dma_wait3A_163 = arith.constant 0 : i32
      %dma_wait3A_164 = arith.constant 15360 : i32
      %dma_wait3A_165 = tpu.memref_slice %arg4[%mul3A_4, %dma_wait3A_163, %dma_wait3A_164] : memref<125x8x16384xf32, #tpu.memory_space<hbm>> -> memref<4x8x1024xf32, #tpu.memory_space<hbm>>
      %dma_wait3A_166 = arith.constant 0 : i32
      %dma_wait3A_167 = arith.constant 0 : i32
      %dma_wait3A_168 = arith.constant 0 : i32
      %dma_wait3A_169 = tpu.memref_slice %arg7[%cond3A_133, %dma_wait3A_166, %dma_wait3A_167, %dma_wait3A_168] : memref<2x4x8x1024xf32, #tpu.memory_space<vmem>> -> memref<1x4x8x1024xf32, #tpu.memory_space<vmem>>
      %dma_wait3A_170 = tpu.memref_squeeze %dma_wait3A_169 : memref<1x4x8x1024xf32, #tpu.memory_space<vmem>> -> memref<4x8x1024xf32, #tpu.memory_space<vmem>>
      tpu.wait_dma2 semaphore(%arg9 : memref<!tpu.dma_semaphore, #tpu.memory_space<semaphore_mem>>) src(%dma_wait3A_170 : memref<4x8x1024xf32, #tpu.memory_space<vmem>>) dst(%dma_wait3A_165 : memref<4x8x1024xf32, #tpu.memory_space<hbm>>)
    } else {
    }
    %convert_element_type3A_136 = arith.extui %and3A_102 : i1 to i32
    %cond3A_137 = arith.constant 1 : i32
    %cond3A_138 = arith.constant 0 : i32
    %cond3A_139 = arith.constant 0 : i32
    %cond3A_140 = arith.cmpi ne, %convert_element_type3A_136, %cond3A_139 : i32
    scf.if %cond3A_140 {
      %dma_wait3A = arith.constant 0 : i32
      %dma_wait3A_156 = arith.constant 0 : i32
      %dma_wait3A_157 = tpu.memref_slice %arg7[%cond3A_137, %cond3A_138, %dma_wait3A, %dma_wait3A_156] : memref<2x4x8x1024xf32, #tpu.memory_space<vmem>> -> memref<1x1x8x1024xf32, #tpu.memory_space<vmem>>
      %dma_wait3A_158 = tpu.memref_squeeze %dma_wait3A_157 : memref<1x1x8x1024xf32, #tpu.memory_space<vmem>> -> memref<8x1024xf32, #tpu.memory_space<vmem>>
      %dma_wait3A_159 = arith.constant 0 : i32
      %dma_wait3A_160 = arith.constant 15360 : i32
      %dma_wait3A_161 = tpu.memref_slice %arg4[%add3A_104, %dma_wait3A_159, %dma_wait3A_160] : memref<125x8x16384xf32, #tpu.memory_space<hbm>> -> memref<1x8x1024xf32, #tpu.memory_space<hbm>>
      %dma_wait3A_162 = tpu.memref_squeeze %dma_wait3A_161 : memref<1x8x1024xf32, #tpu.memory_space<hbm>> -> memref<8x1024xf32, #tpu.memory_space<hbm>>
      %dma_wait3A_163 = arith.constant 0 : i32
      %dma_wait3A_164 = arith.constant 15360 : i32
      %dma_wait3A_165 = tpu.memref_slice %arg4[%add3A_104, %dma_wait3A_163, %dma_wait3A_164] : memref<125x8x16384xf32, #tpu.memory_space<hbm>> -> memref<1x8x1024xf32, #tpu.memory_space<hbm>>
      %dma_wait3A_166 = tpu.memref_squeeze %dma_wait3A_165 : memref<1x8x1024xf32, #tpu.memory_space<hbm>> -> memref<8x1024xf32, #tpu.memory_space<hbm>>
      %dma_wait3A_167 = arith.constant 0 : i32
      %dma_wait3A_168 = arith.constant 0 : i32
      %dma_wait3A_169 = tpu.memref_slice %arg7[%cond3A_137, %cond3A_138, %dma_wait3A_167, %dma_wait3A_168] : memref<2x4x8x1024xf32, #tpu.memory_space<vmem>> -> memref<1x1x8x1024xf32, #tpu.memory_space<vmem>>
      %dma_wait3A_170 = tpu.memref_squeeze %dma_wait3A_169 : memref<1x1x8x1024xf32, #tpu.memory_space<vmem>> -> memref<8x1024xf32, #tpu.memory_space<vmem>>
      tpu.wait_dma2 semaphore(%arg9 : memref<!tpu.dma_semaphore, #tpu.memory_space<semaphore_mem>>) src(%dma_wait3A_170 : memref<8x1024xf32, #tpu.memory_space<vmem>>) dst(%dma_wait3A_166 : memref<8x1024xf32, #tpu.memory_space<hbm>>)
    } else {
    }
    %convert_element_type3A_141 = arith.extui %and3A_111 : i1 to i32
    %cond3A_142 = arith.constant 1 : i32
    %cond3A_143 = arith.constant 1 : i32
    %cond3A_144 = arith.constant 0 : i32
    %cond3A_145 = arith.cmpi ne, %convert_element_type3A_141, %cond3A_144 : i32
    scf.if %cond3A_145 {
      %dma_wait3A = arith.constant 0 : i32
      %dma_wait3A_156 = arith.constant 0 : i32
      %dma_wait3A_157 = tpu.memref_slice %arg7[%cond3A_142, %cond3A_143, %dma_wait3A, %dma_wait3A_156] : memref<2x4x8x1024xf32, #tpu.memory_space<vmem>> -> memref<1x1x8x1024xf32, #tpu.memory_space<vmem>>
      %dma_wait3A_158 = tpu.memref_squeeze %dma_wait3A_157 : memref<1x1x8x1024xf32, #tpu.memory_space<vmem>> -> memref<8x1024xf32, #tpu.memory_space<vmem>>
      %dma_wait3A_159 = arith.constant 0 : i32
      %dma_wait3A_160 = arith.constant 15360 : i32
      %dma_wait3A_161 = tpu.memref_slice %arg4[%add3A_113, %dma_wait3A_159, %dma_wait3A_160] : memref<125x8x16384xf32, #tpu.memory_space<hbm>> -> memref<1x8x1024xf32, #tpu.memory_space<hbm>>
      %dma_wait3A_162 = tpu.memref_squeeze %dma_wait3A_161 : memref<1x8x1024xf32, #tpu.memory_space<hbm>> -> memref<8x1024xf32, #tpu.memory_space<hbm>>
      %dma_wait3A_163 = arith.constant 0 : i32
      %dma_wait3A_164 = arith.constant 15360 : i32
      %dma_wait3A_165 = tpu.memref_slice %arg4[%add3A_113, %dma_wait3A_163, %dma_wait3A_164] : memref<125x8x16384xf32, #tpu.memory_space<hbm>> -> memref<1x8x1024xf32, #tpu.memory_space<hbm>>
      %dma_wait3A_166 = tpu.memref_squeeze %dma_wait3A_165 : memref<1x8x1024xf32, #tpu.memory_space<hbm>> -> memref<8x1024xf32, #tpu.memory_space<hbm>>
      %dma_wait3A_167 = arith.constant 0 : i32
      %dma_wait3A_168 = arith.constant 0 : i32
      %dma_wait3A_169 = tpu.memref_slice %arg7[%cond3A_142, %cond3A_143, %dma_wait3A_167, %dma_wait3A_168] : memref<2x4x8x1024xf32, #tpu.memory_space<vmem>> -> memref<1x1x8x1024xf32, #tpu.memory_space<vmem>>
      %dma_wait3A_170 = tpu.memref_squeeze %dma_wait3A_169 : memref<1x1x8x1024xf32, #tpu.memory_space<vmem>> -> memref<8x1024xf32, #tpu.memory_space<vmem>>
      tpu.wait_dma2 semaphore(%arg9 : memref<!tpu.dma_semaphore, #tpu.memory_space<semaphore_mem>>) src(%dma_wait3A_170 : memref<8x1024xf32, #tpu.memory_space<vmem>>) dst(%dma_wait3A_166 : memref<8x1024xf32, #tpu.memory_space<hbm>>)
    } else {
    }
    %convert_element_type3A_146 = arith.extui %and3A_120 : i1 to i32
    %cond3A_147 = arith.constant 1 : i32
    %cond3A_148 = arith.constant 2 : i32
    %cond3A_149 = arith.constant 0 : i32
    %cond3A_150 = arith.cmpi ne, %convert_element_type3A_146, %cond3A_149 : i32
    scf.if %cond3A_150 {
      %dma_wait3A = arith.constant 0 : i32
      %dma_wait3A_156 = arith.constant 0 : i32
      %dma_wait3A_157 = tpu.memref_slice %arg7[%cond3A_147, %cond3A_148, %dma_wait3A, %dma_wait3A_156] : memref<2x4x8x1024xf32, #tpu.memory_space<vmem>> -> memref<1x1x8x1024xf32, #tpu.memory_space<vmem>>
      %dma_wait3A_158 = tpu.memref_squeeze %dma_wait3A_157 : memref<1x1x8x1024xf32, #tpu.memory_space<vmem>> -> memref<8x1024xf32, #tpu.memory_space<vmem>>
      %dma_wait3A_159 = arith.constant 0 : i32
      %dma_wait3A_160 = arith.constant 15360 : i32
      %dma_wait3A_161 = tpu.memref_slice %arg4[%add3A_122, %dma_wait3A_159, %dma_wait3A_160] : memref<125x8x16384xf32, #tpu.memory_space<hbm>> -> memref<1x8x1024xf32, #tpu.memory_space<hbm>>
      %dma_wait3A_162 = tpu.memref_squeeze %dma_wait3A_161 : memref<1x8x1024xf32, #tpu.memory_space<hbm>> -> memref<8x1024xf32, #tpu.memory_space<hbm>>
      %dma_wait3A_163 = arith.constant 0 : i32
      %dma_wait3A_164 = arith.constant 15360 : i32
      %dma_wait3A_165 = tpu.memref_slice %arg4[%add3A_122, %dma_wait3A_163, %dma_wait3A_164] : memref<125x8x16384xf32, #tpu.memory_space<hbm>> -> memref<1x8x1024xf32, #tpu.memory_space<hbm>>
      %dma_wait3A_166 = tpu.memref_squeeze %dma_wait3A_165 : memref<1x8x1024xf32, #tpu.memory_space<hbm>> -> memref<8x1024xf32, #tpu.memory_space<hbm>>
      %dma_wait3A_167 = arith.constant 0 : i32
      %dma_wait3A_168 = arith.constant 0 : i32
      %dma_wait3A_169 = tpu.memref_slice %arg7[%cond3A_147, %cond3A_148, %dma_wait3A_167, %dma_wait3A_168] : memref<2x4x8x1024xf32, #tpu.memory_space<vmem>> -> memref<1x1x8x1024xf32, #tpu.memory_space<vmem>>
      %dma_wait3A_170 = tpu.memref_squeeze %dma_wait3A_169 : memref<1x1x8x1024xf32, #tpu.memory_space<vmem>> -> memref<8x1024xf32, #tpu.memory_space<vmem>>
      tpu.wait_dma2 semaphore(%arg9 : memref<!tpu.dma_semaphore, #tpu.memory_space<semaphore_mem>>) src(%dma_wait3A_170 : memref<8x1024xf32, #tpu.memory_space<vmem>>) dst(%dma_wait3A_166 : memref<8x1024xf32, #tpu.memory_space<hbm>>)
    } else {
    }
    %convert_element_type3A_151 = arith.extui %and3A_129 : i1 to i32
    %cond3A_152 = arith.constant 1 : i32
    %cond3A_153 = arith.constant 3 : i32
    %cond3A_154 = arith.constant 0 : i32
    %cond3A_155 = arith.cmpi ne, %convert_element_type3A_151, %cond3A_154 : i32
    scf.if %cond3A_155 {
      %dma_wait3A = arith.constant 0 : i32
      %dma_wait3A_156 = arith.constant 0 : i32
      %dma_wait3A_157 = tpu.memref_slice %arg7[%cond3A_152, %cond3A_153, %dma_wait3A, %dma_wait3A_156] : memref<2x4x8x1024xf32, #tpu.memory_space<vmem>> -> memref<1x1x8x1024xf32, #tpu.memory_space<vmem>>
      %dma_wait3A_158 = tpu.memref_squeeze %dma_wait3A_157 : memref<1x1x8x1024xf32, #tpu.memory_space<vmem>> -> memref<8x1024xf32, #tpu.memory_space<vmem>>
      %dma_wait3A_159 = arith.constant 0 : i32
      %dma_wait3A_160 = arith.constant 15360 : i32
      %dma_wait3A_161 = tpu.memref_slice %arg4[%add3A_131, %dma_wait3A_159, %dma_wait3A_160] : memref<125x8x16384xf32, #tpu.memory_space<hbm>> -> memref<1x8x1024xf32, #tpu.memory_space<hbm>>
      %dma_wait3A_162 = tpu.memref_squeeze %dma_wait3A_161 : memref<1x8x1024xf32, #tpu.memory_space<hbm>> -> memref<8x1024xf32, #tpu.memory_space<hbm>>
      %dma_wait3A_163 = arith.constant 0 : i32
      %dma_wait3A_164 = arith.constant 15360 : i32
      %dma_wait3A_165 = tpu.memref_slice %arg4[%add3A_131, %dma_wait3A_163, %dma_wait3A_164] : memref<125x8x16384xf32, #tpu.memory_space<hbm>> -> memref<1x8x1024xf32, #tpu.memory_space<hbm>>
      %dma_wait3A_166 = tpu.memref_squeeze %dma_wait3A_165 : memref<1x8x1024xf32, #tpu.memory_space<hbm>> -> memref<8x1024xf32, #tpu.memory_space<hbm>>
      %dma_wait3A_167 = arith.constant 0 : i32
      %dma_wait3A_168 = arith.constant 0 : i32
      %dma_wait3A_169 = tpu.memref_slice %arg7[%cond3A_152, %cond3A_153, %dma_wait3A_167, %dma_wait3A_168] : memref<2x4x8x1024xf32, #tpu.memory_space<vmem>> -> memref<1x1x8x1024xf32, #tpu.memory_space<vmem>>
      %dma_wait3A_170 = tpu.memref_squeeze %dma_wait3A_169 : memref<1x1x8x1024xf32, #tpu.memory_space<vmem>> -> memref<8x1024xf32, #tpu.memory_space<vmem>>
      tpu.wait_dma2 semaphore(%arg9 : memref<!tpu.dma_semaphore, #tpu.memory_space<semaphore_mem>>) src(%dma_wait3A_170 : memref<8x1024xf32, #tpu.memory_space<vmem>>) dst(%dma_wait3A_166 : memref<8x1024xf32, #tpu.memory_space<hbm>>)
    } else {
    }
    return
  }
}

</mosaic_0001>

<sc_bundles>
// kernel: kernel.3.cloned.1.call-start
scs
__scs_entry_jumppad:
0x0: {  	(pc) =	sbr.rel $0x88, $3  }
0x1: {  	(tag) =	ssettag $0x0;
	lr =	simm.s32 $0x1  }
0x2: {  	[smem:$0x3F9F] =	sst lr;
	_ =	strace $0xD0000000  }
0x3: {  	_ = 	snop  }
0x4: {  	_ = 	snop  }
0x5: {  	_ = 	snop  }
0x6: {  	_ = 	snop  }
0x7: {  	_ = 	snop  }
__scs_overlays_trampoline_lowered:
0x8: {  	[smem:$0x3FAE] =	sst s0  }
0x9: {  	[smem:$0x3FAF] =	sst s1  }
0xa: {  	[smem:$0x3FB0] =	sst s2  }
0xb: {  	[smem:$0x3FB1] =	sst s3  }
0xc: {  	[smem:$0x3FB2] =	sst s4  }
0xd: {  	[smem:$0x3FB3] =	sst s5  }
0xe: {  	[smem:$0x3FB4] =	sst s6  }
0xf: {  	[smem:$0x3FB5] =	sst s7  }
0x10: {  	[smem:$0x3FB6] =	sst s8  }
0x11: {  	[smem:$0x3FB7] =	sst s9;
	s0 =	simm.s32 @!p0 $0x0  }
0x12: {  	s1 =	sld [smem:$0x3F9D];
	s0 =	simm.s32 @p0 $0x1  }
0x13: {  	[smem:$0x3FB8] =	sst s0;
	s0 =	simm.s32 @!p1 $0x0  }
0x14: {  	s2 =	sld [smem:$0x3F9C];
	s0 =	simm.s32 @p1 $0x1  }
0x15: {  	[smem:$0x3FB9] =	sst s0;
	s0 =	simm.s32 @!p2 $0x0  }
0x16: {  	s3 =	sld [smem:$0x3FDB];
	s0 =	simm.s32 @p2 $0x1  }
0x17: {  	s4 =	simm.s32 $0x1BF5;
	[smem:$0x3FBB] =	sst s0  }
0x18: {  	s0 =	sld [smem:$0x3F9E];
	_ =	swait.ge [sflag:s4], $0x0  }
0x19: {  	s7 =	sld [smem:$0x3F9F]  }
0x1a: {  	s8 =	sadd.s32 $0xFFFFE003, lr  }
0x1b: {  	s9 =	sadd.s32 $0xFFFFFEF7, lr;
	s5 =	simm.s32 $0xFFFFFFFF;
	p2 =	slt.u32 s8, $0xFFFFF086  }
0x1c: {  	p1 =	slt.u32 s9, $0xF7A;
	s5 =	simm.s32 @!p2 $0x0  }
0x1d: {  	s5 =	simm.s32 @p1 $0x1;
	p0 =	seq.s32 s7, s2  }
0x1e: {  	s7 =	smul.u32 @!p0 $0xF7A, s2;
	p2 =	seq.s32 @!p0 s5, $0x0  }
0x1f: {  	s9 =	smul.u32 $0xF7A, s1;
	s8 =	simm.s32 @!p0 $0x1BF5;
	p2 =	por !p2, p0  }
0x20: {  	[sflag:s8] =	ssyncset.s32 @!p0 $0xFFFFF086;
	s6 =	sadd.s32 @!p0 s3, s7;
	s7 =	simm.s32 @!p0 $0x108  }
0x21: {  	s3 =	sadd.s32 s3, s9;
	s6 =	sadd.s32 @!p0 $0x88, s6;
	s7 =	simm.s32 @p2 $0x1082  }
0x22: {  	[simem:s7], [sflag:s8] =	dma.local @!p0 [hbm:s6], $0xF7A  }
0x23: {  	s9 =	sor.u32 $0xD0000000, s2;
	s6 =	simm.s32 $0x108;
	_ =	swait.ge @!p0 [sflag:s8], $0x0  }
0x24: {  	s3 =	sadd.s32 $0x88, s3;
	s6 =	simm.s32 @!p1 $0x1082;
	[sflag:s4] =	ssyncset.s32 $0xFFFFF086  }
0x25: {  	[simem:s6], [sflag:s4] =	dma.local [hbm:s3], $0xF7A  }
0x26: {  	[smem:$0x3F9F] =	sst s1;
	(tag) =	ssettag s2;
	_ =	strace s9  }
0x27: {  	s1 =	sld [smem:$0x3FAF]  }
0x28: {  	s2 =	sld [smem:$0x3FB0]  }
0x29: {  	s4 =	sld [smem:$0x3FB2]  }
0x2a: {  	p0 =	seq.s32 s5, $0x0;
	s5 =	sld [smem:$0x3FB3]  }
0x2b: {  	s6 =	sld [smem:$0x3FB4]  }
0x2c: {  	s7 =	sld [smem:$0x3FB5]  }
0x2d: {  	s3 =	simm.s32 $0x108;
	s8 =	sld [smem:$0x3FB6]  }
0x2e: {  	s3 =	simm.s32 @!p0 $0x1082;
	s9 =	sld [smem:$0x3FB7]  }
0x2f: {  	lr =	sadd.s32 s0, s3;
	s0 =	sld [smem:$0x3FAE]  }
0x30: {  	s3 =	sld [smem:$0x3FB1]  }
0x31: {  	[smem:$0x3FBA] =	sst s10  }
0x32: {  	s10 =	sld [smem:$0x3FB8];
	_ =	sdelay $0x3  }
0x33: {  	p0 =	seq.s32 s10, $0x1;
	s10 =	sld [smem:$0x3FBA];
	_ =	sdelay $0x3  }
0x34: {  	[smem:$0x3FBA] =	sst s10  }
0x35: {  	s10 =	sld [smem:$0x3FB9];
	_ =	sdelay $0x3  }
0x36: {  	p1 =	seq.s32 s10, $0x1;
	s10 =	sld [smem:$0x3FBA];
	_ =	sdelay $0x3  }
0x37: {  	[smem:$0x3FBA] =	sst s10  }
0x38: {  	s10 =	sld [smem:$0x3FBB]  }
0x39: {  	_ = 	snop;
	(pc) =	sbr.ind lr, $3  }
0x3a: {  	_ = 	snop  }
0x3b: {  	_ = 	snop  }
0x3c: {  	p2 =	seq.s32 s10, $0x1;
	s10 =	sld [smem:$0x3FBA]  }
0x3d: {  	_ =	shalt  }
0x3e: {  	_ =	shalt  }
0x3f: {  	_ =	shalt  }
0x40: {  	_ =	shalt  }
0x41: {  	_ =	shalt  }
0x42: {  	_ =	shalt  }
0x43: {  	_ =	shalt  }
0x44: {  	_ =	shalt  }
0x45: {  	_ =	shalt  }
0x46: {  	_ =	shalt  }
0x47: {  	_ =	shalt  }
0x48: {  	_ =	shalt  }
0x49: {  	_ =	shalt  }
0x4a: {  	_ =	shalt  }
0x4b: {  	_ =	shalt  }
0x4c: {  	_ =	shalt  }
0x4d: {  	_ =	shalt  }
0x4e: {  	_ =	shalt  }
0x4f: {  	_ =	shalt  }
0x50: {  	_ =	shalt  }
0x51: {  	_ =	shalt  }
0x52: {  	_ =	shalt  }
0x53: {  	_ =	shalt  }
0x54: {  	_ =	shalt  }
0x55: {  	_ =	shalt  }
0x56: {  	_ =	shalt  }
0x57: {  	_ =	shalt  }
0x58: {  	_ =	shalt  }
0x59: {  	_ =	shalt  }
0x5a: {  	_ =	shalt  }
0x5b: {  	_ =	shalt  }
0x5c: {  	_ =	shalt  }
0x5d: {  	_ =	shalt  }
0x5e: {  	_ =	shalt  }
0x5f: {  	_ =	shalt  }
0x60: {  	_ =	shalt  }
0x61: {  	_ =	shalt  }
0x62: {  	_ =	shalt  }
0x63: {  	_ =	shalt  }
0x64: {  	_ =	shalt  }
0x65: {  	_ =	shalt  }
0x66: {  	_ =	shalt  }
0x67: {  	_ =	shalt  }
0x68: {  	_ =	shalt  }
0x69: {  	_ =	shalt  }
0x6a: {  	_ =	shalt  }
0x6b: {  	_ =	shalt  }
0x6c: {  	_ =	shalt  }
0x6d: {  	_ =	shalt  }
0x6e: {  	_ =	shalt  }
0x6f: {  	_ =	shalt  }
0x70: {  	_ =	shalt  }
0x71: {  	_ =	shalt  }
0x72: {  	_ =	shalt  }
0x73: {  	_ =	shalt  }
0x74: {  	_ =	shalt  }
0x75: {  	_ =	shalt  }
0x76: {  	_ =	shalt  }
0x77: {  	_ =	shalt  }
0x78: {  	_ =	shalt  }
0x79: {  	_ =	shalt  }
0x7a: {  	_ =	shalt  }
0x7b: {  	_ =	shalt  }
0x7c: {  	_ =	shalt  }
0x7d: {  	_ =	shalt  }
0x7e: {  	_ =	shalt  }
0x7f: {  	_ =	shalt  }
0x80: {  	_ =	shalt  }
0x81: {  	_ =	shalt  }
0x82: {  	_ =	shalt  }
0x83: {  	_ =	shalt  }
0x84: {  	_ =	shalt  }
0x85: {  	_ =	shalt  }
0x86: {  	_ =	shalt  }
0x87: {  	_ =	shalt  }
.Lfunc_end0:
.L_simem_size_0:
called_computation_lowered:
.L_overlay_start_0:
0x88: {  	s2 =	sld [smem:$0x3FD9]  }
0x89: {  	s3 =	sld [smem:$0x3FFE];
	_ =	sdelay $0x1  }
0x8a: {  	s1 =	srdreg.scid  }
0x8b: {  	s0 =	sand.u32 $0x1, s1  }
0x8c: {  	s17 =	sshll.u32 s0, $0xA;
	s2 =	sadd.s32 s3, s2  }
0x8d: {  	s2 =	sadd.s32 s2, s17  }
0x8e: {  	[smem:$0x3FC6] =	sst s2  }
0x8f: {  	_ = 	snop  }
0x90: {  	s2 =	sld [smem:$0x3FC9]  }
0x91: {  	s18 =	sld [smem:$0x3FD0];
	(tm) =	ssettm $0x1  }
0x92: {  	s4 =	sld [smem:$0x3FFB];
	_ =	sdelay $0x3  }
0x93: {  	_ =	strace s4  }
0x94: {  	s4 =	sld [smem:$0x3FFC];
	_ =	sdelay $0x3  }
0x95: {  	_ =	strace s4  }
0x96: {  	s4 =	sld [smem:$0x3FFD];
	_ =	sdelay $0x3  }
0x97: {  	_ =	strace s4  }
0x98: {  	_ =	strace $0x8FFFFFFF  }
0x99: {  	s19 =	sld [smem:$0x3FDB];
	_ =	sdelay $0x1  }
0x9a: {  	s5 =	simm.s32 $_scs_section_size  }
0x9b: {  	s6 =	simm.s32 $_size__tile_overlayer_lowered;
	s7 =	simm.s32 $_tile_overlayer_lowered  }
0x9c: {  	s22 =	simm.s32 $0x1BFF;
	s21 =	sshll.u32 s7, $0x1;
	s4 =	sadd.s32 s5, s19  }
0x9d: {  	s8 =	simm.s32 $0x0;
	s20 =	sshll.u32 s6, $0x1;
	s6 =	sadd.s32 s21, s4  }
0x9e: {  	[timem:s8], [sflag:s22] =	dma.local [hbm:s6], s20  }
0x9f: {  	_ =	swait.ge [sflag:s22], s20  }
0xa0: {  	s5 =	ssub.s32 $0x0, s20;
	[sflag:s22] =	ssyncset.done $0x0  }
0xa1: {  	[sflag:s22] =	ssyncadd.s32 s5;
	_ =	sdelay $0x1  }
0xa2: {  	s23 =	simm.s32 $0x1B8B  }
0xa3: {  	_ =	swait.ge [sflag:s23], $0x1  }
0xa4: {  	[sflag:s23] =	ssyncset.done $0x0  }
0xa5: {  	s25 =	simm.s32 $0x1B8E;
	s24 =	sld [smem:$0x3FFE];
	[sflag:s23] =	ssyncadd.s32 $0xFFFFFFFF  }
0xa6: {  	s26 =	simm.s32 $execute0_lowered;
	[smem:$0x3FD2] =	sst s25  }
0xa7: {  	s6 =	sshll.u32 s26, $0x1;
	_ =	strace $0x80000046;
	[dreg:$0x1] =	wrdreg $0xFFFFFFFF  }
0xa8: {  	s28 =	simm.s32 $_size_execute0_lowered;
	s4 =	sadd.s32 s4, s6;
	[dreg:$0x0] =	wrdreg $0x0  }
0xa9: {  	s6 =	sshll.u32 s28, $0x1;
	[dreg:$0x2] =	wrdreg s4  }
0xaa: {  	[dreg:$0x3] =	wrdreg s6  }
0xab: {  	[dreg:$0x4] =	wrdreg $0xC0  }
0xac: {  	_ =	task [dreg:s8], $0x5FFFF  }
0xad: {  	[dreg:$0x1] =	wrdreg $0xFFFFFFFF  }
0xae: {  	[dreg:$0x0] =	wrdreg $0x60  }
0xaf: {  	[dreg:$0x2] =	wrdreg s24  }
0xb0: {  	[dreg:$0x3] =	wrdreg s2  }
0xb1: {  	[dreg:$0x4] =	wrdreg s18  }
0xb2: {  	[dreg:$0x5] =	wrdreg $0x9  }
0xb3: {  	_ =	task.clear_ibuf [dreg:s8], $0x6FFFF;
	_ =	strace $0x90000046  }
0xb4: {  	s29 =	simm.s32 $0x9;
	_ =	strace $0x80000048  }
0xb5: {  	_ =	swait.ge [sflag:s29], $0x1  }
0xb6: {  	[sflag:s29] =	ssyncadd.s32 $0xFFFFFFFF  }
0xb7: {  	_ =	strace $0x90000048  }
0xb8: {  	_ =	sfence  }
0xb9: {  	s30 =	sld [smem:$0x0];
	_ =	sdelay $0x2  }
0xba: {  	s31 =	sshll.u32 s1, $0xD;
	s1 =	sshrl.u32 s1, $0x2  }
0xbb: {  	s3 =	sand.u32 $0x4000, s31;
	s1 =	sadd.s32 s1, s30  }
0xbc: {  	s0 =	sor.u32 s3, s0;
	s1 =	sshll.u32 s1, $0x11  }
0xbd: {  	s0 =	sor.u32 s1, s0  }
0xbe: {  	s0 =	sadd.s32 $0x8F2B, s0  }
0xbf: {  	[sflag:s0] =	ssyncadd.remote.s32 $0x1  }
0xc0: {  	_ =	sfence.sel $0xFFFF  }
0xc1: {  	[dreg:$0x0] =	wrdreg $0xFFFFFFFF;
	(pc) =	sbr.abs _section_cstart, $3  }
0xc2: {  	[dreg:$0x1] =	wrdreg $0xFFFFFFFF  }
0xc3: {  	_ =	task.clear_ibuf [dreg:s8], $0x2FFFF;
	_ =	strace $0x9FFFFFFF  }
0xc4: {  	(tm) =	ssettm $0x7FFFFFFF  }
0xc5: {  	_ =	shalt  }
tec
execute0_lowered:
.L_overlay_start_1:
0x0: {  	(tag) =	ssettag $0x1  }
0x1: {  	s0 =	rddreg [dreg:$0x0];
	s1 =	srdreg.scid  }
0x2: {  	s3 =	stileid.u32;
	s2 =	rddreg [dreg:$0x2]  }
0x3: {  	s13 =	simm.s32 $0x3;
	s14 =	simm.s32 $0x4000;
	s15 =	simm.s32 $0x13D00  }
0x4: {  	s16 =	simm.s32 $0x1;
	s17 =	simm.s32 $0x2;
	s18 =	simm.s32 $0x2000  }
0x5: {  	s19 =	simm.s32 $0x20000;
	s1 =	sand.u32 $0x1, s1;
	s4 =	sshll.u32 s3, $0x1  }
0x6: {  	s20 =	simm.s32 $0x0;
	s3 =	simm.s32 $0x0;
	s4 =	sor.u32 s1, s4  }
0x7: {  	s0 =	sadd.s32 $0x400, s0;
	s1 =	ssub.s32 $0x2, s1;
	s5 =	smul.u32 $0x7D00, s4  }
0x8: {  	[smem:$0x7FF] =	sst s3;
	s6 =	smul.u32 $0xFA0, s4;
	s7 =	sshrl.u32 s1, $0x1  }
0x9: {  	s10 =	sadd.s32 $0x1F0000, s2;
	_ =	strace $0x80000047;
	s1 =	ssub.s32 s1, s7  }
0xa: {  	s5 =	sshrl.u32 s5, $0x3;
	s6 =	sadd.s32 s0, s6;
	s31 =	smax.u32 s1, $0x1  }
.Ltmp0:
0xb: {  	[dreg:$0x4] =	wrdreg s6;
	s0 =	sadd.s32 s0, s5;
	(pc) =	sbr.rel .LBB2_1-.Ltmp0, $4  }
0xc: {  	s11 =	sadd.s32 $0x1F0400, s2;
	[dreg:$0x8] =	wrdreg s31;
	s5 =	sadd.s32 $0x3E8, s0  }
0xd: {  	s30 =	sshll.u32 s4, $0x10;
	s29 =	sadd.s32 $0x7D0, s0;
	[dreg:$0x5] =	wrdreg s5  }
0xe: {  	p0 =	seq.s32 s4, $0x1F;
	s0 =	sadd.s32 $0xBB8, s0;
	[dreg:$0x6] =	wrdreg s29  }
0xf: {  	p1 =	sne.s32 s4, $0x1F;
	s9 =	sadd.s32 s2, s30;
	[dreg:$0x7] =	wrdreg s0  }
.LBB2_10:
0x10: {  	_ =	swait.ge [sflag:s16], $0x8000  }
0x11: {  	[sflag:s16] =	ssyncset.done $0x0  }
0x12: {  	[sflag:s16] =	ssyncadd.s32 $0xFFFF8000  }
0x13: {  	_ =	swait.ge [sflag:s17], $0x8000  }
0x14: {  	[sflag:s17] =	ssyncset.done $0x0  }
0x15: {  	[sflag:s17] =	ssyncadd.s32 $0xFFFF8000  }
.LBB2_11:
0x16: {  	s20 =	sadd.s32 $0x1, s20;
	s0 =	rddreg [dreg:$0x8]  }
0x17: {  	p2 =	sne.s32 s20, s0  }
.Ltmp1:
0x18: {  	_ = 	snop;
	(pc) =	sbr.rel @!p2 .LBB2_12-.Ltmp1, $1  }
0x19: {  	_ =	sdelay $0x3  }
.LBB2_1:
0x1a: {  	s0 =	rddreg [dreg:$0x1]  }
0x1b: {  	[tilespmem:s3], [sflag:$0x3] =	stream.linear.gather [hbm4b:s0+s3], $0x4000, $0x38;
	[tilespmem:$0x1BD00] =	vst v63  }
0x1c: {  	_ =	swait.ge [sflag:s13], $0x4000  }
0x1d: {  	[sflag:s13] =	ssyncset.done $0x0  }
0x1e: {  	s31 =	rddreg [dreg:$0x4];
	[sflag:s13] =	ssyncadd.s32 $0xFFFFC000  }
0x1f: {  	[tilespmem:s14], [sflag:$0x3] =	stream.linear.gather [hbm4b:s31+s3], $0x1F40, $0x38;
	[tilespmem:$0x1BD00] =	vst v63  }
0x20: {  	_ =	swait.ge [sflag:s13], $0x1F40  }
0x21: {  	s1 =	simm.s32 @!p0 $0x5F40;
	[sflag:s13] =	ssyncset.done $0x0  }
0x22: {  	s0 =	simm.s32 @!p0 $0x0;
	s2 =	rddreg [dreg:$0x5];
	[sflag:s13] =	ssyncadd.s32 $0xFFFFE0C0  }
0x23: {  	[tilespmem:s1], [sflag:$0x3] =	stream.linear.gather @!p0 [hbm4b:s2+s0], $0x1F40, $0x38;
	[tilespmem:$0x1BD00] =	vst v63  }
0x24: {  	s1 =	simm.s32 @!p0 $0x3  }
0x25: {  	_ =	swait.ge @!p0 [sflag:s1], $0x1F40  }
0x26: {  	[sflag:s1] =	ssyncset.done @!p0 $0x0  }
0x27: {  	s2 =	simm.s32 @!p0 $0x7E80;
	s5 =	rddreg [dreg:$0x6];
	[sflag:s1] =	ssyncadd.s32 @!p0 $0xFFFFE0C0  }
0x28: {  	[tilespmem:s2], [sflag:$0x3] =	stream.linear.gather @!p0 [hbm4b:s5+s0], $0x1F40, $0x38;
	[tilespmem:$0x1BD00] =	vst v63  }
0x29: {  	_ =	swait.ge @!p0 [sflag:s1], $0x1F40  }
0x2a: {  	s2 =	simm.s32 @!p0 $0x9DC0;
	[sflag:s1] =	ssyncset.done @!p0 $0x0  }
.Ltmp2:
0x2b: {  	s5 =	rddreg [dreg:$0x7];
	[sflag:s1] =	ssyncadd.s32 @!p0 $0xFFFFE0C0;
	(pc) =	sbr.rel .LBB2_2-.Ltmp2, $4  }
0x2c: {  	[tilespmem:s2], [sflag:$0x3] =	stream.linear.gather @!p0 [hbm4b:s5+s0], $0x1F40, $0x38;
	[tilespmem:$0x1BD00] =	vst v63  }
0x2d: {  	_ =	swait.ge @!p0 [sflag:s1], $0x1F40  }
0x2e: {  	[sflag:s1] =	ssyncset.done @!p0 $0x0  }
0x2f: {  	s21 =	simm.s32 $0x0;
	[sflag:s1] =	ssyncadd.s32 @!p0 $0xFFFFE0C0  }
.LBB2_9:
0x30: {  	p2 =	sne.s32 s21, $0x8  }
.Ltmp3:
0x31: {  	_ = 	snop;
	(pc) =	sbr.rel @!p2 .LBB2_10-.Ltmp3, $3  }
0x32: {  	_ =	sdelay $0x1  }
0x33: {  	s0 =	sadd.s32 s23, s9  }
0x34: {  	[hbm4b:s0+s18] =	stream.strided.scatter [tilespmem:s15], [sflag:$0x2], $0x8000, s19, s18, $0x38;
	[tilespmem:$0x1BD00] =	vst v63  }
.LBB2_2:
0x35: {  	p2 =	seq.s32 s21, $0x0  }
0x36: {  	p3 =	seq.s32 @!p2 s4, $0x1F  }
0x37: {  	p4 =	por !p3, p2  }
0x38: {  	s0 =	simm.s32 @!p4 $0x1  }
0x39: {  	_ =	swait.ge @!p4 [sflag:s0], $0x2000  }
0x3a: {  	s22 =	sshll.u32 s21, $0xB;
	p2 =	por p3, p2;
	[sflag:s0] =	ssyncset.done @!p4 $0x0  }
0x3b: {  	s1 =	simm.s32 $0x0;
	[sflag:s0] =	ssyncadd.s32 @!p4 $0xFFFFE000;
	s0 =	simm.s32 @!p2 $0x1  }
0x3c: {  	s30 =	sand.u32 $0x3FFFF800, s22;
	s2 =	sand.u32 $0x380, s1;
	_ =	swait.ge @!p2 [sflag:s0], $0x8000  }
0x3d: {  	s5 =	sand.u32 $0x70, s1;
	s2 =	sadd.s32 s2, s30;
	[sflag:s0] =	ssyncset.done @!p2 $0x0  }
0x3e: {  	s26 =	sadd.s32 s5, s2;
	[sflag:s0] =	ssyncadd.s32 @!p2 $0xFFFF8000  }
0x3f: {  	v7 =	vld [tilespmem:s26+$0x0];
	_ =	sdelay $0x7  }
0x40: {  	v0 =	vld.idx.msk [tilespmem:v7+s14+$0x0], $0xffff  }
0x41: {  	v1 =	vadd.s32 $0x3E8, v7;
	_ =	sdelay $0x1  }
0x42: {  	s2 =	sand.u32 $0x1C00, s1  }
0x43: {  	s29 =	sor.u32 s5, s2  }
0x44: {  	[tilespmem:s29+$0xBD00] =	vst v0  }
0x45: {  	v0 =	vld.idx.msk [tilespmem:v1+s14+$0x0], $0xffff  }
0x46: {  	v1 =	vadd.s32 $0x7D0, v7;
	_ =	sdelay $0x3  }
0x47: {  	[tilespmem:s29+$0xBD80] =	vst v0  }
0x48: {  	v0 =	vld.idx.msk [tilespmem:v1+s14+$0x0], $0xffff  }
0x49: {  	v1 =	vadd.s32 $0xBB8, v7;
	_ =	sdelay $0x2  }
0x4a: {  	s5 =	simm.s32 $0x10  }
0x4b: {  	s25 =	sand.u32 $0x380, s5;
	[tilespmem:s29+$0xBE00] =	vst v0  }
0x4c: {  	s6 =	sand.u32 $0x70, s5;
	s2 =	sadd.s32 s25, s30;
	v0 =	vld.idx.msk [tilespmem:v1+s14+$0x0], $0xffff  }
0x4d: {  	s2 =	sadd.s32 s6, s2;
	v1 =	vadd.s32 $0xFA0, v7  }
0x4e: {  	v2 =	vld [tilespmem:s2+$0x0];
	_ =	sdelay $0x2  }
0x4f: {  	[tilespmem:s29+$0xBE80] =	vst v0  }
0x50: {  	v0 =	vld.idx.msk [tilespmem:v1+s14+$0x0], $0xffff  }
0x51: {  	v1 =	vadd.s32 $0x1388, v7;
	_ =	sdelay $0x2  }
0x52: {  	v3 =	vld.idx.msk [tilespmem:v2+s14+$0x0], $0xffff  }
0x53: {  	[tilespmem:s29+$0xBF00] =	vst v0;
	v0 =	vadd.s32 $0x3E8, v2  }
0x54: {  	s26 =	simm.s32 $0x80;
	v1 =	vld.idx.msk [tilespmem:v1+s14+$0x0], $0xffff  }
0x55: {  	s7 =	sand.u32 $0x1C00, s26;
	v4 =	vadd.s32 $0x1770, v7  }
0x56: {  	s24 =	sor.u32 s6, s7  }
0x57: {  	[tilespmem:s24+$0xBD00] =	vst v3  }
0x58: {  	v0 =	vld.idx.msk [tilespmem:v0+s14+$0x0], $0xffff  }
0x59: {  	[tilespmem:s29+$0xBF80] =	vst v1;
	v1 =	vadd.s32 $0x7D0, v2  }
0x5a: {  	v3 =	vld.idx.msk [tilespmem:v4+s14+$0x0], $0xffff  }
0x5b: {  	v4 =	vadd.s32 $0x1B58, v7;
	_ =	sdelay $0x1  }
0x5c: {  	[tilespmem:s24+$0xBD80] =	vst v0  }
0x5d: {  	v0 =	vld.idx.msk [tilespmem:v1+s14+$0x0], $0xffff  }
0x5e: {  	v1 =	vadd.s32 $0xBB8, v2;
	[tilespmem:s29+$0xC000] =	vst v3  }
0x5f: {  	v3 =	vld.idx.msk [tilespmem:v4+s14+$0x0], $0xffff  }
0x60: {  	s2 =	simm.s32 $0x20;
	v4 =	vadd.s32 $0x1F40, v7  }
0x61: {  	s8 =	sand.u32 $0x380, s2  }
0x62: {  	s1 =	sor.u32 s1, s1;
	s7 =	sand.u32 $0x70, s2;
	s6 =	sadd.s32 s8, s30;
	[tilespmem:s24+$0xBE00] =	vst v0  }
0x63: {  	s1 =	sor.u32 $0x380, s1;
	s6 =	sadd.s32 s7, s6;
	v1 =	vld.idx.msk [tilespmem:v1+s14+$0x0], $0xffff  }
0x64: {  	v0 =	vld [tilespmem:s6+$0x0];
	[tilespmem:s1+$0xBD00] =	vst v3;
	v3 =	vadd.s32 $0xFA0, v2  }
0x65: {  	v4 =	vld.idx.msk [tilespmem:v4+s14+$0x0], $0xffff  }
0x66: {  	v5 =	vadd.s32 $0x2328, v7;
	_ =	sdelay $0x1  }
0x67: {  	[tilespmem:s24+$0xBE80] =	vst v1  }
0x68: {  	v1 =	vld.idx.msk [tilespmem:v3+s14+$0x0], $0xffff  }
0x69: {  	v3 =	vadd.s32 $0x1388, v2;
	[tilespmem:s29+$0xDD00] =	vst v4  }
0x6a: {  	v4 =	vld.idx.msk [tilespmem:v5+s14+$0x0], $0xffff  }
0x6b: {  	v5 =	vadd.s32 $0x2710, v7  }
0x6c: {  	v6 =	vld.idx.msk [tilespmem:v0+s14+$0x0], $0xffff  }
0x6d: {  	[tilespmem:s24+$0xBF00] =	vst v1;
	v1 =	vadd.s32 $0x3E8, v0  }
0x6e: {  	s12 =	simm.s32 $0x100;
	v3 =	vld.idx.msk [tilespmem:v3+s14+$0x0], $0xffff  }
0x6f: {  	s23 =	sand.u32 $0x1C00, s12;
	[tilespmem:s29+$0xDD80] =	vst v4;
	v4 =	vadd.s32 $0x1770, v2  }
0x70: {  	s23 =	sor.u32 s7, s23;
	v5 =	vld.idx.msk [tilespmem:v5+s14+$0x0], $0xffff  }
0x71: {  	[tilespmem:s23+$0xBD00] =	vst v6;
	v6 =	vadd.s32 $0x2AF8, v7  }
0x72: {  	v1 =	vld.idx.msk [tilespmem:v1+s14+$0x0], $0xffff  }
0x73: {  	[tilespmem:s24+$0xBF80] =	vst v3;
	v3 =	vadd.s32 $0x7D0, v0  }
0x74: {  	v4 =	vld.idx.msk [tilespmem:v4+s14+$0x0], $0xffff  }
0x75: {  	[tilespmem:s29+$0xDE00] =	vst v5;
	v5 =	vadd.s32 $0x1B58, v2  }
0x76: {  	v6 =	vld.idx.msk [tilespmem:v6+s14+$0x0], $0xffff  }
0x77: {  	[tilespmem:s23+$0xBD80] =	vst v1;
	v1 =	vadd.s32 $0x2EE0, v7  }
0x78: {  	v3 =	vld.idx.msk [tilespmem:v3+s14+$0x0], $0xffff  }
0x79: {  	[tilespmem:s24+$0xC000] =	vst v4;
	v4 =	vadd.s32 $0xBB8, v0  }
0x7a: {  	v5 =	vld.idx.msk [tilespmem:v5+s14+$0x0], $0xffff  }
0x7b: {  	[tilespmem:s29+$0xDE80] =	vst v6;
	v6 =	vadd.s32 $0x1F40, v2  }
0x7c: {  	v8 =	vld.idx.msk [tilespmem:v1+s14+$0x0], $0xffff  }
0x7d: {  	s0 =	sor.u32 s26, s5;
	s1 =	simm.s32 $0x30;
	[tilespmem:s23+$0xBE00] =	vst v3;
	v3 =	vadd.s32 $0x32C8, v7  }
0x7e: {  	s0 =	sor.u32 $0x380, s0;
	s25 =	sand.u32 $0x380, s1;
	v4 =	vld.idx.msk [tilespmem:v4+s14+$0x0], $0xffff  }
0x7f: {  	s26 =	sand.u32 $0x70, s1;
	s5 =	sadd.s32 s25, s30;
	[tilespmem:s0+$0xBD00] =	vst v5;
	v5 =	vadd.s32 $0xFA0, v0  }
0x80: {  	s5 =	sadd.s32 s26, s5;
	v6 =	vld.idx.msk [tilespmem:v6+s14+$0x0], $0xffff  }
0x81: {  	v1 =	vld [tilespmem:s5+$0x0];
	[tilespmem:s29+$0xDF00] =	vst v8;
	v8 =	vadd.s32 $0x2328, v2  }
0x82: {  	v3 =	vld.idx.msk [tilespmem:v3+s14+$0x0], $0xffff  }
0x83: {  	[tilespmem:s23+$0xBE80] =	vst v4;
	v4 =	vadd.s32 $0x36B0, v7  }
0x84: {  	v5 =	vld.idx.msk [tilespmem:v5+s14+$0x0], $0xffff  }
0x85: {  	[tilespmem:s24+$0xDD00] =	vst v6;
	v6 =	vadd.s32 $0x1388, v0  }
0x86: {  	v8 =	vld.idx.msk [tilespmem:v8+s14+$0x0], $0xffff  }
0x87: {  	[tilespmem:s29+$0xDF80] =	vst v3;
	v3 =	vadd.s32 $0x2710, v2  }
0x88: {  	v4 =	vld.idx.msk [tilespmem:v4+s14+$0x0], $0xffff  }
0x89: {  	v9 =	vld.idx.msk [tilespmem:v1+s14+$0x0], $0xffff;
	[tilespmem:s23+$0xBF00] =	vst v5;
	v5 =	vadd.s32 $0x3A98, v7  }
0x8a: {  	v10 =	vadd.s32 $0x3E8, v1;
	v6 =	vld.idx.msk [tilespmem:v6+s14+$0x0], $0xffff  }
0x8b: {  	s5 =	simm.s32 $0x180;
	[tilespmem:s24+$0xDD80] =	vst v8;
	v8 =	vadd.s32 $0x1770, v0  }
0x8c: {  	s8 =	sand.u32 $0x1C00, s5;
	v3 =	vld.idx.msk [tilespmem:v3+s14+$0x0], $0xffff  }
0x8d: {  	s25 =	sor.u32 s26, s8;
	[tilespmem:s29+$0xE000] =	vst v4;
	v4 =	vadd.s32 $0x2AF8, v2  }
0x8e: {  	[tilespmem:s25+$0xBD00] =	vst v9;
	v5 =	vld.idx.msk [tilespmem:v5+s14+$0x0], $0xffff  }
0x8f: {  	v9 =	vld.idx.msk [tilespmem:v10+s14+$0x0], $0xffff;
	[tilespmem:s23+$0xBF80] =	vst v6;
	v6 =	vadd.s32 $0x3E80, v7  }
0x90: {  	v10 =	vadd.s32 $0x7D0, v1;
	v8 =	vld.idx.msk [tilespmem:v8+s14+$0x0], $0xffff  }
0x91: {  	[tilespmem:s24+$0xDE00] =	vst v3;
	v3 =	vadd.s32 $0x1B58, v0  }
0x92: {  	v4 =	vld.idx.msk [tilespmem:v4+s14+$0x0], $0xffff  }
0x93: {  	[tilespmem:s29+$0xE080] =	vst v5;
	v5 =	vadd.s32 $0x2EE0, v2  }
0x94: {  	[tilespmem:s25+$0xBD80] =	vst v9;
	v6 =	vld.idx.msk [tilespmem:v6+s14+$0x0], $0xffff  }
0x95: {  	v9 =	vld.idx.msk [tilespmem:v10+s14+$0x0], $0xffff;
	[tilespmem:s23+$0xC000] =	vst v8;
	v8 =	vadd.s32 $0x4268, v7  }
0x96: {  	v10 =	vadd.s32 $0xBB8, v1;
	v3 =	vld.idx.msk [tilespmem:v3+s14+$0x0], $0xffff  }
0x97: {  	[tilespmem:s24+$0xDE80] =	vst v4;
	v4 =	vadd.s32 $0x1F40, v0  }
0x98: {  	v5 =	vld.idx.msk [tilespmem:v5+s14+$0x0], $0xffff  }
0x99: {  	s2 =	sor.u32 s12, s2;
	s0 =	simm.s32 $0x40;
	[tilespmem:s29+$0xFD00] =	vst v6;
	v6 =	vadd.s32 $0x32C8, v2  }
0x9a: {  	s2 =	sor.u32 $0x380, s2;
	s12 =	sand.u32 $0x380, s0;
	[tilespmem:s25+$0xBE00] =	vst v9;
	v8 =	vld.idx.msk [tilespmem:v8+s14+$0x0], $0xffff  }
0x9b: {  	s26 =	sand.u32 $0x70, s0;
	s6 =	sadd.s32 s12, s30;
	v9 =	vld.idx.msk [tilespmem:v10+s14+$0x0], $0xffff;
	v10 =	vadd.s32 $0x4650, v7;
	[tilespmem:s2+$0xBD00] =	vst v3  }
0x9c: {  	v11 =	vadd.s32 $0xFA0, v1;
	s6 =	sadd.s32 s26, s6;
	v4 =	vld.idx.msk [tilespmem:v4+s14+$0x0], $0xffff  }
0x9d: {  	v3 =	vld [tilespmem:s6+$0x0];
	[tilespmem:s24+$0xDF00] =	vst v5;
	v5 =	vadd.s32 $0x2328, v0  }
0x9e: {  	v6 =	vld.idx.msk [tilespmem:v6+s14+$0x0], $0xffff  }
0x9f: {  	[tilespmem:s29+$0xFD80] =	vst v8;
	v8 =	vadd.s32 $0x36B0, v2  }
0xa0: {  	[tilespmem:s25+$0xBE80] =	vst v9;
	v9 =	vld.idx.msk [tilespmem:v10+s14+$0x0], $0xffff  }
0xa1: {  	v10 =	vld.idx.msk [tilespmem:v11+s14+$0x0], $0xffff;
	[tilespmem:s23+$0xDD00] =	vst v4;
	v4 =	vadd.s32 $0x4A38, v7  }
0xa2: {  	v11 =	vadd.s32 $0x1388, v1;
	v5 =	vld.idx.msk [tilespmem:v5+s14+$0x0], $0xffff  }
0xa3: {  	[tilespmem:s24+$0xDF80] =	vst v6;
	v6 =	vadd.s32 $0x2710, v0  }
0xa4: {  	v8 =	vld.idx.msk [tilespmem:v8+s14+$0x0], $0xffff  }
0xa5: {  	v12 =	vld.idx.msk [tilespmem:v3+s14+$0x0], $0xffff;
	[tilespmem:s29+$0xFE00] =	vst v9;
	v9 =	vadd.s32 $0x3A98, v2  }
0xa6: {  	[tilespmem:s25+$0xBF00] =	vst v10;
	v10 =	vadd.s32 $0x3E8, v3;
	v4 =	vld.idx.msk [tilespmem:v4+s14+$0x0], $0xffff  }
0xa7: {  	s2 =	simm.s32 $0x200;
	v11 =	vld.idx.msk [tilespmem:v11+s14+$0x0], $0xffff;
	[tilespmem:s23+$0xDD80] =	vst v5;
	v5 =	vadd.s32 $0x4E20, v7  }
0xa8: {  	v13 =	vadd.s32 $0x1770, v1;
	s8 =	sand.u32 $0x1C00, s2;
	v6 =	vld.idx.msk [tilespmem:v6+s14+$0x0], $0xffff  }
0xa9: {  	s26 =	sor.u32 s26, s8;
	[tilespmem:s24+$0xE000] =	vst v8;
	v8 =	vadd.s32 $0x2AF8, v0  }
0xaa: {  	[tilespmem:s26+$0xBD00] =	vst v12;
	v9 =	vld.idx.msk [tilespmem:v9+s14+$0x0], $0xffff  }
0xab: {  	v10 =	vld.idx.msk [tilespmem:v10+s14+$0x0], $0xffff;
	[tilespmem:s29+$0xFE80] =	vst v4;
	v4 =	vadd.s32 $0x3E80, v2  }
0xac: {  	[tilespmem:s25+$0xBF80] =	vst v11;
	v11 =	vadd.s32 $0x7D0, v3;
	v5 =	vld.idx.msk [tilespmem:v5+s14+$0x0], $0xffff  }
0xad: {  	v12 =	vld.idx.msk [tilespmem:v13+s14+$0x0], $0xffff;
	[tilespmem:s23+$0xDE00] =	vst v6;
	v6 =	vadd.s32 $0x5208, v7  }
0xae: {  	v13 =	vadd.s32 $0x1B58, v1;
	v8 =	vld.idx.msk [tilespmem:v8+s14+$0x0], $0xffff  }
0xaf: {  	[tilespmem:s24+$0xE080] =	vst v9  }
0xb0: {  	s6 =	simm.s32 $0x50;
	v9 =	vadd.s32 $0x2EE0, v0;
	[tilespmem:s26+$0xBD80] =	vst v10;
	v10 =	vld.idx.msk [tilespmem:v4+s14+$0x0], $0xffff  }
0xb1: {  	s12 =	sand.u32 $0x380, s6;
	v11 =	vld.idx.msk [tilespmem:v11+s14+$0x0], $0xffff;
	[tilespmem:s29+$0xFF00] =	vst v5;
	v5 =	vadd.s32 $0x4268, v2  }
0xb2: {  	s8 =	sand.u32 $0x70, s6;
	s7 =	sadd.s32 s12, s30;
	[tilespmem:s25+$0xC000] =	vst v12;
	v12 =	vadd.s32 $0xBB8, v3;
	v6 =	vld.idx.msk [tilespmem:v6+s14+$0x0], $0xffff  }
0xb3: {  	s7 =	sadd.s32 s8, s7;
	v13 =	vld.idx.msk [tilespmem:v13+s14+$0x0], $0xffff;
	[tilespmem:s23+$0xDE80] =	vst v8;
	v8 =	vadd.s32 $0x55F0, v7  }
0xb4: {  	v14 =	vadd.s32 $0x1F40, v1;
	v4 =	vld [tilespmem:s7+$0x0]  }
0xb5: {  	s1 =	sor.u32 s5, s1;
	v9 =	vld.idx.msk [tilespmem:v9+s14+$0x0], $0xffff;
	[tilespmem:s24+$0xFD00] =	vst v10  }
0xb6: {  	s5 =	sor.u32 $0x380, s1;
	s1 =	simm.s32 $0x60;
	v10 =	vadd.s32 $0x32C8, v0;
	[tilespmem:s26+$0xBE00] =	vst v11;
	v11 =	vld.idx.msk [tilespmem:v5+s14+$0x0], $0xffff  }
0xb7: {  	s7 =	sand.u32 $0x380, s1;
	v12 =	vld.idx.msk [tilespmem:v12+s14+$0x0], $0xffff;
	[tilespmem:s29+$0xFF80] =	vst v6  }
0xb8: {  	s31 =	sand.u32 $0x70, s1;
	v6 =	vadd.s32 $0x4650, v2;
	[tilespmem:s5+$0xBD00] =	vst v13;
	s5 =	sadd.s32 s7, s30;
	v8 =	vld.idx.msk [tilespmem:v8+s14+$0x0], $0xffff  }
0xb9: {  	v13 =	vadd.s32 $0xFA0, v3;
	v14 =	vld.idx.msk [tilespmem:v14+s14+$0x0], $0xffff;
	s5 =	sadd.s32 s31, s5  }
0xba: {  	[tilespmem:s23+$0xDF00] =	vst v9;
	v9 =	vadd.s32 $0x59D8, v7;
	v5 =	vld [tilespmem:s5+$0x0]  }
0xbb: {  	v15 =	vadd.s32 $0x2328, v1;
	v10 =	vld.idx.msk [tilespmem:v10+s14+$0x0], $0xffff  }
0xbc: {  	v16 =	vld.idx.msk [tilespmem:v4+s14+$0x0], $0xffff;
	[tilespmem:s24+$0xFD80] =	vst v11;
	v11 =	vadd.s32 $0x36B0, v0  }
0xbd: {  	[tilespmem:s26+$0xBE80] =	vst v12;
	v6 =	vld.idx.msk [tilespmem:v6+s14+$0x0], $0xffff  }
0xbe: {  	v12 =	vld.idx.msk [tilespmem:v13+s14+$0x0], $0xffff;
	[tilespmem:s29+$0x10000] =	vst v8;
	v8 =	vadd.s32 $0x4A38, v2  }
0xbf: {  	v13 =	vadd.s32 $0x1388, v3;
	[tilespmem:s25+$0xDD00] =	vst v14;
	v9 =	vld.idx.msk [tilespmem:v9+s14+$0x0], $0xffff  }
0xc0: {  	v14 =	vld.idx.msk [tilespmem:v15+s14+$0x0], $0xffff;
	[tilespmem:s23+$0xDF80] =	vst v10;
	v10 =	vadd.s32 $0x5DC0, v7  }
0xc1: {  	v15 =	vadd.s32 $0x2710, v1;
	v11 =	vld.idx.msk [tilespmem:v11+s14+$0x0], $0xffff  }
0xc2: {  	[tilespmem:s24+$0xFE00] =	vst v6;
	v6 =	vadd.s32 $0x3A98, v0;
	v18 =	vld.idx.msk [tilespmem:v5+s14+$0x0], $0xffff  }
0xc3: {  	[tilespmem:s26+$0xBF00] =	vst v12;
	v12 =	vadd.s32 $0x3E8, v4;
	v8 =	vld.idx.msk [tilespmem:v8+s14+$0x0], $0xffff  }
0xc4: {  	s7 =	simm.s32 $0x280;
	v13 =	vld.idx.msk [tilespmem:v13+s14+$0x0], $0xffff;
	[tilespmem:s29+$0x10080] =	vst v9;
	v9 =	vadd.s32 $0x4E20, v2  }
0xc5: {  	s12 =	sand.u32 $0x1C00, s7;
	[tilespmem:s25+$0xDD80] =	vst v14;
	v14 =	vadd.s32 $0x1770, v3;
	v10 =	vld.idx.msk [tilespmem:v10+s14+$0x0], $0xffff  }
0xc6: {  	s28 =	sor.u32 s8, s12;
	v15 =	vld.idx.msk [tilespmem:v15+s14+$0x0], $0xffff;
	[tilespmem:s23+$0xE000] =	vst v11;
	v11 =	vadd.s32 $0x61A8, v7  }
0xc7: {  	[tilespmem:s28+$0xBD00] =	vst v16;
	v16 =	vadd.s32 $0x2AF8, v1;
	v6 =	vld.idx.msk [tilespmem:v6+s14+$0x0], $0xffff  }
0xc8: {  	v12 =	vld.idx.msk [tilespmem:v12+s14+$0x0], $0xffff;
	[tilespmem:s24+$0xFE80] =	vst v8;
	v8 =	vadd.s32 $0x3E80, v0  }
0xc9: {  	[tilespmem:s26+$0xBF80] =	vst v13;
	v13 =	vadd.s32 $0x7D0, v4;
	v9 =	vld.idx.msk [tilespmem:v9+s14+$0x0], $0xffff  }
0xca: {  	v14 =	vld.idx.msk [tilespmem:v14+s14+$0x0], $0xffff;
	[tilespmem:s29+$0x11D00] =	vst v10;
	v10 =	vadd.s32 $0x5208, v2  }
0xcb: {  	[tilespmem:s25+$0xDE00] =	vst v15;
	v15 =	vadd.s32 $0x1B58, v3;
	v11 =	vld.idx.msk [tilespmem:v11+s14+$0x0], $0xffff  }
0xcc: {  	v16 =	vld.idx.msk [tilespmem:v16+s14+$0x0], $0xffff;
	[tilespmem:s23+$0xE080] =	vst v6;
	v6 =	vadd.s32 $0x6590, v7  }
0xcd: {  	[tilespmem:s28+$0xBD80] =	vst v12;
	v12 =	vadd.s32 $0x2EE0, v1;
	v8 =	vld.idx.msk [tilespmem:v8+s14+$0x0], $0xffff  }
0xce: {  	v13 =	vld.idx.msk [tilespmem:v13+s14+$0x0], $0xffff;
	[tilespmem:s24+$0xFF00] =	vst v9;
	v9 =	vadd.s32 $0x4268, v0  }
0xcf: {  	[tilespmem:s26+$0xC000] =	vst v14;
	v14 =	vadd.s32 $0xBB8, v4;
	v10 =	vld.idx.msk [tilespmem:v10+s14+$0x0], $0xffff  }
0xd0: {  	v15 =	vld.idx.msk [tilespmem:v15+s14+$0x0], $0xffff;
	[tilespmem:s29+$0x11D80] =	vst v11;
	v11 =	vadd.s32 $0x55F0, v2  }
0xd1: {  	[tilespmem:s25+$0xDE80] =	vst v16;
	v16 =	vadd.s32 $0x1F40, v3;
	v6 =	vld.idx.msk [tilespmem:v6+s14+$0x0], $0xffff  }
0xd2: {  	s0 =	sor.u32 s2, s0;
	v12 =	vld.idx.msk [tilespmem:v12+s14+$0x0], $0xffff;
	[tilespmem:s23+$0xFD00] =	vst v8  }
0xd3: {  	s2 =	sor.u32 $0x380, s0;
	s0 =	simm.s32 $0x70;
	v8 =	vadd.s32 $0x6978, v7;
	[tilespmem:s28+$0xBE00] =	vst v13;
	v9 =	vld.idx.msk [tilespmem:v9+s14+$0x0], $0xffff  }
0xd4: {  	s8 =	sand.u32 $0x380, s0;
	v13 =	vadd.s32 $0x32C8, v1;
	v14 =	vld.idx.msk [tilespmem:v14+s14+$0x0], $0xffff;
	[tilespmem:s24+$0xFF80] =	vst v10  }
0xd5: {  	s5 =	sadd.s32 s8, s30;
	[tilespmem:s2+$0xBD00] =	vst v15;
	v10 =	vadd.s32 $0x4650, v0;
	s2 =	sand.u32 $0x70, s0;
	v11 =	vld.idx.msk [tilespmem:v11+s14+$0x0], $0xffff  }
0xd6: {  	v15 =	vadd.s32 $0xFA0, v4;
	v16 =	vld.idx.msk [tilespmem:v16+s14+$0x0], $0xffff;
	s5 =	sadd.s32 s2, s5;
	[tilespmem:s29+$0x11E00] =	vst v6  }
0xd7: {  	v19 =	vadd.s32 $0x3E8, v5;
	[tilespmem:s25+$0xDF00] =	vst v12;
	v6 =	vld [tilespmem:s5+$0x0];
	s5 =	simm.s32 $0x300  }
0xd8: {  	v12 =	vadd.s32 $0x59D8, v2;
	v8 =	vld.idx.msk [tilespmem:v8+s14+$0x0], $0xffff;
	s12 =	sand.u32 $0x1C00, s5;
	[tilespmem:s23+$0xFD80] =	vst v9  }
0xd9: {  	v17 =	vadd.s32 $0x2328, v3;
	v13 =	vld.idx.msk [tilespmem:v13+s14+$0x0], $0xffff;
	[tilespmem:s28+$0xBE80] =	vst v14;
	s31 =	sor.u32 s31, s12  }
0xda: {  	v9 =	vadd.s32 $0x6D60, v7;
	v10 =	vld.idx.msk [tilespmem:v10+s14+$0x0], $0xffff;
	[tilespmem:s31+$0xBD00] =	vst v18  }
0xdb: {  	v14 =	vadd.s32 $0x36B0, v1;
	v15 =	vld.idx.msk [tilespmem:v15+s14+$0x0], $0xffff;
	[tilespmem:s24+$0x10000] =	vst v11  }
0xdc: {  	[tilespmem:s26+$0xDD00] =	vst v16;
	v11 =	vadd.s32 $0x4A38, v0;
	v18 =	vld.idx.msk [tilespmem:v19+s14+$0x0], $0xffff  }
0xdd: {  	v16 =	vadd.s32 $0x1388, v4;
	v12 =	vld.idx.msk [tilespmem:v12+s14+$0x0], $0xffff;
	[tilespmem:s29+$0x11E80] =	vst v8  }
0xde: {  	v17 =	vld.idx.msk [tilespmem:v17+s14+$0x0], $0xffff;
	[tilespmem:s25+$0xDF80] =	vst v13;
	v8 =	vadd.s32 $0x5DC0, v2  }
0xdf: {  	v13 =	vadd.s32 $0x2710, v3;
	v9 =	vld.idx.msk [tilespmem:v9+s14+$0x0], $0xffff;
	[tilespmem:s23+$0xFE00] =	vst v10  }
0xe0: {  	v14 =	vld.idx.msk [tilespmem:v14+s14+$0x0], $0xffff;
	v10 =	vadd.s32 $0x7148, v7;
	[tilespmem:s28+$0xBF00] =	vst v15  }
0xe1: {  	v15 =	vadd.s32 $0x3A98, v1;
	v11 =	vld.idx.msk [tilespmem:v11+s14+$0x0], $0xffff;
	[tilespmem:s31+$0xBD80] =	vst v18  }
0xe2: {  	v16 =	vld.idx.msk [tilespmem:v16+s14+$0x0], $0xffff;
	[tilespmem:s24+$0x10080] =	vst v12;
	v12 =	vadd.s32 $0x4E20, v0  }
0xe3: {  	[tilespmem:s26+$0xDD80] =	vst v17;
	v17 =	vadd.s32 $0x1770, v4;
	v8 =	vld.idx.msk [tilespmem:v8+s14+$0x0], $0xffff  }
0xe4: {  	v13 =	vld.idx.msk [tilespmem:v13+s14+$0x0], $0xffff;
	[tilespmem:s29+$0x11F00] =	vst v9;
	v9 =	vadd.s32 $0x61A8, v2  }
0xe5: {  	[tilespmem:s25+$0xE000] =	vst v14;
	v14 =	vadd.s32 $0x2AF8, v3;
	v10 =	vld.idx.msk [tilespmem:v10+s14+$0x0], $0xffff  }
0xe6: {  	v15 =	vld.idx.msk [tilespmem:v15+s14+$0x0], $0xffff;
	[tilespmem:s23+$0xFE80] =	vst v11;
	v11 =	vadd.s32 $0x7530, v7  }
0xe7: {  	[tilespmem:s28+$0xBF80] =	vst v16;
	v16 =	vadd.s32 $0x3E80, v1;
	v12 =	vld.idx.msk [tilespmem:v12+s14+$0x0], $0xffff  }
0xe8: {  	v19 =	vadd.s32 $0x7D0, v5;
	v17 =	vld.idx.msk [tilespmem:v17+s14+$0x0], $0xffff;
	[tilespmem:s24+$0x11D00] =	vst v8  }
0xe9: {  	[tilespmem:s26+$0xDE00] =	vst v13;
	v8 =	vadd.s32 $0x5208, v0;
	v9 =	vld.idx.msk [tilespmem:v9+s14+$0x0], $0xffff  }
0xea: {  	v13 =	vadd.s32 $0x1B58, v4;
	v14 =	vld.idx.msk [tilespmem:v14+s14+$0x0], $0xffff;
	[tilespmem:s29+$0x11F80] =	vst v10  }
0xeb: {  	[tilespmem:s25+$0xE080] =	vst v15;
	v10 =	vadd.s32 $0x6590, v2;
	v15 =	vld.idx.msk [tilespmem:v11+s14+$0x0], $0xffff  }
0xec: {  	v18 =	vadd.s32 $0x2EE0, v3;
	v16 =	vld.idx.msk [tilespmem:v16+s14+$0x0], $0xffff;
	[tilespmem:s23+$0xFF00] =	vst v12  }
0xed: {  	v19 =	vld.idx.msk [tilespmem:v19+s14+$0x0], $0xffff;
	v7 =	vadd.s32 $0x7918, v7;
	[tilespmem:s28+$0xC000] =	vst v17  }
0xee: {  	v12 =	vadd.s32 $0x4268, v1;
	v17 =	vld.idx.msk [tilespmem:v8+s14+$0x0], $0xffff;
	[tilespmem:s24+$0x11D80] =	vst v9  }
0xef: {  	v8 =	vadd.s32 $0xBB8, v5;
	v13 =	vld.idx.msk [tilespmem:v13+s14+$0x0], $0xffff;
	[tilespmem:s26+$0xDE80] =	vst v14  }
0xf0: {  	v20 =	vadd.s32 $0x55F0, v0;
	v11 =	vld.idx.msk [tilespmem:v10+s14+$0x0], $0xffff;
	[tilespmem:s29+$0x12000] =	vst v15  }
0xf1: {  	v9 =	vld.idx.msk [tilespmem:v18+s14+$0x0], $0xffff;
	[tilespmem:s25+$0xFD00] =	vst v16;
	v16 =	vadd.s32 $0x1F40, v4  }
0xf2: {  	v14 =	vadd.s32 $0x6978, v2;
	v7 =	vld.idx.msk [tilespmem:v7+s14+$0x0], $0xffff  }
0xf3: {  	s6 =	sor.u32 s7, s6;
	[tilespmem:s31+$0xBE00] =	vst v19;
	v15 =	vadd.s32 $0x32C8, v3;
	v10 =	vld.idx.msk [tilespmem:v12+s14+$0x0], $0xffff  }
0xf4: {  	s6 =	sor.u32 $0x380, s6;
	v8 =	vld.idx.msk [tilespmem:v8+s14+$0x0], $0xffff;
	[tilespmem:s23+$0xFF80] =	vst v17  }
0xf5: {  	s7 =	simm.s32 $0x80;
	[tilespmem:s6+$0xBD00] =	vst v13;
	v13 =	vadd.s32 $0x4650, v1;
	s6 =	simm.s32 $0x300;
	v12 =	vld.idx.msk [tilespmem:v20+s14+$0x0], $0xffff  }
.LBB2_3:
0xf6: {  	s12 =	sand.u32 $0x380, s7;
	p2 =	sne.s32 s7, $0x3F0;
	v17 =	vadd.s32 $0xFA0, v5;
	v16 =	vld.idx.msk [tilespmem:v16+s14+$0x0], $0xffff;
	[tilespmem:s24+$0x11E00] =	vst v11  }
0xf7: {  	s8 =	sand.u32 $0x70, s7;
	s12 =	sadd.s32 s12, s30;
	[tilespmem:s26+$0xDF00] =	vst v9;
	v9 =	vadd.s32 $0x59D8, v0;
	v11 =	vld.idx.msk [tilespmem:v14+s14+$0x0], $0xffff  }
0xf8: {  	v14 =	vadd.s32 $0x2328, v4;
	s12 =	sadd.s32 s8, s12;
	v15 =	vld.idx.msk [tilespmem:v15+s14+$0x0], $0xffff;
	[tilespmem:s29+$0x12080] =	vst v7;
	s29 =	smov.u32 s24;
	s24 =	smov.u32 s23  }
0xf9: {  	s23 =	smov.u32 s25;
	v7 =	vld [tilespmem:s12+$0x0];
	[tilespmem:s25+$0xFD80] =	vst v10;
	v10 =	vadd.s32 $0x6D60, v2;
	s25 =	smov.u32 s26;
	s26 =	smov.u32 s28  }
0xfa: {  	s28 =	smov.u32 s31;
	[tilespmem:s31+$0xBE80] =	vst v8;
	v8 =	vadd.s32 $0x36B0, v3;
	v13 =	vld.idx.msk [tilespmem:v13+s14+$0x0], $0xffff  }
0xfb: {  	v17 =	vld.idx.msk [tilespmem:v17+s14+$0x0], $0xffff;
	[tilespmem:s24+$0x10000] =	vst v12  }
0xfc: {  	v12 =	vadd.s32 $0x4A38, v1;
	[tilespmem:s26+$0xDD00] =	vst v16;
	v9 =	vld.idx.msk [tilespmem:v9+s14+$0x0], $0xffff  }
0xfd: {  	v16 =	vadd.s32 $0x1388, v5;
	v14 =	vld.idx.msk [tilespmem:v14+s14+$0x0], $0xffff;
	[tilespmem:s29+$0x11E80] =	vst v11  }
0xfe: {  	v11 =	vadd.s32 $0x5DC0, v0;
	[tilespmem:s25+$0xDF80] =	vst v15;
	v10 =	vld.idx.msk [tilespmem:v10+s14+$0x0], $0xffff  }
0xff: {  	v15 =	vadd.s32 $0x2710, v4;
	v8 =	vld.idx.msk [tilespmem:v8+s14+$0x0], $0xffff  }
0x100: {  	v18 =	vld.idx.msk [tilespmem:v6+s14+$0x0], $0xffff;
	[tilespmem:s23+$0xFE00] =	vst v13;
	v13 =	vadd.s32 $0x7148, v2  }
0x101: {  	[tilespmem:s28+$0xBF00] =	vst v17;
	v17 =	vadd.s32 $0x3A98, v3;
	v12 =	vld.idx.msk [tilespmem:v12+s14+$0x0], $0xffff  }
0x102: {  	v19 =	vadd.s32 $0x3E8, v6;
	v16 =	vld.idx.msk [tilespmem:v16+s14+$0x0], $0xffff;
	[tilespmem:s24+$0x10080] =	vst v9  }
0x103: {  	s5 =	sadd.s32 $0x80, s5;
	v9 =	vadd.s32 $0x4E20, v1;
	[tilespmem:s26+$0xDD80] =	vst v14;
	v11 =	vld.idx.msk [tilespmem:v11+s14+$0x0], $0xffff  }
0x104: {  	s12 =	sand.u32 $0x1C00, s5;
	v14 =	vadd.s32 $0x1770, v5;
	v15 =	vld.idx.msk [tilespmem:v15+s14+$0x0], $0xffff;
	[tilespmem:s29+$0x11F00] =	vst v10  }
0x105: {  	s31 =	sor.u32 s2, s12;
	s2 =	smov.u32 s8;
	[tilespmem:s25+$0xE000] =	vst v8;
	v8 =	vadd.s32 $0x61A8, v0;
	v10 =	vld.idx.msk [tilespmem:v13+s14+$0x0], $0xffff  }
0x106: {  	v13 =	vadd.s32 $0x2AF8, v4;
	[tilespmem:s31+$0xBD00] =	vst v18;
	v17 =	vld.idx.msk [tilespmem:v17+s14+$0x0], $0xffff  }
0x107: {  	v18 =	vld.idx.msk [tilespmem:v19+s14+$0x0], $0xffff;
	[tilespmem:s23+$0xFE80] =	vst v12;
	v12 =	vadd.s32 $0x7530, v2  }
0x108: {  	[tilespmem:s28+$0xBF80] =	vst v16;
	v16 =	vadd.s32 $0x3E80, v3;
	v9 =	vld.idx.msk [tilespmem:v9+s14+$0x0], $0xffff  }
0x109: {  	v19 =	vadd.s32 $0x7D0, v6;
	v14 =	vld.idx.msk [tilespmem:v14+s14+$0x0], $0xffff;
	[tilespmem:s24+$0x11D00] =	vst v11  }
0x10a: {  	v11 =	vadd.s32 $0x5208, v1;
	[tilespmem:s26+$0xDE00] =	vst v15;
	v8 =	vld.idx.msk [tilespmem:v8+s14+$0x0], $0xffff  }
0x10b: {  	v15 =	vadd.s32 $0x1B58, v5;
	v13 =	vld.idx.msk [tilespmem:v13+s14+$0x0], $0xffff;
	[tilespmem:s29+$0x11F80] =	vst v10  }
0x10c: {  	v10 =	vadd.s32 $0x6590, v0;
	[tilespmem:s25+$0xE080] =	vst v17;
	v12 =	vld.idx.msk [tilespmem:v12+s14+$0x0], $0xffff  }
0x10d: {  	v17 =	vadd.s32 $0x2EE0, v4;
	[tilespmem:s31+$0xBD80] =	vst v18;
	v18 =	vld.idx.msk [tilespmem:v16+s14+$0x0], $0xffff  }
0x10e: {  	v20 =	vadd.s32 $0x7918, v2;
	v2 =	vmovc v0;
	v0 =	vmovc v1;
	v1 =	vmov v3;
	v3 =	vmov v4;
	v19 =	vld.idx.msk [tilespmem:v19+s14+$0x0], $0xffff;
	[tilespmem:s23+$0xFF00] =	vst v9  }
0x10f: {  	v21 =	vadd.s32 $0x4268, v1;
	v4 =	vmovc v5;
	v5 =	vmov v6;
	v6 =	vmov v7;
	[tilespmem:s28+$0xC000] =	vst v14;
	v22 =	vld.idx.msk [tilespmem:v11+s14+$0x0], $0xffff  }
0x110: {  	v23 =	vadd.s32 $0xBB8, v5;
	v24 =	vld.idx.msk [tilespmem:v15+s14+$0x0], $0xffff;
	[tilespmem:s24+$0x11D80] =	vst v8  }
0x111: {  	v25 =	vadd.s32 $0x55F0, v0;
	[tilespmem:s26+$0xDE80] =	vst v13;
	v11 =	vld.idx.msk [tilespmem:v10+s14+$0x0], $0xffff  }
.Ltmp4:
0x112: {  	v16 =	vadd.s32 $0x1F40, v4;
	v9 =	vld.idx.msk [tilespmem:v17+s14+$0x0], $0xffff;
	[tilespmem:s29+$0x12000] =	vst v12;
	(pc) =	sbr.rel @p2 .LBB2_3-.Ltmp4, $4  }
0x113: {  	v14 =	vadd.s32 $0x6978, v2;
	[tilespmem:s25+$0xFD00] =	vst v18;
	v7 =	vld.idx.msk [tilespmem:v20+s14+$0x0], $0xffff  }
0x114: {  	s8 =	sor.u32 s6, s1;
	s6 =	smov.u32 s5;
	s1 =	smov.u32 s0;
	v15 =	vadd.s32 $0x32C8, v3;
	[tilespmem:s31+$0xBE00] =	vst v19;
	v10 =	vld.idx.msk [tilespmem:v21+s14+$0x0], $0xffff  }
0x115: {  	s0 =	smov.u32 s7;
	s8 =	sor.u32 $0x380, s8;
	v8 =	vld.idx.msk [tilespmem:v23+s14+$0x0], $0xffff;
	[tilespmem:s23+$0xFF80] =	vst v22  }
0x116: {  	s7 =	sadd.s32 $0x10, s7;
	v13 =	vadd.s32 $0x4650, v1;
	[tilespmem:s8+$0xBD00] =	vst v24;
	v12 =	vld.idx.msk [tilespmem:v25+s14+$0x0], $0xffff  }
0x117: {  	_ =	sdelay $0x3  }
0x118: {  	v17 =	vadd.s32 $0xFA0, v5;
	v16 =	vld.idx.msk [tilespmem:v16+s14+$0x0], $0xffff;
	[tilespmem:s24+$0x11E00] =	vst v11  }
0x119: {  	v11 =	vadd.s32 $0x59D8, v0;
	[tilespmem:s26+$0xDF00] =	vst v9;
	v9 =	vld.idx.msk [tilespmem:v14+s14+$0x0], $0xffff  }
0x11a: {  	v14 =	vadd.s32 $0x2328, v4;
	v15 =	vld.idx.msk [tilespmem:v15+s14+$0x0], $0xffff;
	[tilespmem:s25+$0xFD80] =	vst v10  }
0x11b: {  	v10 =	vadd.s32 $0x6D60, v2;
	[tilespmem:s31+$0xBE80] =	vst v8;
	v13 =	vld.idx.msk [tilespmem:v13+s14+$0x0], $0xffff  }
0x11c: {  	v19 =	vld.idx.msk [tilespmem:v6+s14+$0x0], $0xffff;
	[tilespmem:s23+$0x10000] =	vst v12;
	v12 =	vadd.s32 $0x4A38, v1  }
0x11d: {  	v18 =	vadd.s32 $0x36B0, v3;
	v17 =	vld.idx.msk [tilespmem:v17+s14+$0x0], $0xffff;
	[tilespmem:s28+$0xDD00] =	vst v16  }
0x11e: {  	v11 =	vld.idx.msk [tilespmem:v11+s14+$0x0], $0xffff;
	v16 =	vadd.s32 $0x1388, v5;
	[tilespmem:s24+$0x11E80] =	vst v9  }
0x11f: {  	v14 =	vld.idx.msk [tilespmem:v14+s14+$0x0], $0xffff;
	[tilespmem:s26+$0xDF80] =	vst v15;
	v15 =	vadd.s32 $0x5DC0, v0  }
0x120: {  	v8 =	vld.idx.msk [tilespmem:v10+s14+$0x0], $0xffff;
	v10 =	vadd.s32 $0x2710, v4;
	[tilespmem:s25+$0xFE00] =	vst v13  }
0x121: {  	[tilespmem:s29+$0x12080] =	vst v7;
	v9 =	vld.idx.msk [tilespmem:v12+s14+$0x0], $0xffff;
	v12 =	vadd.s32 $0x3E8, v6  }
0x122: {  	s5 =	sadd.s32 $0x80, s5;
	v18 =	vld.idx.msk [tilespmem:v18+s14+$0x0], $0xffff;
	[tilespmem:s31+$0xBF00] =	vst v17  }
0x123: {  	s7 =	sand.u32 $0x1C00, s5;
	[tilespmem:s23+$0x10080] =	vst v11;
	v13 =	vld.idx.msk [tilespmem:v16+s14+$0x0], $0xffff  }
0x124: {  	s29 =	sor.u32 s2, s7;
	[tilespmem:s28+$0xDD80] =	vst v14;
	v7 =	vld.idx.msk [tilespmem:v15+s14+$0x0], $0xffff  }
0x125: {  	v10 =	vld.idx.msk [tilespmem:v10+s14+$0x0], $0xffff;
	[tilespmem:s29+$0xBD00] =	vst v19  }
0x126: {  	v11 =	vld.idx.msk [tilespmem:v12+s14+$0x0], $0xffff  }
0x127: {  	v12 =	vadd.s32 $0x7D0, v6;
	_ =	sdelay $0x3  }
0x128: {  	[tilespmem:s29+$0xBD80] =	vst v11  }
0x129: {  	v11 =	vld.idx.msk [tilespmem:v12+s14+$0x0], $0xffff  }
0x12a: {  	v12 =	vadd.s32 $0xBB8, v6;
	_ =	sdelay $0x3  }
0x12b: {  	[tilespmem:s29+$0xBE00] =	vst v11  }
0x12c: {  	v11 =	vld.idx.msk [tilespmem:v12+s14+$0x0], $0xffff  }
0x12d: {  	v12 =	vadd.s32 $0xFA0, v6;
	_ =	sdelay $0x3  }
0x12e: {  	[tilespmem:s29+$0xBE80] =	vst v11  }
0x12f: {  	v11 =	vld.idx.msk [tilespmem:v12+s14+$0x0], $0xffff  }
0x130: {  	v12 =	vadd.s32 $0x1388, v6;
	_ =	sdelay $0x3  }
0x131: {  	[tilespmem:s29+$0xBF00] =	vst v11  }
0x132: {  	v11 =	vadd.s32 $0x1770, v5;
	v12 =	vld.idx.msk [tilespmem:v12+s14+$0x0], $0xffff  }
0x133: {  	v14 =	vadd.s32 $0x1770, v6;
	_ =	sdelay $0x2  }
0x134: {  	[tilespmem:s31+$0xBF80] =	vst v13  }
0x135: {  	v11 =	vld.idx.msk [tilespmem:v11+s14+$0x0], $0xffff;
	[tilespmem:s29+$0xBF80] =	vst v12  }
0x136: {  	v12 =	vadd.s32 $0x1B58, v5;
	v13 =	vld.idx.msk [tilespmem:v14+s14+$0x0], $0xffff  }
0x137: {  	v14 =	vadd.s32 $0x1B58, v6;
	_ =	sdelay $0x2  }
0x138: {  	[tilespmem:s31+$0xC000] =	vst v11  }
0x139: {  	v11 =	vld.idx.msk [tilespmem:v12+s14+$0x0], $0xffff;
	[tilespmem:s29+$0xC000] =	vst v13  }
0x13a: {  	v12 =	vadd.s32 $0x1F40, v5;
	v13 =	vld.idx.msk [tilespmem:v14+s14+$0x0], $0xffff  }
0x13b: {  	v14 =	vadd.s32 $0x1F40, v6  }
0x13c: {  	s1 =	sor.u32 s6, s1  }
0x13d: {  	s1 =	sor.u32 $0x380, s1;
	s0 =	sor.u32 s5, s0  }
0x13e: {  	s0 =	sor.u32 $0x380, s0;
	[tilespmem:s1+$0xBD00] =	vst v11  }
0x13f: {  	v11 =	vld.idx.msk [tilespmem:v12+s14+$0x0], $0xffff;
	[tilespmem:s0+$0xBD00] =	vst v13  }
0x140: {  	v12 =	vadd.s32 $0x2328, v5;
	v13 =	vld.idx.msk [tilespmem:v14+s14+$0x0], $0xffff  }
0x141: {  	v14 =	vadd.s32 $0x2328, v6;
	_ =	sdelay $0x2  }
0x142: {  	[tilespmem:s31+$0xDD00] =	vst v11  }
0x143: {  	v11 =	vld.idx.msk [tilespmem:v12+s14+$0x0], $0xffff;
	[tilespmem:s29+$0xDD00] =	vst v13  }
0x144: {  	v12 =	vadd.s32 $0x2710, v5;
	v13 =	vld.idx.msk [tilespmem:v14+s14+$0x0], $0xffff  }
0x145: {  	v14 =	vadd.s32 $0x2710, v6;
	_ =	sdelay $0x2  }
0x146: {  	[tilespmem:s31+$0xDD80] =	vst v11  }
0x147: {  	v11 =	vadd.s32 $0x2AF8, v4;
	v12 =	vld.idx.msk [tilespmem:v12+s14+$0x0], $0xffff;
	[tilespmem:s29+$0xDD80] =	vst v13  }
0x148: {  	v13 =	vadd.s32 $0x2AF8, v5;
	v14 =	vld.idx.msk [tilespmem:v14+s14+$0x0], $0xffff  }
0x149: {  	v15 =	vadd.s32 $0x2AF8, v6;
	_ =	sdelay $0x1  }
0x14a: {  	[tilespmem:s28+$0xDE00] =	vst v10  }
0x14b: {  	v10 =	vld.idx.msk [tilespmem:v11+s14+$0x0], $0xffff;
	[tilespmem:s31+$0xDE00] =	vst v12  }
0x14c: {  	v11 =	vadd.s32 $0x2EE0, v4;
	v12 =	vld.idx.msk [tilespmem:v13+s14+$0x0], $0xffff;
	[tilespmem:s29+$0xDE00] =	vst v14  }
0x14d: {  	v13 =	vadd.s32 $0x2EE0, v5;
	v14 =	vld.idx.msk [tilespmem:v15+s14+$0x0], $0xffff  }
0x14e: {  	v15 =	vadd.s32 $0x2EE0, v6;
	_ =	sdelay $0x1  }
0x14f: {  	[tilespmem:s28+$0xDE80] =	vst v10  }
0x150: {  	v10 =	vld.idx.msk [tilespmem:v11+s14+$0x0], $0xffff;
	[tilespmem:s31+$0xDE80] =	vst v12  }
0x151: {  	v11 =	vadd.s32 $0x32C8, v4;
	v12 =	vld.idx.msk [tilespmem:v13+s14+$0x0], $0xffff;
	[tilespmem:s29+$0xDE80] =	vst v14  }
0x152: {  	v13 =	vadd.s32 $0x32C8, v5;
	v14 =	vld.idx.msk [tilespmem:v15+s14+$0x0], $0xffff  }
0x153: {  	v15 =	vadd.s32 $0x32C8, v6;
	_ =	sdelay $0x1  }
0x154: {  	[tilespmem:s28+$0xDF00] =	vst v10  }
0x155: {  	v10 =	vld.idx.msk [tilespmem:v11+s14+$0x0], $0xffff;
	[tilespmem:s31+$0xDF00] =	vst v12  }
0x156: {  	v11 =	vadd.s32 $0x36B0, v4;
	v12 =	vld.idx.msk [tilespmem:v13+s14+$0x0], $0xffff;
	[tilespmem:s29+$0xDF00] =	vst v14  }
0x157: {  	v13 =	vadd.s32 $0x36B0, v5;
	v14 =	vld.idx.msk [tilespmem:v15+s14+$0x0], $0xffff  }
0x158: {  	v15 =	vadd.s32 $0x36B0, v6;
	_ =	sdelay $0x1  }
0x159: {  	[tilespmem:s28+$0xDF80] =	vst v10  }
0x15a: {  	v10 =	vadd.s32 $0x3A98, v3;
	v11 =	vld.idx.msk [tilespmem:v11+s14+$0x0], $0xffff;
	[tilespmem:s31+$0xDF80] =	vst v12  }
0x15b: {  	v12 =	vadd.s32 $0x3A98, v4;
	v13 =	vld.idx.msk [tilespmem:v13+s14+$0x0], $0xffff;
	[tilespmem:s29+$0xDF80] =	vst v14  }
0x15c: {  	v14 =	vadd.s32 $0x3A98, v5;
	v15 =	vld.idx.msk [tilespmem:v15+s14+$0x0], $0xffff  }
0x15d: {  	v16 =	vadd.s32 $0x3A98, v6  }
0x15e: {  	[tilespmem:s26+$0xE000] =	vst v18  }
0x15f: {  	v10 =	vld.idx.msk [tilespmem:v10+s14+$0x0], $0xffff;
	[tilespmem:s28+$0xE000] =	vst v11  }
0x160: {  	v11 =	vadd.s32 $0x3E80, v3;
	v12 =	vld.idx.msk [tilespmem:v12+s14+$0x0], $0xffff;
	[tilespmem:s31+$0xE000] =	vst v13  }
0x161: {  	v13 =	vadd.s32 $0x3E80, v4;
	v14 =	vld.idx.msk [tilespmem:v14+s14+$0x0], $0xffff;
	[tilespmem:s29+$0xE000] =	vst v15  }
0x162: {  	v15 =	vadd.s32 $0x3E80, v5;
	v16 =	vld.idx.msk [tilespmem:v16+s14+$0x0], $0xffff  }
0x163: {  	v17 =	vadd.s32 $0x3E80, v6  }
0x164: {  	[tilespmem:s26+$0xE080] =	vst v10  }
0x165: {  	v10 =	vld.idx.msk [tilespmem:v11+s14+$0x0], $0xffff;
	[tilespmem:s28+$0xE080] =	vst v12  }
0x166: {  	v11 =	vadd.s32 $0x4268, v3;
	v12 =	vld.idx.msk [tilespmem:v13+s14+$0x0], $0xffff;
	[tilespmem:s31+$0xE080] =	vst v14  }
0x167: {  	v13 =	vadd.s32 $0x4268, v4;
	v14 =	vld.idx.msk [tilespmem:v15+s14+$0x0], $0xffff;
	[tilespmem:s29+$0xE080] =	vst v16  }
0x168: {  	v15 =	vadd.s32 $0x4268, v5;
	v16 =	vld.idx.msk [tilespmem:v17+s14+$0x0], $0xffff  }
0x169: {  	v17 =	vadd.s32 $0x4268, v6  }
0x16a: {  	[tilespmem:s26+$0xFD00] =	vst v10  }
0x16b: {  	v10 =	vld.idx.msk [tilespmem:v11+s14+$0x0], $0xffff;
	[tilespmem:s28+$0xFD00] =	vst v12  }
0x16c: {  	v11 =	vadd.s32 $0x4650, v3;
	v12 =	vld.idx.msk [tilespmem:v13+s14+$0x0], $0xffff;
	[tilespmem:s31+$0xFD00] =	vst v14  }
0x16d: {  	v13 =	vadd.s32 $0x4650, v4;
	v14 =	vld.idx.msk [tilespmem:v15+s14+$0x0], $0xffff;
	[tilespmem:s29+$0xFD00] =	vst v16  }
0x16e: {  	v15 =	vadd.s32 $0x4650, v5;
	v16 =	vld.idx.msk [tilespmem:v17+s14+$0x0], $0xffff  }
0x16f: {  	v17 =	vadd.s32 $0x4650, v6  }
0x170: {  	[tilespmem:s26+$0xFD80] =	vst v10  }
0x171: {  	v10 =	vld.idx.msk [tilespmem:v11+s14+$0x0], $0xffff;
	[tilespmem:s28+$0xFD80] =	vst v12  }
0x172: {  	v11 =	vadd.s32 $0x4A38, v3;
	v12 =	vld.idx.msk [tilespmem:v13+s14+$0x0], $0xffff;
	[tilespmem:s31+$0xFD80] =	vst v14  }
0x173: {  	v13 =	vadd.s32 $0x4A38, v4;
	v14 =	vld.idx.msk [tilespmem:v15+s14+$0x0], $0xffff;
	[tilespmem:s29+$0xFD80] =	vst v16  }
0x174: {  	v15 =	vadd.s32 $0x4A38, v5;
	v16 =	vld.idx.msk [tilespmem:v17+s14+$0x0], $0xffff  }
0x175: {  	v17 =	vadd.s32 $0x4A38, v6  }
0x176: {  	[tilespmem:s26+$0xFE00] =	vst v10  }
0x177: {  	v10 =	vadd.s32 $0x4E20, v1;
	v11 =	vld.idx.msk [tilespmem:v11+s14+$0x0], $0xffff;
	[tilespmem:s28+$0xFE00] =	vst v12  }
0x178: {  	v12 =	vadd.s32 $0x4E20, v3;
	v13 =	vld.idx.msk [tilespmem:v13+s14+$0x0], $0xffff;
	[tilespmem:s31+$0xFE00] =	vst v14  }
0x179: {  	v14 =	vadd.s32 $0x4E20, v4;
	v15 =	vld.idx.msk [tilespmem:v15+s14+$0x0], $0xffff;
	[tilespmem:s29+$0xFE00] =	vst v16  }
0x17a: {  	v16 =	vadd.s32 $0x4E20, v5;
	v17 =	vld.idx.msk [tilespmem:v17+s14+$0x0], $0xffff  }
0x17b: {  	[tilespmem:s25+$0xFE80] =	vst v9;
	v9 =	vadd.s32 $0x4E20, v6  }
0x17c: {  	v10 =	vld.idx.msk [tilespmem:v10+s14+$0x0], $0xffff;
	[tilespmem:s26+$0xFE80] =	vst v11  }
0x17d: {  	v11 =	vadd.s32 $0x5208, v1;
	v12 =	vld.idx.msk [tilespmem:v12+s14+$0x0], $0xffff;
	[tilespmem:s28+$0xFE80] =	vst v13  }
0x17e: {  	v13 =	vadd.s32 $0x5208, v3;
	v14 =	vld.idx.msk [tilespmem:v14+s14+$0x0], $0xffff;
	[tilespmem:s31+$0xFE80] =	vst v15  }
0x17f: {  	v15 =	vadd.s32 $0x5208, v4;
	v16 =	vld.idx.msk [tilespmem:v16+s14+$0x0], $0xffff;
	[tilespmem:s29+$0xFE80] =	vst v17  }
0x180: {  	[tilespmem:s24+$0x11F00] =	vst v8;
	v8 =	vadd.s32 $0x5208, v5;
	v9 =	vld.idx.msk [tilespmem:v9+s14+$0x0], $0xffff  }
0x181: {  	[tilespmem:s25+$0xFF00] =	vst v10;
	v10 =	vadd.s32 $0x5208, v6  }
0x182: {  	v11 =	vld.idx.msk [tilespmem:v11+s14+$0x0], $0xffff;
	v17 =	vadd.s32 $0x7148, v2;
	[tilespmem:s26+$0xFF00] =	vst v12  }
0x183: {  	v12 =	vadd.s32 $0x55F0, v1;
	v13 =	vld.idx.msk [tilespmem:v13+s14+$0x0], $0xffff;
	[tilespmem:s28+$0xFF00] =	vst v14  }
0x184: {  	v14 =	vadd.s32 $0x55F0, v3;
	v15 =	vld.idx.msk [tilespmem:v15+s14+$0x0], $0xffff;
	[tilespmem:s31+$0xFF00] =	vst v16  }
0x185: {  	v16 =	vadd.s32 $0x55F0, v4;
	v8 =	vld.idx.msk [tilespmem:v8+s14+$0x0], $0xffff;
	[tilespmem:s29+$0xFF00] =	vst v9  }
0x186: {  	[tilespmem:s23+$0x11D00] =	vst v7;
	v7 =	vadd.s32 $0x55F0, v5;
	v9 =	vld.idx.msk [tilespmem:v10+s14+$0x0], $0xffff  }
0x187: {  	[tilespmem:s25+$0xFF80] =	vst v11;
	v11 =	vadd.s32 $0x55F0, v6;
	v10 =	vld.idx.msk [tilespmem:v17+s14+$0x0], $0xffff  }
0x188: {  	v12 =	vld.idx.msk [tilespmem:v12+s14+$0x0], $0xffff;
	[tilespmem:s26+$0xFF80] =	vst v13;
	v17 =	vadd.s32 $0x61A8, v0  }
0x189: {  	v13 =	vadd.s32 $0x59D8, v1;
	v14 =	vld.idx.msk [tilespmem:v14+s14+$0x0], $0xffff;
	[tilespmem:s28+$0xFF80] =	vst v15  }
0x18a: {  	v15 =	vadd.s32 $0x59D8, v3;
	v16 =	vld.idx.msk [tilespmem:v16+s14+$0x0], $0xffff;
	[tilespmem:s31+$0xFF80] =	vst v8  }
0x18b: {  	v8 =	vadd.s32 $0x59D8, v4;
	v7 =	vld.idx.msk [tilespmem:v7+s14+$0x0], $0xffff;
	[tilespmem:s29+$0xFF80] =	vst v9  }
0x18c: {  	[tilespmem:s24+$0x11F80] =	vst v10;
	v9 =	vadd.s32 $0x59D8, v5;
	v10 =	vld.idx.msk [tilespmem:v11+s14+$0x0], $0xffff  }
0x18d: {  	[tilespmem:s25+$0x10000] =	vst v12;
	v12 =	vadd.s32 $0x59D8, v6;
	v11 =	vld.idx.msk [tilespmem:v17+s14+$0x0], $0xffff  }
0x18e: {  	v13 =	vld.idx.msk [tilespmem:v13+s14+$0x0], $0xffff;
	[tilespmem:s26+$0x10000] =	vst v14;
	v17 =	vadd.s32 $0x7530, v2  }
0x18f: {  	v14 =	vadd.s32 $0x5DC0, v1;
	v15 =	vld.idx.msk [tilespmem:v15+s14+$0x0], $0xffff;
	[tilespmem:s28+$0x10000] =	vst v16  }
0x190: {  	v16 =	vadd.s32 $0x5DC0, v3;
	v8 =	vld.idx.msk [tilespmem:v8+s14+$0x0], $0xffff;
	[tilespmem:s31+$0x10000] =	vst v7  }
0x191: {  	v7 =	vadd.s32 $0x5DC0, v4;
	v9 =	vld.idx.msk [tilespmem:v9+s14+$0x0], $0xffff;
	[tilespmem:s29+$0x10000] =	vst v10  }
0x192: {  	[tilespmem:s23+$0x11D80] =	vst v11;
	v10 =	vadd.s32 $0x5DC0, v5;
	v11 =	vld.idx.msk [tilespmem:v12+s14+$0x0], $0xffff  }
0x193: {  	[tilespmem:s25+$0x10080] =	vst v13;
	v13 =	vadd.s32 $0x5DC0, v6;
	v12 =	vld.idx.msk [tilespmem:v17+s14+$0x0], $0xffff  }
0x194: {  	v14 =	vld.idx.msk [tilespmem:v14+s14+$0x0], $0xffff;
	[tilespmem:s26+$0x10080] =	vst v15;
	v17 =	vadd.s32 $0x6590, v0  }
0x195: {  	v15 =	vadd.s32 $0x61A8, v1;
	v16 =	vld.idx.msk [tilespmem:v16+s14+$0x0], $0xffff;
	[tilespmem:s28+$0x10080] =	vst v8  }
0x196: {  	v8 =	vadd.s32 $0x61A8, v3;
	v7 =	vld.idx.msk [tilespmem:v7+s14+$0x0], $0xffff;
	[tilespmem:s31+$0x10080] =	vst v9  }
0x197: {  	v9 =	vadd.s32 $0x61A8, v4;
	v10 =	vld.idx.msk [tilespmem:v10+s14+$0x0], $0xffff;
	[tilespmem:s29+$0x10080] =	vst v11  }
0x198: {  	[tilespmem:s24+$0x12000] =	vst v12;
	v11 =	vadd.s32 $0x61A8, v5;
	v12 =	vld.idx.msk [tilespmem:v13+s14+$0x0], $0xffff  }
0x199: {  	[tilespmem:s25+$0x11D00] =	vst v14;
	v14 =	vadd.s32 $0x61A8, v6;
	v13 =	vld.idx.msk [tilespmem:v17+s14+$0x0], $0xffff  }
0x19a: {  	v2 =	vadd.s32 $0x7918, v2;
	v15 =	vld.idx.msk [tilespmem:v15+s14+$0x0], $0xffff;
	[tilespmem:s26+$0x11D00] =	vst v16  }
0x19b: {  	v16 =	vadd.s32 $0x6590, v1;
	v8 =	vld.idx.msk [tilespmem:v8+s14+$0x0], $0xffff;
	[tilespmem:s28+$0x11D00] =	vst v7  }
0x19c: {  	v7 =	vadd.s32 $0x6590, v3;
	v9 =	vld.idx.msk [tilespmem:v9+s14+$0x0], $0xffff;
	[tilespmem:s31+$0x11D00] =	vst v10  }
0x19d: {  	v10 =	vadd.s32 $0x6590, v4;
	v11 =	vld.idx.msk [tilespmem:v11+s14+$0x0], $0xffff;
	[tilespmem:s29+$0x11D00] =	vst v12  }
0x19e: {  	[tilespmem:s23+$0x11E00] =	vst v13;
	v12 =	vadd.s32 $0x6590, v5;
	v13 =	vld.idx.msk [tilespmem:v14+s14+$0x0], $0xffff  }
0x19f: {  	v2 =	vld.idx.msk [tilespmem:v2+s14+$0x0], $0xffff;
	[tilespmem:s25+$0x11D80] =	vst v15;
	v14 =	vadd.s32 $0x6590, v6  }
0x1a0: {  	v15 =	vadd.s32 $0x6978, v0;
	v16 =	vld.idx.msk [tilespmem:v16+s14+$0x0], $0xffff;
	[tilespmem:s26+$0x11D80] =	vst v8  }
0x1a1: {  	v8 =	vadd.s32 $0x6978, v1;
	v7 =	vld.idx.msk [tilespmem:v7+s14+$0x0], $0xffff;
	[tilespmem:s28+$0x11D80] =	vst v9  }
0x1a2: {  	v9 =	vadd.s32 $0x6978, v3;
	v10 =	vld.idx.msk [tilespmem:v10+s14+$0x0], $0xffff;
	[tilespmem:s31+$0x11D80] =	vst v11  }
0x1a3: {  	v11 =	vadd.s32 $0x6978, v4;
	v12 =	vld.idx.msk [tilespmem:v12+s14+$0x0], $0xffff;
	[tilespmem:s29+$0x11D80] =	vst v13  }
0x1a4: {  	[tilespmem:s24+$0x12080] =	vst v2;
	v2 =	vadd.s32 $0x6978, v5;
	v13 =	vld.idx.msk [tilespmem:v14+s14+$0x0], $0xffff  }
0x1a5: {  	[tilespmem:s25+$0x11E00] =	vst v16;
	v14 =	vld.idx.msk [tilespmem:v15+s14+$0x0], $0xffff;
	v15 =	vadd.s32 $0x6978, v6  }
0x1a6: {  	v16 =	vadd.s32 $0x6D60, v0;
	v8 =	vld.idx.msk [tilespmem:v8+s14+$0x0], $0xffff;
	[tilespmem:s26+$0x11E00] =	vst v7  }
0x1a7: {  	v7 =	vadd.s32 $0x6D60, v1;
	v9 =	vld.idx.msk [tilespmem:v9+s14+$0x0], $0xffff;
	[tilespmem:s28+$0x11E00] =	vst v10  }
0x1a8: {  	v10 =	vadd.s32 $0x6D60, v3;
	v11 =	vld.idx.msk [tilespmem:v11+s14+$0x0], $0xffff;
	[tilespmem:s31+$0x11E00] =	vst v12  }
0x1a9: {  	v12 =	vadd.s32 $0x6D60, v4;
	v2 =	vld.idx.msk [tilespmem:v2+s14+$0x0], $0xffff;
	[tilespmem:s29+$0x11E00] =	vst v13  }
0x1aa: {  	[tilespmem:s23+$0x11E80] =	vst v14;
	v13 =	vadd.s32 $0x6D60, v5;
	v14 =	vld.idx.msk [tilespmem:v15+s14+$0x0], $0xffff  }
0x1ab: {  	[tilespmem:s25+$0x11E80] =	vst v8;
	v8 =	vadd.s32 $0x6D60, v6;
	v15 =	vld.idx.msk [tilespmem:v16+s14+$0x0], $0xffff  }
0x1ac: {  	v7 =	vld.idx.msk [tilespmem:v7+s14+$0x0], $0xffff;
	[tilespmem:s26+$0x11E80] =	vst v9;
	v16 =	vadd.s32 $0x7148, v0  }
0x1ad: {  	v9 =	vadd.s32 $0x7148, v1;
	v10 =	vld.idx.msk [tilespmem:v10+s14+$0x0], $0xffff;
	[tilespmem:s28+$0x11E80] =	vst v11  }
0x1ae: {  	v11 =	vadd.s32 $0x7148, v3;
	v12 =	vld.idx.msk [tilespmem:v12+s14+$0x0], $0xffff;
	[tilespmem:s31+$0x11E80] =	vst v2  }
0x1af: {  	v2 =	vadd.s32 $0x7148, v4;
	v13 =	vld.idx.msk [tilespmem:v13+s14+$0x0], $0xffff;
	[tilespmem:s29+$0x11E80] =	vst v14  }
0x1b0: {  	[tilespmem:s23+$0x11F00] =	vst v15;
	v14 =	vadd.s32 $0x7148, v5;
	v8 =	vld.idx.msk [tilespmem:v8+s14+$0x0], $0xffff  }
0x1b1: {  	[tilespmem:s25+$0x11F00] =	vst v7;
	v7 =	vadd.s32 $0x7148, v6;
	v15 =	vld.idx.msk [tilespmem:v16+s14+$0x0], $0xffff  }
0x1b2: {  	v9 =	vld.idx.msk [tilespmem:v9+s14+$0x0], $0xffff;
	[tilespmem:s26+$0x11F00] =	vst v10;
	v16 =	vadd.s32 $0x7530, v0  }
0x1b3: {  	v10 =	vadd.s32 $0x7530, v1;
	v11 =	vld.idx.msk [tilespmem:v11+s14+$0x0], $0xffff;
	[tilespmem:s28+$0x11F00] =	vst v12  }
0x1b4: {  	v12 =	vadd.s32 $0x7530, v3;
	v2 =	vld.idx.msk [tilespmem:v2+s14+$0x0], $0xffff;
	[tilespmem:s31+$0x11F00] =	vst v13  }
0x1b5: {  	v13 =	vadd.s32 $0x7530, v4;
	v14 =	vld.idx.msk [tilespmem:v14+s14+$0x0], $0xffff;
	[tilespmem:s29+$0x11F00] =	vst v8  }
0x1b6: {  	[tilespmem:s23+$0x11F80] =	vst v15;
	v8 =	vadd.s32 $0x7530, v5;
	v7 =	vld.idx.msk [tilespmem:v7+s14+$0x0], $0xffff  }
0x1b7: {  	[tilespmem:s25+$0x11F80] =	vst v9;
	v9 =	vadd.s32 $0x7530, v6;
	v15 =	vld.idx.msk [tilespmem:v16+s14+$0x0], $0xffff  }
0x1b8: {  	v0 =	vadd.s32 $0x7918, v0;
	v10 =	vld.idx.msk [tilespmem:v10+s14+$0x0], $0xffff;
	[tilespmem:s26+$0x11F80] =	vst v11  }
0x1b9: {  	v1 =	vadd.s32 $0x7918, v1;
	v11 =	vld.idx.msk [tilespmem:v12+s14+$0x0], $0xffff;
	[tilespmem:s28+$0x11F80] =	vst v2  }
0x1ba: {  	v2 =	vadd.s32 $0x7918, v3;
	v3 =	vld.idx.msk [tilespmem:v13+s14+$0x0], $0xffff;
	[tilespmem:s31+$0x11F80] =	vst v14  }
0x1bb: {  	v4 =	vadd.s32 $0x7918, v4;
	v8 =	vld.idx.msk [tilespmem:v8+s14+$0x0], $0xffff;
	[tilespmem:s29+$0x11F80] =	vst v7  }
0x1bc: {  	v5 =	vadd.s32 $0x7918, v5;
	[tilespmem:s23+$0x12000] =	vst v15;
	v7 =	vld.idx.msk [tilespmem:v9+s14+$0x0], $0xffff  }
0x1bd: {  	v6 =	vadd.s32 $0x7918, v6;
	[tilespmem:s25+$0x12000] =	vst v10;
	v0 =	vld.idx.msk [tilespmem:v0+s14+$0x0], $0xffff  }
0x1be: {  	v1 =	vld.idx.msk [tilespmem:v1+s14+$0x0], $0xffff;
	[tilespmem:s26+$0x12000] =	vst v11  }
0x1bf: {  	v2 =	vld.idx.msk [tilespmem:v2+s14+$0x0], $0xffff;
	[tilespmem:s28+$0x12000] =	vst v3  }
0x1c0: {  	v3 =	vld.idx.msk [tilespmem:v4+s14+$0x0], $0xffff;
	[tilespmem:s31+$0x12000] =	vst v8  }
0x1c1: {  	v4 =	vld.idx.msk [tilespmem:v5+s14+$0x0], $0xffff;
	[tilespmem:s29+$0x12000] =	vst v7  }
0x1c2: {  	[tilespmem:s23+$0x12080] =	vst v0;
	v0 =	vld.idx.msk [tilespmem:v6+s14+$0x0], $0xffff  }
0x1c3: {  	[tilespmem:s25+$0x12080] =	vst v1  }
0x1c4: {  	[tilespmem:s26+$0x12080] =	vst v2  }
0x1c5: {  	p2 =	seq.s32 @p1 s21, $0x0;
	[tilespmem:s28+$0x12080] =	vst v3  }
0x1c6: {  	s5 =	simm.s32 @p1 $0xBD00;
	p3 =	por p2, !p1;
	[tilespmem:s31+$0x12080] =	vst v4  }
0x1c7: {  	s2 =	simm.s32 @p1 $0x20000;
	s1 =	simm.s32 @p1 $0x2000;
	s0 =	sadd.s32 @p1 s22, s9;
	[tilespmem:s29+$0x12080] =	vst v0  }
0x1c8: {  	[hbm4b:s0+s1] =	stream.strided.scatter @p1 [tilespmem:s5], [sflag:$0x1], $0x8000, s2, s1, $0x38;
	[tilespmem:$0x1BD00] =	vst v63  }
0x1c9: {  	s0 =	simm.s32 @!p3 $0x2  }
0x1ca: {  	_ =	swait.ge @!p3 [sflag:s0], $0x8000  }
0x1cb: {  	s1 =	simm.s32 @!p1 $0x0;
	s2 =	simm.s32 @!p1 $0xBD00;
	[sflag:s0] =	ssyncset.done @!p3 $0x0  }
0x1cc: {  	[sflag:s0] =	ssyncadd.s32 @!p3 $0xFFFF8000;
	p3 =	seq.s32 @!p1 s21, $0x0;
	s0 =	sadd.s32 @!p1 s22, s10  }
0x1cd: {  	[hbm4b:s0+s1] =	stream.linear.scatter @!p1 [tilespmem:s2], [sflag:$0x1], $0x2000, $0x38;
	[tilespmem:$0x1BD00] =	vst v63  }
0x1ce: {  	p2 =	por !p2, !p1;
	s0 =	smov.u32 s22;
	p4 =	por !p3, p1  }
0x1cf: {  	s0 =	simm.s32 @!p2 $0x0;
	p2 =	por p3, p1;
	s22 =	simm.s32 @!p4 $0x0  }
0x1d0: {  	s7 =	simm.s32 $0x0;
	s1 =	simm.s32 @!p2 $0x2;
	s22 =	smov.u32 @p1 s0  }
0x1d1: {  	s8 =	sand.u32 $0x380, s7;
	_ =	swait.ge @!p2 [sflag:s1], $0x2000;
	s23 =	sor.u32 $0x400, s22  }
0x1d2: {  	s12 =	sand.u32 $0x70, s7;
	[sflag:s1] =	ssyncset.done @!p2 $0x0;
	s2 =	sadd.s32 s8, s23  }
0x1d3: {  	[sflag:s1] =	ssyncadd.s32 @!p2 $0xFFFFE000;
	s24 =	sadd.s32 s12, s2  }
0x1d4: {  	v7 =	vld [tilespmem:s24+$0x0];
	_ =	sdelay $0x7  }
0x1d5: {  	v0 =	vld.idx.msk [tilespmem:v7+s14+$0x0], $0xffff  }
0x1d6: {  	v1 =	vadd.s32 $0x3E8, v7;
	_ =	sdelay $0x1  }
0x1d7: {  	s0 =	sand.u32 $0x1C00, s7  }
0x1d8: {  	s29 =	sor.u32 s12, s0  }
0x1d9: {  	[tilespmem:s29+$0x13D00] =	vst v0  }
0x1da: {  	v0 =	vld.idx.msk [tilespmem:v1+s14+$0x0], $0xffff  }
0x1db: {  	v1 =	vadd.s32 $0x7D0, v7;
	_ =	sdelay $0x3  }
0x1dc: {  	[tilespmem:s29+$0x13D80] =	vst v0  }
0x1dd: {  	v0 =	vld.idx.msk [tilespmem:v1+s14+$0x0], $0xffff  }
0x1de: {  	v1 =	vadd.s32 $0xBB8, v7;
	_ =	sdelay $0x2  }
0x1df: {  	s25 =	simm.s32 $0x10  }
0x1e0: {  	s26 =	sand.u32 $0x380, s25;
	[tilespmem:s29+$0x13E00] =	vst v0  }
0x1e1: {  	s0 =	sand.u32 $0x70, s25;
	s1 =	sadd.s32 s26, s23;
	v0 =	vld.idx.msk [tilespmem:v1+s14+$0x0], $0xffff  }
0x1e2: {  	s1 =	sadd.s32 s0, s1;
	v1 =	vadd.s32 $0xFA0, v7  }
0x1e3: {  	v2 =	vld [tilespmem:s1+$0x0];
	_ =	sdelay $0x2  }
0x1e4: {  	[tilespmem:s29+$0x13E80] =	vst v0  }
0x1e5: {  	v0 =	vld.idx.msk [tilespmem:v1+s14+$0x0], $0xffff  }
0x1e6: {  	v1 =	vadd.s32 $0x1388, v7;
	_ =	sdelay $0x2  }
0x1e7: {  	v3 =	vld.idx.msk [tilespmem:v2+s14+$0x0], $0xffff  }
0x1e8: {  	[tilespmem:s29+$0x13F00] =	vst v0;
	v0 =	vadd.s32 $0x3E8, v2  }
0x1e9: {  	s2 =	simm.s32 $0x80;
	v1 =	vld.idx.msk [tilespmem:v1+s14+$0x0], $0xffff  }
0x1ea: {  	s1 =	sand.u32 $0x1C00, s2;
	v4 =	vadd.s32 $0x1770, v7  }
0x1eb: {  	s25 =	sor.u32 s0, s1  }
0x1ec: {  	[tilespmem:s25+$0x13D00] =	vst v3  }
0x1ed: {  	v0 =	vld.idx.msk [tilespmem:v0+s14+$0x0], $0xffff  }
0x1ee: {  	[tilespmem:s29+$0x13F80] =	vst v1;
	v1 =	vadd.s32 $0x7D0, v2  }
0x1ef: {  	v3 =	vld.idx.msk [tilespmem:v4+s14+$0x0], $0xffff  }
0x1f0: {  	v4 =	vadd.s32 $0x1B58, v7;
	_ =	sdelay $0x1  }
0x1f1: {  	[tilespmem:s25+$0x13D80] =	vst v0  }
0x1f2: {  	v0 =	vld.idx.msk [tilespmem:v1+s14+$0x0], $0xffff  }
0x1f3: {  	v1 =	vadd.s32 $0xBB8, v2;
	[tilespmem:s29+$0x14000] =	vst v3  }
0x1f4: {  	v3 =	vld.idx.msk [tilespmem:v4+s14+$0x0], $0xffff  }
0x1f5: {  	s5 =	simm.s32 $0x20;
	v4 =	vadd.s32 $0x1F40, v7  }
0x1f6: {  	s6 =	sand.u32 $0x380, s5  }
0x1f7: {  	s0 =	sand.u32 $0x70, s5;
	s1 =	sadd.s32 s6, s23;
	[tilespmem:s25+$0x13E00] =	vst v0  }
0x1f8: {  	s1 =	sadd.s32 s0, s1;
	v1 =	vld.idx.msk [tilespmem:v1+s14+$0x0], $0xffff  }
0x1f9: {  	v0 =	vld [tilespmem:s1+$0x0];
	[tilespmem:s29+$0x14080] =	vst v3;
	v3 =	vadd.s32 $0xFA0, v2  }
0x1fa: {  	v4 =	vld.idx.msk [tilespmem:v4+s14+$0x0], $0xffff  }
0x1fb: {  	v5 =	vadd.s32 $0x2328, v7;
	_ =	sdelay $0x1  }
0x1fc: {  	[tilespmem:s25+$0x13E80] =	vst v1  }
0x1fd: {  	v1 =	vld.idx.msk [tilespmem:v3+s14+$0x0], $0xffff  }
0x1fe: {  	v3 =	vadd.s32 $0x1388, v2;
	[tilespmem:s29+$0x15D00] =	vst v4  }
0x1ff: {  	v4 =	vld.idx.msk [tilespmem:v5+s14+$0x0], $0xffff  }
0x200: {  	v5 =	vadd.s32 $0x2710, v7  }
0x201: {  	v6 =	vld.idx.msk [tilespmem:v0+s14+$0x0], $0xffff  }
0x202: {  	[tilespmem:s25+$0x13F00] =	vst v1;
	v1 =	vadd.s32 $0x3E8, v0  }
0x203: {  	s7 =	simm.s32 $0x100;
	v3 =	vld.idx.msk [tilespmem:v3+s14+$0x0], $0xffff  }
0x204: {  	s1 =	sand.u32 $0x1C00, s7;
	[tilespmem:s29+$0x15D80] =	vst v4;
	v4 =	vadd.s32 $0x1770, v2  }
0x205: {  	s24 =	sor.u32 s0, s1;
	v5 =	vld.idx.msk [tilespmem:v5+s14+$0x0], $0xffff  }
0x206: {  	[tilespmem:s24+$0x13D00] =	vst v6;
	v6 =	vadd.s32 $0x2AF8, v7  }
0x207: {  	v1 =	vld.idx.msk [tilespmem:v1+s14+$0x0], $0xffff  }
0x208: {  	[tilespmem:s25+$0x13F80] =	vst v3;
	v3 =	vadd.s32 $0x7D0, v0  }
0x209: {  	v4 =	vld.idx.msk [tilespmem:v4+s14+$0x0], $0xffff  }
0x20a: {  	[tilespmem:s29+$0x15E00] =	vst v5;
	v5 =	vadd.s32 $0x1B58, v2  }
0x20b: {  	v6 =	vld.idx.msk [tilespmem:v6+s14+$0x0], $0xffff  }
0x20c: {  	[tilespmem:s24+$0x13D80] =	vst v1;
	v1 =	vadd.s32 $0x2EE0, v7  }
0x20d: {  	v3 =	vld.idx.msk [tilespmem:v3+s14+$0x0], $0xffff  }
0x20e: {  	[tilespmem:s25+$0x14000] =	vst v4;
	v4 =	vadd.s32 $0xBB8, v0  }
0x20f: {  	v5 =	vld.idx.msk [tilespmem:v5+s14+$0x0], $0xffff  }
0x210: {  	[tilespmem:s29+$0x15E80] =	vst v6;
	v6 =	vadd.s32 $0x1F40, v2  }
0x211: {  	v8 =	vld.idx.msk [tilespmem:v1+s14+$0x0], $0xffff  }
0x212: {  	s8 =	simm.s32 $0x30;
	[tilespmem:s24+$0x13E00] =	vst v3;
	v3 =	vadd.s32 $0x32C8, v7  }
0x213: {  	s12 =	sand.u32 $0x380, s8;
	v4 =	vld.idx.msk [tilespmem:v4+s14+$0x0], $0xffff  }
0x214: {  	s0 =	sand.u32 $0x70, s8;
	s1 =	sadd.s32 s12, s23;
	[tilespmem:s25+$0x14080] =	vst v5;
	v5 =	vadd.s32 $0xFA0, v0  }
0x215: {  	s1 =	sadd.s32 s0, s1;
	v6 =	vld.idx.msk [tilespmem:v6+s14+$0x0], $0xffff  }
0x216: {  	v1 =	vld [tilespmem:s1+$0x0];
	[tilespmem:s29+$0x15F00] =	vst v8;
	v8 =	vadd.s32 $0x2328, v2  }
0x217: {  	v3 =	vld.idx.msk [tilespmem:v3+s14+$0x0], $0xffff  }
0x218: {  	[tilespmem:s24+$0x13E80] =	vst v4;
	v4 =	vadd.s32 $0x36B0, v7  }
0x219: {  	v5 =	vld.idx.msk [tilespmem:v5+s14+$0x0], $0xffff  }
0x21a: {  	[tilespmem:s25+$0x15D00] =	vst v6;
	v6 =	vadd.s32 $0x1388, v0  }
0x21b: {  	v8 =	vld.idx.msk [tilespmem:v8+s14+$0x0], $0xffff  }
0x21c: {  	[tilespmem:s29+$0x15F80] =	vst v3;
	v3 =	vadd.s32 $0x2710, v2  }
0x21d: {  	v4 =	vld.idx.msk [tilespmem:v4+s14+$0x0], $0xffff  }
0x21e: {  	v9 =	vld.idx.msk [tilespmem:v1+s14+$0x0], $0xffff;
	[tilespmem:s24+$0x13F00] =	vst v5;
	v5 =	vadd.s32 $0x3A98, v7  }
0x21f: {  	v10 =	vadd.s32 $0x3E8, v1;
	v6 =	vld.idx.msk [tilespmem:v6+s14+$0x0], $0xffff  }
0x220: {  	s26 =	simm.s32 $0x180;
	[tilespmem:s25+$0x15D80] =	vst v8;
	v8 =	vadd.s32 $0x1770, v0  }
0x221: {  	s1 =	sand.u32 $0x1C00, s26;
	v3 =	vld.idx.msk [tilespmem:v3+s14+$0x0], $0xffff  }
0x222: {  	s26 =	sor.u32 s0, s1;
	[tilespmem:s29+$0x16000] =	vst v4;
	v4 =	vadd.s32 $0x2AF8, v2  }
0x223: {  	[tilespmem:s26+$0x13D00] =	vst v9;
	v5 =	vld.idx.msk [tilespmem:v5+s14+$0x0], $0xffff  }
0x224: {  	v9 =	vld.idx.msk [tilespmem:v10+s14+$0x0], $0xffff;
	[tilespmem:s24+$0x13F80] =	vst v6;
	v6 =	vadd.s32 $0x3E80, v7  }
0x225: {  	v10 =	vadd.s32 $0x7D0, v1;
	v8 =	vld.idx.msk [tilespmem:v8+s14+$0x0], $0xffff  }
0x226: {  	[tilespmem:s25+$0x15E00] =	vst v3;
	v3 =	vadd.s32 $0x1B58, v0  }
0x227: {  	v4 =	vld.idx.msk [tilespmem:v4+s14+$0x0], $0xffff  }
0x228: {  	[tilespmem:s29+$0x16080] =	vst v5;
	v5 =	vadd.s32 $0x2EE0, v2  }
0x229: {  	[tilespmem:s26+$0x13D80] =	vst v9;
	v6 =	vld.idx.msk [tilespmem:v6+s14+$0x0], $0xffff  }
0x22a: {  	v9 =	vld.idx.msk [tilespmem:v10+s14+$0x0], $0xffff;
	[tilespmem:s24+$0x14000] =	vst v8;
	v8 =	vadd.s32 $0x4268, v7  }
0x22b: {  	v10 =	vadd.s32 $0xBB8, v1;
	v3 =	vld.idx.msk [tilespmem:v3+s14+$0x0], $0xffff  }
0x22c: {  	[tilespmem:s25+$0x15E80] =	vst v4;
	v4 =	vadd.s32 $0x1F40, v0  }
0x22d: {  	v5 =	vld.idx.msk [tilespmem:v5+s14+$0x0], $0xffff  }
0x22e: {  	s1 =	simm.s32 $0x40;
	[tilespmem:s29+$0x17D00] =	vst v6;
	v6 =	vadd.s32 $0x32C8, v2  }
0x22f: {  	s2 =	sand.u32 $0x380, s1;
	[tilespmem:s26+$0x13E00] =	vst v9;
	v8 =	vld.idx.msk [tilespmem:v8+s14+$0x0], $0xffff  }
0x230: {  	s0 =	sand.u32 $0x70, s1;
	s1 =	sadd.s32 s2, s23;
	v9 =	vld.idx.msk [tilespmem:v10+s14+$0x0], $0xffff;
	v10 =	vadd.s32 $0x4650, v7;
	[tilespmem:s24+$0x14080] =	vst v3  }
0x231: {  	s1 =	sadd.s32 s0, s1;
	v11 =	vadd.s32 $0xFA0, v1;
	v4 =	vld.idx.msk [tilespmem:v4+s14+$0x0], $0xffff  }
0x232: {  	v3 =	vld [tilespmem:s1+$0x0];
	[tilespmem:s25+$0x15F00] =	vst v5;
	v5 =	vadd.s32 $0x2328, v0  }
0x233: {  	v6 =	vld.idx.msk [tilespmem:v6+s14+$0x0], $0xffff  }
0x234: {  	[tilespmem:s29+$0x17D80] =	vst v8;
	v8 =	vadd.s32 $0x36B0, v2  }
0x235: {  	[tilespmem:s26+$0x13E80] =	vst v9;
	v9 =	vld.idx.msk [tilespmem:v10+s14+$0x0], $0xffff  }
0x236: {  	v10 =	vld.idx.msk [tilespmem:v11+s14+$0x0], $0xffff;
	[tilespmem:s24+$0x15D00] =	vst v4;
	v4 =	vadd.s32 $0x4A38, v7  }
0x237: {  	v11 =	vadd.s32 $0x1388, v1;
	v5 =	vld.idx.msk [tilespmem:v5+s14+$0x0], $0xffff  }
0x238: {  	[tilespmem:s25+$0x15F80] =	vst v6  }
0x239: {  	v6 =	vadd.s32 $0x2710, v0;
	v8 =	vld.idx.msk [tilespmem:v8+s14+$0x0], $0xffff  }
0x23a: {  	v12 =	vld.idx.msk [tilespmem:v3+s14+$0x0], $0xffff;
	[tilespmem:s29+$0x17E00] =	vst v9;
	v9 =	vadd.s32 $0x3A98, v2  }
0x23b: {  	[tilespmem:s26+$0x13F00] =	vst v10;
	v10 =	vadd.s32 $0x3E8, v3;
	v4 =	vld.idx.msk [tilespmem:v4+s14+$0x0], $0xffff  }
0x23c: {  	s5 =	simm.s32 $0x200;
	v11 =	vld.idx.msk [tilespmem:v11+s14+$0x0], $0xffff;
	[tilespmem:s24+$0x15D80] =	vst v5;
	v5 =	vadd.s32 $0x4E20, v7  }
0x23d: {  	v13 =	vadd.s32 $0x1770, v1;
	s1 =	sand.u32 $0x1C00, s5  }
0x23e: {  	s28 =	sor.u32 s0, s1;
	v6 =	vld.idx.msk [tilespmem:v6+s14+$0x0], $0xffff;
	[tilespmem:s25+$0x16000] =	vst v8  }
0x23f: {  	[tilespmem:s28+$0x13D00] =	vst v12;
	v8 =	vadd.s32 $0x2AF8, v0;
	v9 =	vld.idx.msk [tilespmem:v9+s14+$0x0], $0xffff  }
0x240: {  	v10 =	vld.idx.msk [tilespmem:v10+s14+$0x0], $0xffff;
	[tilespmem:s29+$0x17E80] =	vst v4;
	v4 =	vadd.s32 $0x3E80, v2  }
0x241: {  	[tilespmem:s26+$0x13F80] =	vst v11;
	v11 =	vadd.s32 $0x7D0, v3;
	v5 =	vld.idx.msk [tilespmem:v5+s14+$0x0], $0xffff  }
0x242: {  	v12 =	vld.idx.msk [tilespmem:v13+s14+$0x0], $0xffff  }
0x243: {  	s6 =	simm.s32 $0x50;
	[tilespmem:s24+$0x15E00] =	vst v6;
	v6 =	vadd.s32 $0x5208, v7  }
0x244: {  	s7 =	sand.u32 $0x380, s6;
	v13 =	vadd.s32 $0x1B58, v1;
	v8 =	vld.idx.msk [tilespmem:v8+s14+$0x0], $0xffff;
	[tilespmem:s25+$0x16080] =	vst v9  }
0x245: {  	s0 =	sand.u32 $0x70, s6;
	s1 =	sadd.s32 s7, s23;
	v9 =	vadd.s32 $0x2EE0, v0;
	[tilespmem:s28+$0x13D80] =	vst v10;
	v10 =	vld.idx.msk [tilespmem:v4+s14+$0x0], $0xffff  }
0x246: {  	s1 =	sadd.s32 s0, s1;
	v11 =	vld.idx.msk [tilespmem:v11+s14+$0x0], $0xffff;
	[tilespmem:s29+$0x17F00] =	vst v5;
	v5 =	vadd.s32 $0x4268, v2  }
0x247: {  	v4 =	vld [tilespmem:s1+$0x0];
	[tilespmem:s26+$0x14000] =	vst v12;
	v12 =	vadd.s32 $0xBB8, v3  }
0x248: {  	v6 =	vld.idx.msk [tilespmem:v6+s14+$0x0], $0xffff  }
0x249: {  	s8 =	simm.s32 $0x60;
	v13 =	vld.idx.msk [tilespmem:v13+s14+$0x0], $0xffff;
	[tilespmem:s24+$0x15E80] =	vst v8;
	v8 =	vadd.s32 $0x55F0, v7  }
0x24a: {  	s12 =	sand.u32 $0x380, s8;
	v14 =	vadd.s32 $0x1F40, v1;
	v9 =	vld.idx.msk [tilespmem:v9+s14+$0x0], $0xffff;
	[tilespmem:s25+$0x17D00] =	vst v10  }
0x24b: {  	s2 =	sand.u32 $0x70, s8;
	s5 =	sadd.s32 s12, s23;
	v10 =	vadd.s32 $0x32C8, v0;
	[tilespmem:s28+$0x13E00] =	vst v11;
	v11 =	vld.idx.msk [tilespmem:v5+s14+$0x0], $0xffff  }
0x24c: {  	s1 =	sadd.s32 s2, s5;
	v12 =	vld.idx.msk [tilespmem:v12+s14+$0x0], $0xffff  }
0x24d: {  	v5 =	vld [tilespmem:s1+$0x0];
	[tilespmem:s29+$0x17F80] =	vst v6;
	v6 =	vadd.s32 $0x4650, v2  }
0x24e: {  	[tilespmem:s26+$0x14080] =	vst v13;
	v13 =	vadd.s32 $0xFA0, v3;
	v8 =	vld.idx.msk [tilespmem:v8+s14+$0x0], $0xffff  }
0x24f: {  	v14 =	vld.idx.msk [tilespmem:v14+s14+$0x0], $0xffff;
	[tilespmem:s24+$0x15F00] =	vst v9;
	v9 =	vadd.s32 $0x59D8, v7  }
0x250: {  	v15 =	vadd.s32 $0x2328, v1;
	v10 =	vld.idx.msk [tilespmem:v10+s14+$0x0], $0xffff  }
0x251: {  	v16 =	vld.idx.msk [tilespmem:v4+s14+$0x0], $0xffff;
	[tilespmem:s25+$0x17D80] =	vst v11;
	v11 =	vadd.s32 $0x36B0, v0  }
0x252: {  	[tilespmem:s28+$0x13E80] =	vst v12;
	v6 =	vld.idx.msk [tilespmem:v6+s14+$0x0], $0xffff  }
0x253: {  	v12 =	vld.idx.msk [tilespmem:v13+s14+$0x0], $0xffff;
	[tilespmem:s29+$0x18000] =	vst v8;
	v8 =	vadd.s32 $0x4A38, v2  }
0x254: {  	v13 =	vadd.s32 $0x1388, v3;
	[tilespmem:s26+$0x15D00] =	vst v14;
	v9 =	vld.idx.msk [tilespmem:v9+s14+$0x0], $0xffff  }
0x255: {  	v14 =	vld.idx.msk [tilespmem:v15+s14+$0x0], $0xffff;
	[tilespmem:s24+$0x15F80] =	vst v10;
	v10 =	vadd.s32 $0x5DC0, v7  }
0x256: {  	v15 =	vadd.s32 $0x2710, v1;
	v11 =	vld.idx.msk [tilespmem:v11+s14+$0x0], $0xffff  }
0x257: {  	v18 =	vld.idx.msk [tilespmem:v5+s14+$0x0], $0xffff;
	[tilespmem:s25+$0x17E00] =	vst v6;
	v6 =	vadd.s32 $0x3A98, v0  }
0x258: {  	[tilespmem:s28+$0x13F00] =	vst v12;
	v12 =	vadd.s32 $0x3E8, v4;
	v8 =	vld.idx.msk [tilespmem:v8+s14+$0x0], $0xffff  }
0x259: {  	s6 =	simm.s32 $0x280;
	v13 =	vld.idx.msk [tilespmem:v13+s14+$0x0], $0xffff;
	[tilespmem:s29+$0x18080] =	vst v9;
	v9 =	vadd.s32 $0x4E20, v2  }
0x25a: {  	s1 =	sand.u32 $0x1C00, s6;
	[tilespmem:s26+$0x15D80] =	vst v14;
	v14 =	vadd.s32 $0x1770, v3;
	v10 =	vld.idx.msk [tilespmem:v10+s14+$0x0], $0xffff  }
0x25b: {  	s30 =	sor.u32 s0, s1;
	v15 =	vld.idx.msk [tilespmem:v15+s14+$0x0], $0xffff;
	[tilespmem:s24+$0x16000] =	vst v11;
	v11 =	vadd.s32 $0x61A8, v7  }
0x25c: {  	[tilespmem:s30+$0x13D00] =	vst v16;
	v16 =	vadd.s32 $0x2AF8, v1;
	v6 =	vld.idx.msk [tilespmem:v6+s14+$0x0], $0xffff  }
0x25d: {  	v12 =	vld.idx.msk [tilespmem:v12+s14+$0x0], $0xffff;
	[tilespmem:s25+$0x17E80] =	vst v8;
	v8 =	vadd.s32 $0x3E80, v0  }
0x25e: {  	[tilespmem:s28+$0x13F80] =	vst v13;
	v13 =	vadd.s32 $0x7D0, v4;
	v9 =	vld.idx.msk [tilespmem:v9+s14+$0x0], $0xffff  }
0x25f: {  	v14 =	vld.idx.msk [tilespmem:v14+s14+$0x0], $0xffff;
	[tilespmem:s29+$0x19D00] =	vst v10;
	v10 =	vadd.s32 $0x5208, v2  }
0x260: {  	[tilespmem:s26+$0x15E00] =	vst v15;
	v15 =	vadd.s32 $0x1B58, v3;
	v11 =	vld.idx.msk [tilespmem:v11+s14+$0x0], $0xffff  }
0x261: {  	v16 =	vld.idx.msk [tilespmem:v16+s14+$0x0], $0xffff;
	[tilespmem:s24+$0x16080] =	vst v6;
	v6 =	vadd.s32 $0x6590, v7  }
0x262: {  	[tilespmem:s30+$0x13D80] =	vst v12;
	v12 =	vadd.s32 $0x2EE0, v1;
	v8 =	vld.idx.msk [tilespmem:v8+s14+$0x0], $0xffff  }
0x263: {  	v13 =	vld.idx.msk [tilespmem:v13+s14+$0x0], $0xffff;
	[tilespmem:s25+$0x17F00] =	vst v9;
	v9 =	vadd.s32 $0x4268, v0  }
0x264: {  	[tilespmem:s28+$0x14000] =	vst v14;
	v14 =	vadd.s32 $0xBB8, v4;
	v10 =	vld.idx.msk [tilespmem:v10+s14+$0x0], $0xffff  }
0x265: {  	v15 =	vld.idx.msk [tilespmem:v15+s14+$0x0], $0xffff;
	[tilespmem:s29+$0x19D80] =	vst v11;
	v11 =	vadd.s32 $0x55F0, v2  }
0x266: {  	[tilespmem:s26+$0x15E80] =	vst v16;
	v16 =	vadd.s32 $0x1F40, v3;
	v6 =	vld.idx.msk [tilespmem:v6+s14+$0x0], $0xffff  }
0x267: {  	v12 =	vld.idx.msk [tilespmem:v12+s14+$0x0], $0xffff;
	[tilespmem:s24+$0x17D00] =	vst v8  }
0x268: {  	s7 =	simm.s32 $0x70;
	v8 =	vadd.s32 $0x6978, v7;
	[tilespmem:s30+$0x13E00] =	vst v13;
	v9 =	vld.idx.msk [tilespmem:v9+s14+$0x0], $0xffff  }
0x269: {  	s8 =	sand.u32 $0x380, s7;
	v13 =	vadd.s32 $0x32C8, v1;
	v14 =	vld.idx.msk [tilespmem:v14+s14+$0x0], $0xffff;
	[tilespmem:s25+$0x17F80] =	vst v10  }
0x26a: {  	s0 =	sand.u32 $0x70, s7;
	s1 =	sadd.s32 s8, s23;
	[tilespmem:s28+$0x14080] =	vst v15;
	v10 =	vadd.s32 $0x4650, v0;
	v11 =	vld.idx.msk [tilespmem:v11+s14+$0x0], $0xffff  }
0x26b: {  	s1 =	sadd.s32 s0, s1;
	v15 =	vadd.s32 $0xFA0, v4;
	v16 =	vld.idx.msk [tilespmem:v16+s14+$0x0], $0xffff;
	[tilespmem:s29+$0x19E00] =	vst v6  }
0x26c: {  	v19 =	vadd.s32 $0x3E8, v5;
	[tilespmem:s26+$0x15F00] =	vst v12;
	v6 =	vld [tilespmem:s1+$0x0];
	s1 =	simm.s32 $0x300  }
0x26d: {  	v12 =	vadd.s32 $0x59D8, v2;
	v8 =	vld.idx.msk [tilespmem:v8+s14+$0x0], $0xffff;
	s12 =	sand.u32 $0x1C00, s1;
	[tilespmem:s24+$0x17D80] =	vst v9  }
0x26e: {  	v17 =	vadd.s32 $0x2328, v3;
	v13 =	vld.idx.msk [tilespmem:v13+s14+$0x0], $0xffff;
	[tilespmem:s30+$0x13E80] =	vst v14;
	s31 =	sor.u32 s2, s12  }
0x26f: {  	v9 =	vadd.s32 $0x6D60, v7;
	v10 =	vld.idx.msk [tilespmem:v10+s14+$0x0], $0xffff;
	[tilespmem:s31+$0x13D00] =	vst v18  }
0x270: {  	v14 =	vadd.s32 $0x36B0, v1;
	v15 =	vld.idx.msk [tilespmem:v15+s14+$0x0], $0xffff;
	[tilespmem:s25+$0x18000] =	vst v11  }
0x271: {  	[tilespmem:s28+$0x15D00] =	vst v16;
	v11 =	vadd.s32 $0x4A38, v0;
	v18 =	vld.idx.msk [tilespmem:v19+s14+$0x0], $0xffff  }
0x272: {  	v16 =	vadd.s32 $0x1388, v4;
	v12 =	vld.idx.msk [tilespmem:v12+s14+$0x0], $0xffff;
	[tilespmem:s29+$0x19E80] =	vst v8  }
0x273: {  	v19 =	vadd.s32 $0x7D0, v5;
	v17 =	vld.idx.msk [tilespmem:v17+s14+$0x0], $0xffff;
	[tilespmem:s26+$0x15F80] =	vst v13  }
0x274: {  	v8 =	vadd.s32 $0x5DC0, v2;
	v9 =	vld.idx.msk [tilespmem:v9+s14+$0x0], $0xffff;
	[tilespmem:s24+$0x17E00] =	vst v10  }
0x275: {  	v13 =	vadd.s32 $0x2710, v3;
	v14 =	vld.idx.msk [tilespmem:v14+s14+$0x0], $0xffff;
	[tilespmem:s30+$0x13F00] =	vst v15  }
0x276: {  	v10 =	vadd.s32 $0x7148, v7;
	v11 =	vld.idx.msk [tilespmem:v11+s14+$0x0], $0xffff;
	[tilespmem:s31+$0x13D80] =	vst v18  }
0x277: {  	v15 =	vadd.s32 $0x3A98, v1;
	v16 =	vld.idx.msk [tilespmem:v16+s14+$0x0], $0xffff;
	[tilespmem:s25+$0x18080] =	vst v12  }
0x278: {  	[tilespmem:s28+$0x15D80] =	vst v17;
	v12 =	vadd.s32 $0x4E20, v0;
	v18 =	vld.idx.msk [tilespmem:v19+s14+$0x0], $0xffff  }
0x279: {  	v17 =	vadd.s32 $0x1770, v4;
	v8 =	vld.idx.msk [tilespmem:v8+s14+$0x0], $0xffff;
	[tilespmem:s29+$0x19F00] =	vst v9  }
0x27a: {  	v13 =	vld.idx.msk [tilespmem:v13+s14+$0x0], $0xffff;
	[tilespmem:s26+$0x16000] =	vst v14;
	v9 =	vadd.s32 $0x61A8, v2  }
0x27b: {  	v14 =	vadd.s32 $0x2AF8, v3;
	v10 =	vld.idx.msk [tilespmem:v10+s14+$0x0], $0xffff;
	[tilespmem:s24+$0x17E80] =	vst v11  }
0x27c: {  	v15 =	vld.idx.msk [tilespmem:v15+s14+$0x0], $0xffff;
	v11 =	vadd.s32 $0x7530, v7;
	[tilespmem:s30+$0x13F80] =	vst v16  }
0x27d: {  	v16 =	vadd.s32 $0x3E80, v1;
	v12 =	vld.idx.msk [tilespmem:v12+s14+$0x0], $0xffff;
	[tilespmem:s31+$0x13E00] =	vst v18  }
0x27e: {  	v17 =	vld.idx.msk [tilespmem:v17+s14+$0x0], $0xffff;
	[tilespmem:s25+$0x19D00] =	vst v8;
	v8 =	vadd.s32 $0x5208, v0  }
0x27f: {  	[tilespmem:s28+$0x15E00] =	vst v13;
	v13 =	vadd.s32 $0x1B58, v4;
	v9 =	vld.idx.msk [tilespmem:v9+s14+$0x0], $0xffff  }
0x280: {  	v14 =	vld.idx.msk [tilespmem:v14+s14+$0x0], $0xffff;
	[tilespmem:s29+$0x19F80] =	vst v10;
	v10 =	vadd.s32 $0x6590, v2  }
0x281: {  	[tilespmem:s26+$0x16080] =	vst v15;
	v15 =	vadd.s32 $0x2EE0, v3;
	v11 =	vld.idx.msk [tilespmem:v11+s14+$0x0], $0xffff  }
0x282: {  	v19 =	vadd.s32 $0xBB8, v5;
	v16 =	vld.idx.msk [tilespmem:v16+s14+$0x0], $0xffff;
	[tilespmem:s24+$0x17F00] =	vst v12  }
0x283: {  	v7 =	vadd.s32 $0x7918, v7;
	[tilespmem:s30+$0x14000] =	vst v17;
	v8 =	vld.idx.msk [tilespmem:v8+s14+$0x0], $0xffff  }
0x284: {  	v17 =	vadd.s32 $0x4268, v1;
	v20 =	vld.idx.msk [tilespmem:v13+s14+$0x0], $0xffff;
	[tilespmem:s25+$0x19D80] =	vst v9  }
0x285: {  	[tilespmem:s28+$0x15E80] =	vst v14;
	v9 =	vadd.s32 $0x55F0, v0;
	v12 =	vld.idx.msk [tilespmem:v10+s14+$0x0], $0xffff  }
0x286: {  	v13 =	vld.idx.msk [tilespmem:v15+s14+$0x0], $0xffff;
	v15 =	vadd.s32 $0x1F40, v4;
	[tilespmem:s29+$0x1A000] =	vst v11  }
0x287: {  	v10 =	vadd.s32 $0x6978, v2;
	[tilespmem:s26+$0x17D00] =	vst v16;
	v16 =	vld.idx.msk [tilespmem:v19+s14+$0x0], $0xffff  }
0x288: {  	v14 =	vadd.s32 $0x32C8, v3;
	v11 =	vld.idx.msk [tilespmem:v7+s14+$0x0], $0xffff  }
0x289: {  	v7 =	vld.idx.msk [tilespmem:v17+s14+$0x0], $0xffff;
	[tilespmem:s24+$0x17F80] =	vst v8  }
0x28a: {  	s2 =	simm.s32 $0x80;
	[tilespmem:s30+$0x14080] =	vst v20;
	v8 =	vadd.s32 $0x4650, v1;
	v9 =	vld.idx.msk [tilespmem:v9+s14+$0x0], $0xffff  }
.LBB2_5:
0x28b: {  	s6 =	sand.u32 $0x380, s2;
	p2 =	sne.s32 s2, $0x3F0;
	v17 =	vadd.s32 $0xFA0, v5;
	v15 =	vld.idx.msk [tilespmem:v15+s14+$0x0], $0xffff;
	[tilespmem:s25+$0x19E00] =	vst v12  }
0x28c: {  	s5 =	sand.u32 $0x70, s2;
	v12 =	vadd.s32 $0x59D8, v0;
	s6 =	sadd.s32 s6, s23;
	[tilespmem:s28+$0x15F00] =	vst v13;
	v10 =	vld.idx.msk [tilespmem:v10+s14+$0x0], $0xffff  }
0x28d: {  	v13 =	vadd.s32 $0x2328, v4;
	s6 =	sadd.s32 s5, s6;
	v14 =	vld.idx.msk [tilespmem:v14+s14+$0x0], $0xffff;
	[tilespmem:s29+$0x1A080] =	vst v11;
	s29 =	smov.u32 s25;
	s25 =	smov.u32 s24  }
0x28e: {  	s24 =	smov.u32 s26;
	v11 =	vld [tilespmem:s6+$0x0];
	[tilespmem:s26+$0x17D80] =	vst v7;
	v7 =	vadd.s32 $0x6D60, v2;
	s26 =	smov.u32 s28;
	s28 =	smov.u32 s30  }
0x28f: {  	s30 =	smov.u32 s31;
	[tilespmem:s31+$0x13E80] =	vst v16;
	v16 =	vadd.s32 $0x36B0, v3;
	v8 =	vld.idx.msk [tilespmem:v8+s14+$0x0], $0xffff  }
0x290: {  	v17 =	vld.idx.msk [tilespmem:v17+s14+$0x0], $0xffff;
	[tilespmem:s25+$0x18000] =	vst v9  }
0x291: {  	v9 =	vadd.s32 $0x4A38, v1;
	[tilespmem:s28+$0x15D00] =	vst v15;
	v12 =	vld.idx.msk [tilespmem:v12+s14+$0x0], $0xffff  }
0x292: {  	v15 =	vadd.s32 $0x1388, v5;
	v13 =	vld.idx.msk [tilespmem:v13+s14+$0x0], $0xffff;
	[tilespmem:s29+$0x19E80] =	vst v10  }
0x293: {  	v10 =	vadd.s32 $0x5DC0, v0;
	[tilespmem:s26+$0x15F80] =	vst v14;
	v7 =	vld.idx.msk [tilespmem:v7+s14+$0x0], $0xffff  }
0x294: {  	v14 =	vadd.s32 $0x2710, v4;
	v16 =	vld.idx.msk [tilespmem:v16+s14+$0x0], $0xffff  }
0x295: {  	v18 =	vld.idx.msk [tilespmem:v6+s14+$0x0], $0xffff;
	[tilespmem:s24+$0x17E00] =	vst v8;
	v8 =	vadd.s32 $0x7148, v2  }
0x296: {  	[tilespmem:s30+$0x13F00] =	vst v17;
	v17 =	vadd.s32 $0x3A98, v3;
	v9 =	vld.idx.msk [tilespmem:v9+s14+$0x0], $0xffff  }
0x297: {  	v19 =	vadd.s32 $0x3E8, v6;
	v15 =	vld.idx.msk [tilespmem:v15+s14+$0x0], $0xffff;
	[tilespmem:s25+$0x18080] =	vst v12  }
0x298: {  	s1 =	sadd.s32 $0x80, s1;
	v12 =	vadd.s32 $0x4E20, v1;
	[tilespmem:s28+$0x15D80] =	vst v13;
	v10 =	vld.idx.msk [tilespmem:v10+s14+$0x0], $0xffff  }
0x299: {  	s6 =	sand.u32 $0x1C00, s1;
	v13 =	vadd.s32 $0x1770, v5;
	v14 =	vld.idx.msk [tilespmem:v14+s14+$0x0], $0xffff;
	[tilespmem:s29+$0x19F00] =	vst v7  }
0x29a: {  	s31 =	sor.u32 s0, s6;
	s0 =	smov.u32 s5;
	v7 =	vadd.s32 $0x61A8, v0;
	[tilespmem:s26+$0x16000] =	vst v16;
	v8 =	vld.idx.msk [tilespmem:v8+s14+$0x0], $0xffff  }
0x29b: {  	v16 =	vadd.s32 $0x2AF8, v4;
	[tilespmem:s31+$0x13D00] =	vst v18;
	v17 =	vld.idx.msk [tilespmem:v17+s14+$0x0], $0xffff  }
0x29c: {  	v18 =	vld.idx.msk [tilespmem:v19+s14+$0x0], $0xffff;
	[tilespmem:s24+$0x17E80] =	vst v9;
	v9 =	vadd.s32 $0x7530, v2  }
0x29d: {  	[tilespmem:s30+$0x13F80] =	vst v15;
	v15 =	vadd.s32 $0x3E80, v3;
	v12 =	vld.idx.msk [tilespmem:v12+s14+$0x0], $0xffff  }
0x29e: {  	v19 =	vadd.s32 $0x7D0, v6;
	v13 =	vld.idx.msk [tilespmem:v13+s14+$0x0], $0xffff;
	[tilespmem:s25+$0x19D00] =	vst v10  }
0x29f: {  	v10 =	vadd.s32 $0x5208, v1;
	[tilespmem:s28+$0x15E00] =	vst v14;
	v7 =	vld.idx.msk [tilespmem:v7+s14+$0x0], $0xffff  }
0x2a0: {  	v14 =	vadd.s32 $0x1B58, v5;
	v16 =	vld.idx.msk [tilespmem:v16+s14+$0x0], $0xffff;
	[tilespmem:s29+$0x19F80] =	vst v8  }
0x2a1: {  	v8 =	vadd.s32 $0x6590, v0;
	[tilespmem:s26+$0x16080] =	vst v17;
	v9 =	vld.idx.msk [tilespmem:v9+s14+$0x0], $0xffff  }
0x2a2: {  	v17 =	vadd.s32 $0x2EE0, v4;
	[tilespmem:s31+$0x13D80] =	vst v18;
	v18 =	vld.idx.msk [tilespmem:v15+s14+$0x0], $0xffff  }
0x2a3: {  	v20 =	vadd.s32 $0x7918, v2;
	v2 =	vmovc v0;
	v0 =	vmovc v1;
	v1 =	vmov v3;
	v3 =	vmov v4;
	v19 =	vld.idx.msk [tilespmem:v19+s14+$0x0], $0xffff;
	[tilespmem:s24+$0x17F00] =	vst v12  }
0x2a4: {  	v21 =	vadd.s32 $0x4268, v1;
	v4 =	vmovc v5;
	v5 =	vmov v6;
	v6 =	vmov v11;
	[tilespmem:s30+$0x14000] =	vst v13;
	v22 =	vld.idx.msk [tilespmem:v10+s14+$0x0], $0xffff  }
0x2a5: {  	v23 =	vadd.s32 $0xBB8, v5;
	v24 =	vld.idx.msk [tilespmem:v14+s14+$0x0], $0xffff;
	[tilespmem:s25+$0x19D80] =	vst v7  }
0x2a6: {  	v25 =	vadd.s32 $0x55F0, v0;
	[tilespmem:s28+$0x15E80] =	vst v16;
	v12 =	vld.idx.msk [tilespmem:v8+s14+$0x0], $0xffff  }
.Ltmp5:
0x2a7: {  	v15 =	vadd.s32 $0x1F40, v4;
	v13 =	vld.idx.msk [tilespmem:v17+s14+$0x0], $0xffff;
	[tilespmem:s29+$0x1A000] =	vst v9;
	(pc) =	sbr.rel @p2 .LBB2_5-.Ltmp5, $4  }
0x2a8: {  	v10 =	vadd.s32 $0x6978, v2;
	[tilespmem:s26+$0x17D00] =	vst v18;
	v11 =	vld.idx.msk [tilespmem:v20+s14+$0x0], $0xffff  }
0x2a9: {  	v14 =	vadd.s32 $0x32C8, v3;
	[tilespmem:s31+$0x13E00] =	vst v19;
	v7 =	vld.idx.msk [tilespmem:v21+s14+$0x0], $0xffff  }
0x2aa: {  	v16 =	vld.idx.msk [tilespmem:v23+s14+$0x0], $0xffff;
	[tilespmem:s24+$0x17F80] =	vst v22  }
0x2ab: {  	s2 =	sadd.s32 $0x10, s2;
	v8 =	vadd.s32 $0x4650, v1;
	[tilespmem:s30+$0x14080] =	vst v24;
	v9 =	vld.idx.msk [tilespmem:v25+s14+$0x0], $0xffff  }
0x2ac: {  	_ =	sdelay $0x3  }
0x2ad: {  	v17 =	vld.idx.msk [tilespmem:v6+s14+$0x0], $0xffff  }
0x2ae: {  	v18 =	vadd.s32 $0x3E8, v6  }
0x2af: {  	s1 =	sadd.s32 $0x80, s1  }
0x2b0: {  	s1 =	sand.u32 $0x1C00, s1  }
0x2b1: {  	s1 =	sor.u32 s0, s1  }
0x2b2: {  	[tilespmem:s1+$0x13D00] =	vst v17  }
0x2b3: {  	v17 =	vld.idx.msk [tilespmem:v18+s14+$0x0], $0xffff  }
0x2b4: {  	v50 =	vadd.s32 $0x7D0, v6;
	_ =	sdelay $0x3  }
0x2b5: {  	[tilespmem:s1+$0x13D80] =	vst v17  }
0x2b6: {  	v17 =	vld.idx.msk [tilespmem:v50+s14+$0x0], $0xffff  }
0x2b7: {  	v51 =	vadd.s32 $0xBB8, v6;
	_ =	sdelay $0x3  }
0x2b8: {  	[tilespmem:s1+$0x13E00] =	vst v17  }
0x2b9: {  	v52 =	vadd.s32 $0xFA0, v5;
	v18 =	vld.idx.msk [tilespmem:v51+s14+$0x0], $0xffff  }
0x2ba: {  	v19 =	vadd.s32 $0xFA0, v6;
	_ =	sdelay $0x2  }
0x2bb: {  	[tilespmem:s31+$0x13E80] =	vst v16  }
0x2bc: {  	v16 =	vld.idx.msk [tilespmem:v52+s14+$0x0], $0xffff;
	[tilespmem:s1+$0x13E80] =	vst v18  }
0x2bd: {  	v53 =	vadd.s32 $0x1388, v5;
	v18 =	vld.idx.msk [tilespmem:v19+s14+$0x0], $0xffff  }
0x2be: {  	v54 =	vadd.s32 $0x1388, v6;
	_ =	sdelay $0x2  }
0x2bf: {  	[tilespmem:s31+$0x13F00] =	vst v16  }
0x2c0: {  	v16 =	vld.idx.msk [tilespmem:v53+s14+$0x0], $0xffff;
	[tilespmem:s1+$0x13F00] =	vst v18  }
0x2c1: {  	v55 =	vadd.s32 $0x1770, v5;
	v18 =	vld.idx.msk [tilespmem:v54+s14+$0x0], $0xffff  }
0x2c2: {  	v56 =	vadd.s32 $0x1770, v6;
	_ =	sdelay $0x2  }
0x2c3: {  	[tilespmem:s31+$0x13F80] =	vst v16  }
0x2c4: {  	v16 =	vld.idx.msk [tilespmem:v55+s14+$0x0], $0xffff;
	[tilespmem:s1+$0x13F80] =	vst v18  }
0x2c5: {  	v57 =	vadd.s32 $0x1B58, v5;
	v18 =	vld.idx.msk [tilespmem:v56+s14+$0x0], $0xffff  }
0x2c6: {  	v58 =	vadd.s32 $0x1B58, v6;
	_ =	sdelay $0x2  }
0x2c7: {  	[tilespmem:s31+$0x14000] =	vst v16  }
0x2c8: {  	v16 =	vld.idx.msk [tilespmem:v57+s14+$0x0], $0xffff;
	[tilespmem:s1+$0x14000] =	vst v18  }
0x2c9: {  	v59 =	vadd.s32 $0x1F40, v5;
	v18 =	vld.idx.msk [tilespmem:v58+s14+$0x0], $0xffff  }
0x2ca: {  	v60 =	vadd.s32 $0x1F40, v6;
	_ =	sdelay $0x2  }
0x2cb: {  	v15 =	vld.idx.msk [tilespmem:v15+s14+$0x0], $0xffff;
	[tilespmem:s31+$0x14080] =	vst v16  }
0x2cc: {  	v61 =	vadd.s32 $0x2328, v4;
	v17 =	vld.idx.msk [tilespmem:v59+s14+$0x0], $0xffff;
	[tilespmem:s1+$0x14080] =	vst v18  }
0x2cd: {  	v62 =	vadd.s32 $0x2328, v5;
	v19 =	vld.idx.msk [tilespmem:v60+s14+$0x0], $0xffff  }
0x2ce: {  	v20 =	vadd.s32 $0x2328, v6;
	_ =	sdelay $0x1  }
0x2cf: {  	[tilespmem:s30+$0x15D00] =	vst v15  }
0x2d0: {  	v15 =	vld.idx.msk [tilespmem:v61+s14+$0x0], $0xffff;
	[tilespmem:s31+$0x15D00] =	vst v17  }
0x2d1: {  	v63 =	vadd.s32 $0x2710, v4;
	v17 =	vld.idx.msk [tilespmem:v62+s14+$0x0], $0xffff;
	[tilespmem:s1+$0x15D00] =	vst v19  }
0x2d2: {  	v24 =	vadd.s32 $0x2710, v5;
	v19 =	vld.idx.msk [tilespmem:v20+s14+$0x0], $0xffff  }
0x2d3: {  	v25 =	vadd.s32 $0x2710, v6;
	_ =	sdelay $0x1  }
0x2d4: {  	[tilespmem:s30+$0x15D80] =	vst v15  }
0x2d5: {  	v15 =	vld.idx.msk [tilespmem:v63+s14+$0x0], $0xffff;
	[tilespmem:s31+$0x15D80] =	vst v17  }
0x2d6: {  	v26 =	vadd.s32 $0x2AF8, v4;
	v17 =	vld.idx.msk [tilespmem:v24+s14+$0x0], $0xffff;
	[tilespmem:s1+$0x15D80] =	vst v19  }
0x2d7: {  	v27 =	vadd.s32 $0x2AF8, v5;
	v19 =	vld.idx.msk [tilespmem:v25+s14+$0x0], $0xffff  }
0x2d8: {  	v28 =	vadd.s32 $0x2AF8, v6;
	_ =	sdelay $0x1  }
0x2d9: {  	[tilespmem:s30+$0x15E00] =	vst v15  }
0x2da: {  	v15 =	vld.idx.msk [tilespmem:v26+s14+$0x0], $0xffff;
	[tilespmem:s31+$0x15E00] =	vst v17  }
0x2db: {  	v29 =	vadd.s32 $0x2EE0, v4;
	v17 =	vld.idx.msk [tilespmem:v27+s14+$0x0], $0xffff;
	[tilespmem:s1+$0x15E00] =	vst v19  }
0x2dc: {  	v30 =	vadd.s32 $0x2EE0, v5;
	v19 =	vld.idx.msk [tilespmem:v28+s14+$0x0], $0xffff  }
0x2dd: {  	v31 =	vadd.s32 $0x2EE0, v6;
	_ =	sdelay $0x1  }
0x2de: {  	[tilespmem:s30+$0x15E80] =	vst v15  }
0x2df: {  	v15 =	vld.idx.msk [tilespmem:v29+s14+$0x0], $0xffff;
	[tilespmem:s31+$0x15E80] =	vst v17  }
0x2e0: {  	v32 =	vadd.s32 $0x32C8, v4;
	v17 =	vld.idx.msk [tilespmem:v30+s14+$0x0], $0xffff;
	[tilespmem:s1+$0x15E80] =	vst v19  }
0x2e1: {  	v33 =	vadd.s32 $0x32C8, v5;
	v19 =	vld.idx.msk [tilespmem:v31+s14+$0x0], $0xffff  }
0x2e2: {  	v34 =	vadd.s32 $0x32C8, v6  }
0x2e3: {  	[tilespmem:s28+$0x15F00] =	vst v13  }
0x2e4: {  	v13 =	vld.idx.msk [tilespmem:v14+s14+$0x0], $0xffff;
	[tilespmem:s30+$0x15F00] =	vst v15  }
0x2e5: {  	v35 =	vadd.s32 $0x36B0, v3;
	v15 =	vld.idx.msk [tilespmem:v32+s14+$0x0], $0xffff;
	[tilespmem:s31+$0x15F00] =	vst v17  }
0x2e6: {  	v36 =	vadd.s32 $0x36B0, v4;
	v17 =	vld.idx.msk [tilespmem:v33+s14+$0x0], $0xffff;
	[tilespmem:s1+$0x15F00] =	vst v19  }
0x2e7: {  	v37 =	vadd.s32 $0x36B0, v5;
	v19 =	vld.idx.msk [tilespmem:v34+s14+$0x0], $0xffff  }
0x2e8: {  	v38 =	vadd.s32 $0x36B0, v6  }
0x2e9: {  	[tilespmem:s28+$0x15F80] =	vst v13  }
0x2ea: {  	v13 =	vld.idx.msk [tilespmem:v35+s14+$0x0], $0xffff;
	[tilespmem:s30+$0x15F80] =	vst v15  }
0x2eb: {  	v39 =	vadd.s32 $0x3A98, v3;
	v15 =	vld.idx.msk [tilespmem:v36+s14+$0x0], $0xffff;
	[tilespmem:s31+$0x15F80] =	vst v17  }
0x2ec: {  	v40 =	vadd.s32 $0x3A98, v4;
	v17 =	vld.idx.msk [tilespmem:v37+s14+$0x0], $0xffff;
	[tilespmem:s1+$0x15F80] =	vst v19  }
0x2ed: {  	v41 =	vadd.s32 $0x3A98, v5;
	v19 =	vld.idx.msk [tilespmem:v38+s14+$0x0], $0xffff  }
0x2ee: {  	v42 =	vadd.s32 $0x3A98, v6  }
0x2ef: {  	[tilespmem:s28+$0x16000] =	vst v13  }
0x2f0: {  	v13 =	vld.idx.msk [tilespmem:v39+s14+$0x0], $0xffff;
	[tilespmem:s30+$0x16000] =	vst v15  }
0x2f1: {  	v43 =	vadd.s32 $0x3E80, v3;
	v15 =	vld.idx.msk [tilespmem:v40+s14+$0x0], $0xffff;
	[tilespmem:s31+$0x16000] =	vst v17  }
0x2f2: {  	v44 =	vadd.s32 $0x3E80, v4;
	v17 =	vld.idx.msk [tilespmem:v41+s14+$0x0], $0xffff;
	[tilespmem:s1+$0x16000] =	vst v19  }
0x2f3: {  	v45 =	vadd.s32 $0x3E80, v5;
	v19 =	vld.idx.msk [tilespmem:v42+s14+$0x0], $0xffff  }
0x2f4: {  	v46 =	vadd.s32 $0x3E80, v6  }
0x2f5: {  	[tilespmem:s28+$0x16080] =	vst v13  }
0x2f6: {  	v13 =	vld.idx.msk [tilespmem:v43+s14+$0x0], $0xffff;
	[tilespmem:s30+$0x16080] =	vst v15  }
0x2f7: {  	v47 =	vadd.s32 $0x4268, v3;
	v15 =	vld.idx.msk [tilespmem:v44+s14+$0x0], $0xffff;
	[tilespmem:s31+$0x16080] =	vst v17  }
0x2f8: {  	v48 =	vadd.s32 $0x4268, v4;
	v17 =	vld.idx.msk [tilespmem:v45+s14+$0x0], $0xffff;
	[tilespmem:s1+$0x16080] =	vst v19  }
0x2f9: {  	[tilespmem:s25+$0x19E00] =	vst v12;
	v49 =	vadd.s32 $0x4268, v5;
	v50 =	vld.idx.msk [tilespmem:v46+s14+$0x0], $0xffff  }
0x2fa: {  	[tilespmem:s29+$0x1A080] =	vst v11;
	v51 =	vadd.s32 $0x4268, v6  }
0x2fb: {  	[tilespmem:s28+$0x17D00] =	vst v13  }
0x2fc: {  	v13 =	vld.idx.msk [tilespmem:v47+s14+$0x0], $0xffff;
	[tilespmem:s30+$0x17D00] =	vst v15  }
0x2fd: {  	v52 =	vadd.s32 $0x4650, v3;
	v15 =	vld.idx.msk [tilespmem:v48+s14+$0x0], $0xffff;
	[tilespmem:s31+$0x17D00] =	vst v17  }
0x2fe: {  	v53 =	vadd.s32 $0x4650, v4;
	v12 =	vld.idx.msk [tilespmem:v49+s14+$0x0], $0xffff;
	[tilespmem:s1+$0x17D00] =	vst v50  }
0x2ff: {  	[tilespmem:s26+$0x17D80] =	vst v7;
	v54 =	vadd.s32 $0x4650, v5;
	v11 =	vld.idx.msk [tilespmem:v51+s14+$0x0], $0xffff  }
0x300: {  	v8 =	vld.idx.msk [tilespmem:v8+s14+$0x0], $0xffff;
	[tilespmem:s24+$0x18000] =	vst v9;
	v55 =	vadd.s32 $0x4650, v6  }
0x301: {  	v10 =	vld.idx.msk [tilespmem:v10+s14+$0x0], $0xffff;
	v57 =	vadd.s32 $0x4A38, v1;
	[tilespmem:s28+$0x17D80] =	vst v13  }
0x302: {  	v14 =	vld.idx.msk [tilespmem:v52+s14+$0x0], $0xffff;
	v56 =	vadd.s32 $0x59D8, v0;
	[tilespmem:s30+$0x17D80] =	vst v15  }
0x303: {  	v58 =	vadd.s32 $0x4A38, v3;
	v16 =	vld.idx.msk [tilespmem:v53+s14+$0x0], $0xffff;
	[tilespmem:s31+$0x17D80] =	vst v12  }
0x304: {  	v59 =	vadd.s32 $0x4A38, v4;
	v7 =	vld.idx.msk [tilespmem:v54+s14+$0x0], $0xffff;
	[tilespmem:s1+$0x17D80] =	vst v11  }
0x305: {  	[tilespmem:s26+$0x17E00] =	vst v8;
	v60 =	vadd.s32 $0x4A38, v5;
	v9 =	vld.idx.msk [tilespmem:v55+s14+$0x0], $0xffff  }
0x306: {  	[tilespmem:s25+$0x19E80] =	vst v10;
	v13 =	vld.idx.msk [tilespmem:v57+s14+$0x0], $0xffff;
	v62 =	vadd.s32 $0x4A38, v6  }
0x307: {  	[tilespmem:s28+$0x17E00] =	vst v14;
	v61 =	vld.idx.msk [tilespmem:v56+s14+$0x0], $0xffff;
	v20 =	vadd.s32 $0x4E20, v1  }
0x308: {  	v63 =	vadd.s32 $0x6D60, v2;
	v15 =	vld.idx.msk [tilespmem:v58+s14+$0x0], $0xffff;
	[tilespmem:s30+$0x17E00] =	vst v16  }
0x309: {  	v21 =	vadd.s32 $0x4E20, v3;
	v12 =	vld.idx.msk [tilespmem:v59+s14+$0x0], $0xffff;
	[tilespmem:s31+$0x17E00] =	vst v7  }
0x30a: {  	v22 =	vadd.s32 $0x4E20, v4;
	v10 =	vld.idx.msk [tilespmem:v60+s14+$0x0], $0xffff;
	[tilespmem:s1+$0x17E00] =	vst v9  }
0x30b: {  	v23 =	vadd.s32 $0x4E20, v5;
	[tilespmem:s26+$0x17E80] =	vst v13;
	v8 =	vld.idx.msk [tilespmem:v62+s14+$0x0], $0xffff  }
0x30c: {  	[tilespmem:s24+$0x18080] =	vst v61;
	v14 =	vld.idx.msk [tilespmem:v20+s14+$0x0], $0xffff;
	v25 =	vadd.s32 $0x4E20, v6  }
0x30d: {  	v24 =	vld.idx.msk [tilespmem:v63+s14+$0x0], $0xffff;
	v27 =	vadd.s32 $0x5208, v1;
	[tilespmem:s28+$0x17E80] =	vst v15  }
0x30e: {  	v26 =	vadd.s32 $0x5DC0, v0;
	v16 =	vld.idx.msk [tilespmem:v21+s14+$0x0], $0xffff;
	[tilespmem:s30+$0x17E80] =	vst v12  }
0x30f: {  	v28 =	vadd.s32 $0x5208, v3;
	v7 =	vld.idx.msk [tilespmem:v22+s14+$0x0], $0xffff;
	[tilespmem:s31+$0x17E80] =	vst v10  }
0x310: {  	v29 =	vadd.s32 $0x5208, v4;
	v9 =	vld.idx.msk [tilespmem:v23+s14+$0x0], $0xffff;
	[tilespmem:s1+$0x17E80] =	vst v8  }
0x311: {  	v30 =	vadd.s32 $0x5208, v5;
	[tilespmem:s26+$0x17F00] =	vst v14;
	v31 =	vld.idx.msk [tilespmem:v25+s14+$0x0], $0xffff  }
0x312: {  	[tilespmem:s25+$0x19F00] =	vst v24;
	v33 =	vadd.s32 $0x5208, v6;
	v15 =	vld.idx.msk [tilespmem:v27+s14+$0x0], $0xffff  }
0x313: {  	v35 =	vadd.s32 $0x55F0, v1;
	v32 =	vld.idx.msk [tilespmem:v26+s14+$0x0], $0xffff;
	[tilespmem:s28+$0x17F00] =	vst v16  }
0x314: {  	v34 =	vadd.s32 $0x7148, v2;
	v12 =	vld.idx.msk [tilespmem:v28+s14+$0x0], $0xffff;
	[tilespmem:s30+$0x17F00] =	vst v7  }
0x315: {  	v36 =	vadd.s32 $0x55F0, v3;
	v10 =	vld.idx.msk [tilespmem:v29+s14+$0x0], $0xffff;
	[tilespmem:s31+$0x17F00] =	vst v9  }
0x316: {  	v37 =	vadd.s32 $0x55F0, v4;
	v8 =	vld.idx.msk [tilespmem:v30+s14+$0x0], $0xffff;
	[tilespmem:s1+$0x17F00] =	vst v31  }
0x317: {  	[tilespmem:s26+$0x17F80] =	vst v15;
	v38 =	vadd.s32 $0x55F0, v5;
	v39 =	vld.idx.msk [tilespmem:v33+s14+$0x0], $0xffff  }
0x318: {  	[tilespmem:s24+$0x19D00] =	vst v32;
	v41 =	vadd.s32 $0x55F0, v6;
	v16 =	vld.idx.msk [tilespmem:v35+s14+$0x0], $0xffff  }
0x319: {  	v40 =	vld.idx.msk [tilespmem:v34+s14+$0x0], $0xffff;
	v42 =	vadd.s32 $0x61A8, v0;
	[tilespmem:s28+$0x17F80] =	vst v12  }
0x31a: {  	v43 =	vadd.s32 $0x59D8, v1;
	v7 =	vld.idx.msk [tilespmem:v36+s14+$0x0], $0xffff;
	[tilespmem:s30+$0x17F80] =	vst v10  }
0x31b: {  	v44 =	vadd.s32 $0x59D8, v3;
	v9 =	vld.idx.msk [tilespmem:v37+s14+$0x0], $0xffff;
	[tilespmem:s31+$0x17F80] =	vst v8  }
0x31c: {  	v45 =	vadd.s32 $0x59D8, v4;
	v11 =	vld.idx.msk [tilespmem:v38+s14+$0x0], $0xffff;
	[tilespmem:s1+$0x17F80] =	vst v39  }
0x31d: {  	[tilespmem:s26+$0x18000] =	vst v16;
	v46 =	vadd.s32 $0x59D8, v5;
	v47 =	vld.idx.msk [tilespmem:v41+s14+$0x0], $0xffff  }
0x31e: {  	v49 =	vadd.s32 $0x59D8, v6;
	[tilespmem:s25+$0x19F80] =	vst v40;
	v48 =	vld.idx.msk [tilespmem:v42+s14+$0x0], $0xffff  }
0x31f: {  	v58 =	vadd.s32 $0x6590, v0;
	v12 =	vld.idx.msk [tilespmem:v43+s14+$0x0], $0xffff;
	[tilespmem:s28+$0x18000] =	vst v7  }
0x320: {  	v51 =	vadd.s32 $0x5DC0, v1;
	v10 =	vld.idx.msk [tilespmem:v44+s14+$0x0], $0xffff;
	[tilespmem:s30+$0x18000] =	vst v9  }
0x321: {  	v52 =	vadd.s32 $0x5DC0, v3;
	v8 =	vld.idx.msk [tilespmem:v45+s14+$0x0], $0xffff;
	[tilespmem:s31+$0x18000] =	vst v11  }
0x322: {  	v53 =	vadd.s32 $0x5DC0, v4;
	v13 =	vld.idx.msk [tilespmem:v46+s14+$0x0], $0xffff;
	[tilespmem:s1+$0x18000] =	vst v47  }
0x323: {  	v54 =	vadd.s32 $0x5DC0, v5;
	[tilespmem:s24+$0x19D80] =	vst v48;
	v55 =	vld.idx.msk [tilespmem:v49+s14+$0x0], $0xffff  }
0x324: {  	v57 =	vadd.s32 $0x5DC0, v6;
	v63 =	vld.idx.msk [tilespmem:v58+s14+$0x0], $0xffff;
	[tilespmem:s26+$0x18080] =	vst v12  }
0x325: {  	v50 =	vadd.s32 $0x7530, v2;
	v7 =	vld.idx.msk [tilespmem:v51+s14+$0x0], $0xffff;
	[tilespmem:s28+$0x18080] =	vst v10  }
0x326: {  	v59 =	vadd.s32 $0x61A8, v1;
	v9 =	vld.idx.msk [tilespmem:v52+s14+$0x0], $0xffff;
	[tilespmem:s30+$0x18080] =	vst v8  }
0x327: {  	v60 =	vadd.s32 $0x61A8, v3;
	v11 =	vld.idx.msk [tilespmem:v53+s14+$0x0], $0xffff;
	[tilespmem:s31+$0x18080] =	vst v13  }
0x328: {  	v61 =	vadd.s32 $0x61A8, v4;
	v14 =	vld.idx.msk [tilespmem:v54+s14+$0x0], $0xffff;
	[tilespmem:s1+$0x18080] =	vst v55  }
0x329: {  	[tilespmem:s24+$0x19E00] =	vst v63;
	v62 =	vadd.s32 $0x61A8, v5;
	v12 =	vld.idx.msk [tilespmem:v57+s14+$0x0], $0xffff  }
0x32a: {  	v19 =	vadd.s32 $0x61A8, v6;
	v56 =	vld.idx.msk [tilespmem:v50+s14+$0x0], $0xffff;
	[tilespmem:s26+$0x19D00] =	vst v7  }
0x32b: {  	v20 =	vadd.s32 $0x7918, v2;
	v10 =	vld.idx.msk [tilespmem:v59+s14+$0x0], $0xffff;
	[tilespmem:s28+$0x19D00] =	vst v9  }
0x32c: {  	v21 =	vadd.s32 $0x6590, v1;
	v8 =	vld.idx.msk [tilespmem:v60+s14+$0x0], $0xffff;
	[tilespmem:s30+$0x19D00] =	vst v11  }
0x32d: {  	v22 =	vadd.s32 $0x6590, v3;
	v13 =	vld.idx.msk [tilespmem:v61+s14+$0x0], $0xffff;
	[tilespmem:s31+$0x19D00] =	vst v14  }
0x32e: {  	v23 =	vadd.s32 $0x6590, v4;
	v15 =	vld.idx.msk [tilespmem:v62+s14+$0x0], $0xffff;
	[tilespmem:s1+$0x19D00] =	vst v12  }
0x32f: {  	v24 =	vadd.s32 $0x6590, v5;
	[tilespmem:s25+$0x1A000] =	vst v56;
	v7 =	vld.idx.msk [tilespmem:v19+s14+$0x0], $0xffff  }
0x330: {  	v2 =	vld.idx.msk [tilespmem:v20+s14+$0x0], $0xffff;
	[tilespmem:s26+$0x19D80] =	vst v10;
	v25 =	vadd.s32 $0x6590, v6  }
0x331: {  	v26 =	vadd.s32 $0x6978, v0;
	v9 =	vld.idx.msk [tilespmem:v21+s14+$0x0], $0xffff;
	[tilespmem:s28+$0x19D80] =	vst v8  }
0x332: {  	v27 =	vadd.s32 $0x6978, v1;
	v11 =	vld.idx.msk [tilespmem:v22+s14+$0x0], $0xffff;
	[tilespmem:s30+$0x19D80] =	vst v13  }
0x333: {  	v28 =	vadd.s32 $0x6978, v3;
	v14 =	vld.idx.msk [tilespmem:v23+s14+$0x0], $0xffff;
	[tilespmem:s31+$0x19D80] =	vst v15  }
0x334: {  	v29 =	vadd.s32 $0x6978, v4;
	v12 =	vld.idx.msk [tilespmem:v24+s14+$0x0], $0xffff;
	[tilespmem:s1+$0x19D80] =	vst v7  }
0x335: {  	[tilespmem:s25+$0x1A080] =	vst v2;
	v30 =	vadd.s32 $0x6978, v5;
	v7 =	vld.idx.msk [tilespmem:v25+s14+$0x0], $0xffff  }
0x336: {  	v32 =	vadd.s32 $0x6978, v6;
	v31 =	vld.idx.msk [tilespmem:v26+s14+$0x0], $0xffff;
	[tilespmem:s26+$0x19E00] =	vst v9  }
0x337: {  	v33 =	vadd.s32 $0x6D60, v0;
	v8 =	vld.idx.msk [tilespmem:v27+s14+$0x0], $0xffff;
	[tilespmem:s28+$0x19E00] =	vst v11  }
0x338: {  	v34 =	vadd.s32 $0x6D60, v1;
	v13 =	vld.idx.msk [tilespmem:v28+s14+$0x0], $0xffff;
	[tilespmem:s30+$0x19E00] =	vst v14  }
0x339: {  	v35 =	vadd.s32 $0x6D60, v3;
	v15 =	vld.idx.msk [tilespmem:v29+s14+$0x0], $0xffff;
	[tilespmem:s31+$0x19E00] =	vst v12  }
0x33a: {  	v36 =	vadd.s32 $0x6D60, v4;
	v2 =	vld.idx.msk [tilespmem:v30+s14+$0x0], $0xffff;
	[tilespmem:s1+$0x19E00] =	vst v7  }
0x33b: {  	v37 =	vadd.s32 $0x6D60, v5;
	[tilespmem:s24+$0x19E80] =	vst v31;
	v9 =	vld.idx.msk [tilespmem:v32+s14+$0x0], $0xffff  }
0x33c: {  	v38 =	vadd.s32 $0x6D60, v6;
	v10 =	vld.idx.msk [tilespmem:v33+s14+$0x0], $0xffff;
	[tilespmem:s26+$0x19E80] =	vst v8  }
0x33d: {  	v39 =	vadd.s32 $0x7148, v0;
	v11 =	vld.idx.msk [tilespmem:v34+s14+$0x0], $0xffff;
	[tilespmem:s28+$0x19E80] =	vst v13  }
0x33e: {  	v40 =	vadd.s32 $0x7148, v1;
	v14 =	vld.idx.msk [tilespmem:v35+s14+$0x0], $0xffff;
	[tilespmem:s30+$0x19E80] =	vst v15  }
0x33f: {  	v41 =	vadd.s32 $0x7148, v3;
	v12 =	vld.idx.msk [tilespmem:v36+s14+$0x0], $0xffff;
	[tilespmem:s31+$0x19E80] =	vst v2  }
0x340: {  	v42 =	vadd.s32 $0x7148, v4;
	v7 =	vld.idx.msk [tilespmem:v37+s14+$0x0], $0xffff;
	[tilespmem:s1+$0x19E80] =	vst v9  }
0x341: {  	v43 =	vadd.s32 $0x7148, v5;
	[tilespmem:s24+$0x19F00] =	vst v10;
	v8 =	vld.idx.msk [tilespmem:v38+s14+$0x0], $0xffff  }
0x342: {  	v44 =	vadd.s32 $0x7148, v6;
	v10 =	vld.idx.msk [tilespmem:v39+s14+$0x0], $0xffff;
	[tilespmem:s26+$0x19F00] =	vst v11  }
0x343: {  	v45 =	vadd.s32 $0x7530, v0;
	v13 =	vld.idx.msk [tilespmem:v40+s14+$0x0], $0xffff;
	[tilespmem:s28+$0x19F00] =	vst v14  }
0x344: {  	v46 =	vadd.s32 $0x7530, v1;
	v15 =	vld.idx.msk [tilespmem:v41+s14+$0x0], $0xffff;
	[tilespmem:s30+$0x19F00] =	vst v12  }
0x345: {  	v47 =	vadd.s32 $0x7530, v3;
	v2 =	vld.idx.msk [tilespmem:v42+s14+$0x0], $0xffff;
	[tilespmem:s31+$0x19F00] =	vst v7  }
0x346: {  	v48 =	vadd.s32 $0x7530, v4;
	v9 =	vld.idx.msk [tilespmem:v43+s14+$0x0], $0xffff;
	[tilespmem:s1+$0x19F00] =	vst v8  }
0x347: {  	v49 =	vadd.s32 $0x7530, v5;
	[tilespmem:s24+$0x19F80] =	vst v10;
	v50 =	vld.idx.msk [tilespmem:v44+s14+$0x0], $0xffff  }
0x348: {  	v52 =	vadd.s32 $0x7530, v6;
	v51 =	vld.idx.msk [tilespmem:v45+s14+$0x0], $0xffff;
	[tilespmem:s26+$0x19F80] =	vst v13  }
0x349: {  	v53 =	vadd.s32 $0x7918, v0;
	v14 =	vld.idx.msk [tilespmem:v46+s14+$0x0], $0xffff;
	[tilespmem:s28+$0x19F80] =	vst v15  }
0x34a: {  	v54 =	vadd.s32 $0x7918, v1;
	v12 =	vld.idx.msk [tilespmem:v47+s14+$0x0], $0xffff;
	[tilespmem:s30+$0x19F80] =	vst v2  }
0x34b: {  	v55 =	vadd.s32 $0x7918, v3;
	v56 =	vld.idx.msk [tilespmem:v48+s14+$0x0], $0xffff;
	[tilespmem:s31+$0x19F80] =	vst v9  }
0x34c: {  	v57 =	vadd.s32 $0x7918, v4;
	v58 =	vld.idx.msk [tilespmem:v49+s14+$0x0], $0xffff;
	[tilespmem:s1+$0x19F80] =	vst v50  }
0x34d: {  	v59 =	vadd.s32 $0x7918, v5;
	[tilespmem:s24+$0x1A000] =	vst v51;
	v60 =	vld.idx.msk [tilespmem:v52+s14+$0x0], $0xffff  }
0x34e: {  	v61 =	vadd.s32 $0x7918, v6;
	v0 =	vld.idx.msk [tilespmem:v53+s14+$0x0], $0xffff;
	[tilespmem:s26+$0x1A000] =	vst v14  }
0x34f: {  	v1 =	vld.idx.msk [tilespmem:v54+s14+$0x0], $0xffff;
	[tilespmem:s28+$0x1A000] =	vst v12  }
0x350: {  	v2 =	vld.idx.msk [tilespmem:v55+s14+$0x0], $0xffff;
	[tilespmem:s30+$0x1A000] =	vst v56  }
0x351: {  	v3 =	vld.idx.msk [tilespmem:v57+s14+$0x0], $0xffff;
	[tilespmem:s31+$0x1A000] =	vst v58  }
0x352: {  	v62 =	vld.idx.msk [tilespmem:v59+s14+$0x0], $0xffff;
	[tilespmem:s1+$0x1A000] =	vst v60  }
0x353: {  	[tilespmem:s24+$0x1A080] =	vst v0;
	v63 =	vld.idx.msk [tilespmem:v61+s14+$0x0], $0xffff  }
.Ltmp6:
0x354: {  	[tilespmem:s26+$0x1A080] =	vst v1;
	(pc) =	sbr.rel @p1 .LBB2_9-.Ltmp6, $4  }
0x355: {  	[tilespmem:s28+$0x1A080] =	vst v2  }
0x356: {  	[tilespmem:s30+$0x1A080] =	vst v3  }
0x357: {  	[tilespmem:s31+$0x1A080] =	vst v62  }
0x358: {  	s21 =	sadd.s32 $0x1, s21;
	[tilespmem:s1+$0x1A080] =	vst v63  }
0x359: {  	p2 =	seq.s32 s21, $0x8  }
.Ltmp7:
0x35a: {  	_ = 	snop;
	(pc) =	sbr.rel @!p2 .LBB2_2-.Ltmp7, $3  }
0x35b: {  	_ =	sdelay $0x1  }
0x35c: {  	s0 =	sadd.s32 s22, s11  }
0x35d: {  	[hbm4b:s0+s3] =	stream.linear.scatter [tilespmem:s15], [sflag:$0x2], $0x2000, $0x38;
	[tilespmem:$0x1BD00] =	vst v63  }
0x35e: {  	_ =	swait.ge [sflag:s16], $0x2000  }
.Ltmp8:
0x35f: {  	[sflag:s16] =	ssyncset.done $0x0;
	(pc) =	sbr.rel .LBB2_11-.Ltmp8, $4  }
0x360: {  	[sflag:s16] =	ssyncadd.s32 $0xFFFFE000  }
0x361: {  	_ =	swait.ge [sflag:s17], $0x2000  }
0x362: {  	[sflag:s17] =	ssyncset.done $0x0  }
0x363: {  	[sflag:s17] =	ssyncadd.s32 $0xFFFFE000  }
.LBB2_12:
0x364: {  	_ =	sfence.sel $0x180000  }
0x365: {  	[bflag:$0x0] =	sbarrier.arrive $0xFFFF  }
0x366: {  	_ =	strace $0x90000047  }
0x367: {  	s0 =	stileid.u32;
	[bflag:$0x2] =	sbarrier.arrive $0xFFFF  }
0x368: {  	p0 =	sne.s32 s0, $0x0;
	s0 =	rddreg [dreg:$0x3]  }
0x369: {  	s0 =	sadd.s32 @!p0 $0x100000, s0  }
0x36a: {  	[sflag:s0] =	ssyncadd.tile.s32 @!p0 $0x1;
	_ =	shalt  }
.Lfunc_end2:
_tile_overlayer_lowered:
.L_overlay_start_2:
0x36b: {  	(tag) =	ssettag $0x2  }
0x36c: {  	s0 =	rddreg [dreg:$0x0];
	s2 =	stileid.u32  }
0x36d: {  	s1 =	rddreg [dreg:$0x1];
	p0 =	sne.s32 s2, $0x0  }
0x36e: {  	s3 =	rddreg [dreg:$0x2];
	[bflag:$0x3] =	sbarrier.arrive $0xFFFF;
	s2 =	simm.s32 @!p0 $0x1C03  }
0x36f: {  	[timem:s3], [sflag:s2] =	dma.local @!p0 [hbm:s0], s1  }
0x370: {  	s0 =	simm.s32 @!p0 $0x3  }
0x371: {  	_ =	swait.ge @!p0 [sflag:s0], s1  }
0x372: {  	s1 =	ssub.s32 @!p0 $0x0, s1;
	[sflag:s0] =	ssyncset.done @!p0 $0x0  }
0x373: {  	[sflag:s0] =	ssyncadd.s32 @!p0 s1  }
0x374: {  	[bflag:$0x3] =	sbarrier.arrive $0xFFFF  }
0x375: {  	_ =	shalt  }

</sc_bundles>
